<compile_context>
chip_gen: v7x
topology: tpu7x:2x2x1
jax: 0.10.2.dev20260603
libtpu: 0.0.44.dev20260713+nightly
codegen_flags: <defaults>
</compile_context>

<pallas_src>
import functools

import jax
import jax.numpy as jnp
from jax import lax
from jax.experimental import pallas as pl
from jax.experimental.pallas import tpu as pltpu
from jax.experimental.pallas import tpu_sc as plsc

N = 10000
E = 320000
D_IN = 128
D_H1 = 128
D_H2 = 64

NC = 2
NS = 16
NW = NC * NS
CH = 128
NCHW = 80
HCH = 40
HF = 64
NBUF = 2 * (CH // HF)
EP = NW * NCHW * CH
ROWS2D = EP // CH
NPAD = 10240
PER_TILE = NPAD // NS
N_SINK = 64

_MESH = dict(core_axis_name="c", subcore_axis_name="s", num_cores=NC,
             num_subcores=NS)


@functools.partial(
    pl.kernel,
    out_type=jax.ShapeDtypeStruct((NC, NPAD), jnp.float32),
    mesh=plsc.VectorSubcoreMesh(**_MESH),
    scratch_types=[
        pltpu.VMEM((NCHW, CH), jnp.int32),
        pltpu.VMEM((CH,), jnp.float32),
        pltpu.VMEM_SHARED((NPAD,), jnp.float32),
    ],
)
def _sc_degree(ei_hbm, ones_hbm, zv_hbm, out_hbm, idx_v, ones_v, dacc):
    c = lax.axis_index("c")
    s = lax.axis_index("s")
    wid = s * NC + c
    base = s * PER_TILE
    pltpu.sync_copy(zv_hbm, dacc.at[pl.ds(base, PER_TILE)])
    pltpu.sync_copy(ei_hbm.at[1, pl.ds(wid * NCHW, NCHW)], idx_v)
    pltpu.sync_copy(ones_hbm, ones_v)
    plsc.subcore_barrier()

    def body(j, carry):
        pltpu.sync_copy(ones_v, dacc.at[idx_v.at[j]], add=True)
        return carry

    lax.fori_loop(0, NCHW, body, 0)
    plsc.subcore_barrier()
    pltpu.sync_copy(dacc.at[pl.ds(base, PER_TILE)],
                    out_hbm.at[c, pl.ds(base, PER_TILE)])


def _make_scatter(D):
    @functools.partial(
        pl.kernel,
        out_type=jax.ShapeDtypeStruct((NC, NPAD, D), jnp.float32),
        mesh=plsc.VectorSubcoreMesh(**_MESH),
        scratch_types=(
            [pltpu.VMEM((HCH, CH), jnp.int32),
             pltpu.VMEM((HCH, CH), jnp.int32)]
            + [pltpu.VMEM((HF, D), jnp.float32)] * NBUF
            + [pltpu.VMEM_SHARED((NPAD, D), jnp.float32)]
            + [pltpu.SemaphoreType.DMA] * NBUF
        ),
    )
    def _scat(tab_hbm, ei_hbm, z_hbm, out_hbm, src_v, dst_v, *rest):
        rbufs = rest[:NBUF]
        acc = rest[NBUF]
        gsems = rest[NBUF + 1:]
        c = lax.axis_index("c")
        s = lax.axis_index("s")
        wid = s * NC + c
        base = s * PER_TILE
        for k in range(PER_TILE // CH):
            pltpu.sync_copy(z_hbm, acc.at[pl.ds(base + k * CH, CH)])

        nsub = CH // HF
        qmax = HCH * nsub

        def sidx(v, q_static_i, b):
            return v.at[2 * q_static_i + b // nsub,
                        pl.ds((b % nsub) * HF, HF)]

        def body(i, carry):
            for b in range(NBUF):
                pltpu.make_async_copy(tab_hbm.at[sidx(src_v, i, b)],
                                      rbufs[b], gsems[b]).wait()
                pltpu.sync_copy(rbufs[b], acc.at[sidx(dst_v, i, b)],
                                add=True)

                @pl.when(i + 1 < HCH // 2)
                def _():
                    pltpu.async_copy(tab_hbm.at[sidx(src_v, i + 1, b)],
                                     rbufs[b], gsems[b])
            return carry

        for h in range(NCHW // HCH):
            hb = wid * NCHW + h * HCH
            pltpu.sync_copy(ei_hbm.at[0, pl.ds(hb, HCH)], src_v)
            pltpu.sync_copy(ei_hbm.at[1, pl.ds(hb, HCH)], dst_v)
            for b in range(NBUF):
                pltpu.async_copy(tab_hbm.at[sidx(src_v, 0, b)], rbufs[b],
                                 gsems[b])
            if h == 0:
                plsc.subcore_barrier()
            lax.fori_loop(0, HCH // 2, body, 0)
        plsc.subcore_barrier()
        for k in range(PER_TILE // CH):
            sl = pl.ds(base + k * CH, CH)
            pltpu.sync_copy(acc.at[sl], out_hbm.at[c, sl])

    return _scat


_sc_scatter1 = _make_scatter(D_H1)


NB = 2048
_GRID = NPAD // NB

_full = lambda shp: pl.BlockSpec(shp, lambda i: (0,) * len(shp))


def _tc1a_body(x_ref, w_ref, h_ref):
    h_ref[...] = jnp.dot(x_ref[...], w_ref[...],
                         preferred_element_type=jnp.float32)


_tc1a = pl.pallas_call(
    _tc1a_body,
    grid=(_GRID,),
    in_specs=[
        pl.BlockSpec((NB, D_IN), lambda i: (i, 0)),
        _full((D_IN, D_H1)),
    ],
    out_specs=pl.BlockSpec((NB, D_H1), lambda i: (i, 0)),
    out_shape=jax.ShapeDtypeStruct((N, D_H1), jnp.float32),
)


def _tc1b_body(h_ref, degp_ref, dinv_ref, hh_ref):
    i = pl.program_id(0)
    deg = (degp_ref[0, pl.ds(i * NB, NB)] + degp_ref[1, pl.ds(i * NB, NB)]
           + 1.0)
    dinv = lax.rsqrt(deg)[:, None]
    dinv_ref[...] = dinv
    hh_ref[...] = h_ref[...] * dinv


_tc1b = pl.pallas_call(
    _tc1b_body,
    grid=(_GRID,),
    in_specs=[
        pl.BlockSpec((NB, D_H1), lambda i: (i, 0)),
        _full((NC, NPAD)),
    ],
    out_specs=(
        pl.BlockSpec((NB, 1), lambda i: (i, 0)),
        pl.BlockSpec((NB, D_H1), lambda i: (i, 0)),
    ),
    out_shape=(
        jax.ShapeDtypeStruct((N, 1), jnp.float32),
        jax.ShapeDtypeStruct((N, D_H1), jnp.float32),
    ),
)


def _tc2_body(acc_ref, hh1_ref, dinv_ref, b1_ref, w2_ref, hh2_ref):
    s = acc_ref[0] + acc_ref[1] + hh1_ref[...]
    o1 = jnp.maximum(dinv_ref[...] * s + b1_ref[...], 0.0)
    h2 = jnp.dot(o1, w2_ref[...], preferred_element_type=jnp.float32)
    hh2_ref[...] = h2 * dinv_ref[...]


_tc2 = pl.pallas_call(
    _tc2_body,
    grid=(_GRID,),
    in_specs=[
        pl.BlockSpec((NC, NB, D_H1), lambda i: (0, i, 0)),
        pl.BlockSpec((NB, D_H1), lambda i: (i, 0)),
        pl.BlockSpec((NB, 1), lambda i: (i, 0)),
        _full((1, D_H1)),
        _full((D_H1, D_H1)),
    ],
    out_specs=pl.BlockSpec((NB, D_H1), lambda i: (i, 0)),
    out_shape=jax.ShapeDtypeStruct((NPAD, D_H1), jnp.float32),
)


def _tc3_body(acc_ref, hh2_ref, dinv_ref, b2_ref, out_ref):
    out_ref[...] = (dinv_ref[...]
                    * (acc_ref[0, :, :D_H2] + acc_ref[1, :, :D_H2]
                       + hh2_ref[:, :D_H2])
                    + b2_ref[...])


_tc3 = pl.pallas_call(
    _tc3_body,
    grid=(_GRID,),
    in_specs=[
        pl.BlockSpec((NC, NB, D_H1), lambda i: (0, i, 0)),
        pl.BlockSpec((NB, D_H1), lambda i: (i, 0)),
        pl.BlockSpec((NB, 1), lambda i: (i, 0)),
        _full((1, D_H2)),
    ],
    out_specs=pl.BlockSpec((NB, D_H2), lambda i: (i, 0)),
    out_shape=jax.ShapeDtypeStruct((N, D_H2), jnp.float32),
)


def kernel(x, edge_index, W1, b1, W2, b2):
    pad = EP - E
    ar = jnp.arange(pad, dtype=jnp.int32)
    pad2 = jnp.stack([(ar * 131) % N, N + (ar % N_SINK)])
    ei = jnp.concatenate([edge_index.astype(jnp.int32), pad2],
                         axis=1).reshape(2, ROWS2D, CH)

    ones = jnp.ones((CH,), jnp.float32)
    zv = jnp.zeros((PER_TILE,), jnp.float32)
    z1 = jnp.zeros((CH, D_H1), jnp.float32)
    W2p = jnp.pad(W2, ((0, 0), (0, D_H1 - D_H2)))

    h1 = _tc1a(x, W1)
    degp = _sc_degree(ei, ones, zv)
    dinv, hh1 = _tc1b(h1, degp)

    acc1 = _sc_scatter1(hh1, ei, z1)
    hh2 = _tc2(acc1, hh1, dinv, b1[None, :], W2p)

    acc2 = _sc_scatter1(hh2, ei, z1)
    out = _tc3(acc2, hh2, dinv, b2[None, :])
    return out

# --- scband reference (transcript-rebuilt; emitter-appended) ---
"""Pipeline reference for scband-gcnencoder-21431886807831 (READ-ONLY COPY).

The authoritative reference and input builder live on the scoring server;
editing this copy changes nothing except your own understanding.
"""

import jax, jax.numpy as jnp
import numpy as np

N_NODES = 10000
N_EDGES = 320000
D_IN = 128
D_H1 = 128
D_H2 = 64


def setup_inputs(seed: int = 0) -> dict:
    key = jax.random.key(seed)
    k1, k2, k3, k4, k5, k6 = jax.random.split(key, 6)
    x = jax.random.normal(k1, (N_NODES, D_IN), dtype=jnp.float32)
    edge_index = jax.random.randint(k2, (2, N_EDGES), 0, N_NODES, dtype=jnp.int64)
    # GCNConv layer 1: lin weight (bias=False in lin) + conv bias
    W1 = jax.random.normal(k3, (D_IN, D_H1), dtype=jnp.float32) * (1.0 / np.sqrt(D_IN))
    b1 = jnp.zeros((D_H1,), dtype=jnp.float32)
    # GCNConv layer 2
    W2 = jax.random.normal(k4, (D_H1, D_H2), dtype=jnp.float32) * (1.0 / np.sqrt(D_H1))
    b2 = jnp.zeros((D_H2,), dtype=jnp.float32)
    return {"x": x, "edge_index": edge_index, "W1": W1, "b1": b1, "W2": W2, "b2": b2}


def _gcn_conv(x, edge_index, W, b):
    # Faithful PyG GCNConv: x' = D^{-1/2} (A + I) D^{-1/2} (X W) + b
    n = x.shape[0]
    h = x @ W
    src = edge_index[0]
    dst = edge_index[1]
    loop = jnp.arange(n, dtype=edge_index.dtype)
    src = jnp.concatenate([src, loop])
    dst = jnp.concatenate([dst, loop])
    ew = jnp.ones(src.shape[0], dtype=h.dtype)
    deg = jnp.zeros((n,), dtype=h.dtype).at[dst].add(ew)
    deg_inv_sqrt = jnp.where(deg > 0, 1.0 / jnp.sqrt(deg), 0.0)
    norm = deg_inv_sqrt[src] * ew * deg_inv_sqrt[dst]
    msgs = h[src] * norm[:, None]
    out = jnp.zeros((n, h.shape[1]), dtype=h.dtype).at[dst].add(msgs)
    return out + b


def reference(x, edge_index, W1, b1, W2, b2):
    h = _gcn_conv(x, edge_index, W1, b1)
    h = jax.nn.relu(h)
    # dropout is identity in eval mode
    out = _gcn_conv(h, edge_index, W2, b2)
    return out

if __name__ == "__main__":
    import jax
    _d = setup_inputs()
    print(jax.jit(kernel)(*tuple(_d.values())))

</pallas_src>

<mosaic_0001>
#map = affine_map<(d0, d1) -> (0, 0)>
#map1 = affine_map<(d0, d1) -> (0, 0, 0)>
module attributes {stable_mosaic.version = 14 : i64} {
  func.func @_scat(%arg0: i32, %arg1: i32, %arg2: memref<10240x128xf32, #tpu.memory_space<hbm>>, %arg3: memref<2x2560x128xi32, #tpu.memory_space<hbm>>, %arg4: memref<128x128xf32, #tpu.memory_space<hbm>>, %arg5: memref<2x10240x128xf32, #tpu.memory_space<hbm>>, %arg6: memref<40x128xi32, #tpu.memory_space<vmem>>, %arg7: memref<40x128xi32, #tpu.memory_space<vmem>>, %arg8: memref<64x128xf32, #tpu.memory_space<vmem>>, %arg9: memref<64x128xf32, #tpu.memory_space<vmem>>, %arg10: memref<64x128xf32, #tpu.memory_space<vmem>>, %arg11: memref<64x128xf32, #tpu.memory_space<vmem>>, %arg12: memref<10240x128xf32, #tpu.memory_space<vmem_shared>>, %arg13: memref<!tpu.dma_semaphore, #tpu.memory_space<semaphore_mem>>, %arg14: memref<!tpu.dma_semaphore, #tpu.memory_space<semaphore_mem>>, %arg15: memref<!tpu.dma_semaphore, #tpu.memory_space<semaphore_mem>>, %arg16: memref<!tpu.dma_semaphore, #tpu.memory_space<semaphore_mem>>) attributes {dimension_semantics = [#tpu.dimension_semantics<core_parallel>, #tpu.dimension_semantics<subcore_parallel>], iteration_bounds = array<i64: 2, 16>, scalar_prefetch = 0 : i64, scratch_operands = 11 : i64, tpu.core_type = #tpu.core_type<sc_vector_subcore>, window_params = [{transform_indices = #map}, {transform_indices = #map1}, {transform_indices = #map}, {transform_indices = #map1}]} {
    %mul3A = arith.constant 2 : i32
    %mul3A_0 = arith.muli %arg1, %mul3A : i32
    %add3A = arith.addi %mul3A_0, %arg0 : i32
    %mul3A_1 = arith.constant 640 : i32
    %mul3A_2 = arith.muli %arg1, %mul3A_1 : i32
    %add3A_3 = arith.constant 0 : i32
    %add3A_4 = arith.addi %mul3A_2, %add3A_3 : i32
    "tpu.region"() ({
      %run_scoped3A_101 = tpu.sem_alloc : memref<!tpu.dma_semaphore, #tpu.memory_space<semaphore_mem>>
      %dma_start3A_102 = arith.constant 0 : i32
      %dma_start3A_103 = tpu.memref_slice %arg12[%add3A_4, %dma_start3A_102] : memref<10240x128xf32, #tpu.memory_space<vmem_shared>> -> memref<128x128xf32, #tpu.memory_space<vmem_shared>>
      tpu.enqueue_dma source(%arg4 : memref<128x128xf32, #tpu.memory_space<hbm>>) target(%dma_start3A_103 : memref<128x128xf32, #tpu.memory_space<vmem_shared>>) target_semaphore(%run_scoped3A_101 : memref<!tpu.dma_semaphore, #tpu.memory_space<semaphore_mem>>)
      %dma_wait3A = arith.constant 0 : i32
      %dma_wait3A_104 = tpu.memref_slice %arg12[%add3A_4, %dma_wait3A] : memref<10240x128xf32, #tpu.memory_space<vmem_shared>> -> memref<128x128xf32, #tpu.memory_space<vmem_shared>>
      tpu.wait_dma2 semaphore(%run_scoped3A_101 : memref<!tpu.dma_semaphore, #tpu.memory_space<semaphore_mem>>) src(%arg4 : memref<128x128xf32, #tpu.memory_space<hbm>>) dst(%dma_wait3A_104 : memref<128x128xf32, #tpu.memory_space<vmem_shared>>)
      tpu.yield
    }) : () -> ()
    %add3A_5 = arith.constant 128 : i32
    %add3A_6 = arith.addi %mul3A_2, %add3A_5 : i32
    "tpu.region"() ({
      %run_scoped3A_101 = tpu.sem_alloc : memref<!tpu.dma_semaphore, #tpu.memory_space<semaphore_mem>>
      %dma_start3A_102 = arith.constant 0 : i32
      %dma_start3A_103 = tpu.memref_slice %arg12[%add3A_6, %dma_start3A_102] : memref<10240x128xf32, #tpu.memory_space<vmem_shared>> -> memref<128x128xf32, #tpu.memory_space<vmem_shared>>
      tpu.enqueue_dma source(%arg4 : memref<128x128xf32, #tpu.memory_space<hbm>>) target(%dma_start3A_103 : memref<128x128xf32, #tpu.memory_space<vmem_shared>>) target_semaphore(%run_scoped3A_101 : memref<!tpu.dma_semaphore, #tpu.memory_space<semaphore_mem>>)
      %dma_wait3A = arith.constant 0 : i32
      %dma_wait3A_104 = tpu.memref_slice %arg12[%add3A_6, %dma_wait3A] : memref<10240x128xf32, #tpu.memory_space<vmem_shared>> -> memref<128x128xf32, #tpu.memory_space<vmem_shared>>
      tpu.wait_dma2 semaphore(%run_scoped3A_101 : memref<!tpu.dma_semaphore, #tpu.memory_space<semaphore_mem>>) src(%arg4 : memref<128x128xf32, #tpu.memory_space<hbm>>) dst(%dma_wait3A_104 : memref<128x128xf32, #tpu.memory_space<vmem_shared>>)
      tpu.yield
    }) : () -> ()
    %add3A_7 = arith.constant 256 : i32
    %add3A_8 = arith.addi %mul3A_2, %add3A_7 : i32
    "tpu.region"() ({
      %run_scoped3A_101 = tpu.sem_alloc : memref<!tpu.dma_semaphore, #tpu.memory_space<semaphore_mem>>
      %dma_start3A_102 = arith.constant 0 : i32
      %dma_start3A_103 = tpu.memref_slice %arg12[%add3A_8, %dma_start3A_102] : memref<10240x128xf32, #tpu.memory_space<vmem_shared>> -> memref<128x128xf32, #tpu.memory_space<vmem_shared>>
      tpu.enqueue_dma source(%arg4 : memref<128x128xf32, #tpu.memory_space<hbm>>) target(%dma_start3A_103 : memref<128x128xf32, #tpu.memory_space<vmem_shared>>) target_semaphore(%run_scoped3A_101 : memref<!tpu.dma_semaphore, #tpu.memory_space<semaphore_mem>>)
      %dma_wait3A = arith.constant 0 : i32
      %dma_wait3A_104 = tpu.memref_slice %arg12[%add3A_8, %dma_wait3A] : memref<10240x128xf32, #tpu.memory_space<vmem_shared>> -> memref<128x128xf32, #tpu.memory_space<vmem_shared>>
      tpu.wait_dma2 semaphore(%run_scoped3A_101 : memref<!tpu.dma_semaphore, #tpu.memory_space<semaphore_mem>>) src(%arg4 : memref<128x128xf32, #tpu.memory_space<hbm>>) dst(%dma_wait3A_104 : memref<128x128xf32, #tpu.memory_space<vmem_shared>>)
      tpu.yield
    }) : () -> ()
    %add3A_9 = arith.constant 384 : i32
    %add3A_10 = arith.addi %mul3A_2, %add3A_9 : i32
    "tpu.region"() ({
      %run_scoped3A_101 = tpu.sem_alloc : memref<!tpu.dma_semaphore, #tpu.memory_space<semaphore_mem>>
      %dma_start3A_102 = arith.constant 0 : i32
      %dma_start3A_103 = tpu.memref_slice %arg12[%add3A_10, %dma_start3A_102] : memref<10240x128xf32, #tpu.memory_space<vmem_shared>> -> memref<128x128xf32, #tpu.memory_space<vmem_shared>>
      tpu.enqueue_dma source(%arg4 : memref<128x128xf32, #tpu.memory_space<hbm>>) target(%dma_start3A_103 : memref<128x128xf32, #tpu.memory_space<vmem_shared>>) target_semaphore(%run_scoped3A_101 : memref<!tpu.dma_semaphore, #tpu.memory_space<semaphore_mem>>)
      %dma_wait3A = arith.constant 0 : i32
      %dma_wait3A_104 = tpu.memref_slice %arg12[%add3A_10, %dma_wait3A] : memref<10240x128xf32, #tpu.memory_space<vmem_shared>> -> memref<128x128xf32, #tpu.memory_space<vmem_shared>>
      tpu.wait_dma2 semaphore(%run_scoped3A_101 : memref<!tpu.dma_semaphore, #tpu.memory_space<semaphore_mem>>) src(%arg4 : memref<128x128xf32, #tpu.memory_space<hbm>>) dst(%dma_wait3A_104 : memref<128x128xf32, #tpu.memory_space<vmem_shared>>)
      tpu.yield
    }) : () -> ()
    %add3A_11 = arith.constant 512 : i32
    %add3A_12 = arith.addi %mul3A_2, %add3A_11 : i32
    "tpu.region"() ({
      %run_scoped3A_101 = tpu.sem_alloc : memref<!tpu.dma_semaphore, #tpu.memory_space<semaphore_mem>>
      %dma_start3A_102 = arith.constant 0 : i32
      %dma_start3A_103 = tpu.memref_slice %arg12[%add3A_12, %dma_start3A_102] : memref<10240x128xf32, #tpu.memory_space<vmem_shared>> -> memref<128x128xf32, #tpu.memory_space<vmem_shared>>
      tpu.enqueue_dma source(%arg4 : memref<128x128xf32, #tpu.memory_space<hbm>>) target(%dma_start3A_103 : memref<128x128xf32, #tpu.memory_space<vmem_shared>>) target_semaphore(%run_scoped3A_101 : memref<!tpu.dma_semaphore, #tpu.memory_space<semaphore_mem>>)
      %dma_wait3A = arith.constant 0 : i32
      %dma_wait3A_104 = tpu.memref_slice %arg12[%add3A_12, %dma_wait3A] : memref<10240x128xf32, #tpu.memory_space<vmem_shared>> -> memref<128x128xf32, #tpu.memory_space<vmem_shared>>
      tpu.wait_dma2 semaphore(%run_scoped3A_101 : memref<!tpu.dma_semaphore, #tpu.memory_space<semaphore_mem>>) src(%arg4 : memref<128x128xf32, #tpu.memory_space<hbm>>) dst(%dma_wait3A_104 : memref<128x128xf32, #tpu.memory_space<vmem_shared>>)
      tpu.yield
    }) : () -> ()
    %mul3A_13 = arith.constant 80 : i32
    %mul3A_14 = arith.muli %add3A, %mul3A_13 : i32
    %add3A_15 = arith.constant 0 : i32
    %add3A_16 = arith.addi %mul3A_14, %add3A_15 : i32
    %run_scoped3A = arith.constant 0 : i32
    "tpu.region"() ({
      %run_scoped3A_101 = tpu.sem_alloc : memref<!tpu.dma_semaphore, #tpu.memory_space<semaphore_mem>>
      %dma_start3A_102 = arith.constant 0 : i32
      %dma_start3A_103 = tpu.memref_slice %arg3[%run_scoped3A, %add3A_16, %dma_start3A_102] : memref<2x2560x128xi32, #tpu.memory_space<hbm>> -> memref<1x40x128xi32, #tpu.memory_space<hbm>>
      %dma_start3A_104 = tpu.memref_squeeze %dma_start3A_103 : memref<1x40x128xi32, #tpu.memory_space<hbm>> -> memref<40x128xi32, #tpu.memory_space<hbm>>
      %dma_start3A_105 = arith.constant 0 : i32
      %dma_start3A_106 = tpu.memref_slice %arg3[%run_scoped3A, %add3A_16, %dma_start3A_105] : memref<2x2560x128xi32, #tpu.memory_space<hbm>> -> memref<1x40x128xi32, #tpu.memory_space<hbm>>
      %dma_start3A_107 = tpu.memref_squeeze %dma_start3A_106 : memref<1x40x128xi32, #tpu.memory_space<hbm>> -> memref<40x128xi32, #tpu.memory_space<hbm>>
      tpu.enqueue_dma source(%dma_start3A_107 : memref<40x128xi32, #tpu.memory_space<hbm>>) target(%arg6 : memref<40x128xi32, #tpu.memory_space<vmem>>) target_semaphore(%run_scoped3A_101 : memref<!tpu.dma_semaphore, #tpu.memory_space<semaphore_mem>>)
      %dma_wait3A = arith.constant 0 : i32
      %dma_wait3A_108 = tpu.memref_slice %arg3[%run_scoped3A, %add3A_16, %dma_wait3A] : memref<2x2560x128xi32, #tpu.memory_space<hbm>> -> memref<1x40x128xi32, #tpu.memory_space<hbm>>
      %dma_wait3A_109 = tpu.memref_squeeze %dma_wait3A_108 : memref<1x40x128xi32, #tpu.memory_space<hbm>> -> memref<40x128xi32, #tpu.memory_space<hbm>>
      %dma_wait3A_110 = arith.constant 0 : i32
      %dma_wait3A_111 = tpu.memref_slice %arg3[%run_scoped3A, %add3A_16, %dma_wait3A_110] : memref<2x2560x128xi32, #tpu.memory_space<hbm>> -> memref<1x40x128xi32, #tpu.memory_space<hbm>>
      %dma_wait3A_112 = tpu.memref_squeeze %dma_wait3A_111 : memref<1x40x128xi32, #tpu.memory_space<hbm>> -> memref<40x128xi32, #tpu.memory_space<hbm>>
      tpu.wait_dma2 semaphore(%run_scoped3A_101 : memref<!tpu.dma_semaphore, #tpu.memory_space<semaphore_mem>>) src(%dma_wait3A_112 : memref<40x128xi32, #tpu.memory_space<hbm>>) dst(%arg6 : memref<40x128xi32, #tpu.memory_space<vmem>>)
      tpu.yield
    }) : () -> ()
    %run_scoped3A_17 = arith.constant 1 : i32
    "tpu.region"() ({
      %run_scoped3A_101 = tpu.sem_alloc : memref<!tpu.dma_semaphore, #tpu.memory_space<semaphore_mem>>
      %dma_start3A_102 = arith.constant 0 : i32
      %dma_start3A_103 = tpu.memref_slice %arg3[%run_scoped3A_17, %add3A_16, %dma_start3A_102] : memref<2x2560x128xi32, #tpu.memory_space<hbm>> -> memref<1x40x128xi32, #tpu.memory_space<hbm>>
      %dma_start3A_104 = tpu.memref_squeeze %dma_start3A_103 : memref<1x40x128xi32, #tpu.memory_space<hbm>> -> memref<40x128xi32, #tpu.memory_space<hbm>>
      %dma_start3A_105 = arith.constant 0 : i32
      %dma_start3A_106 = tpu.memref_slice %arg3[%run_scoped3A_17, %add3A_16, %dma_start3A_105] : memref<2x2560x128xi32, #tpu.memory_space<hbm>> -> memref<1x40x128xi32, #tpu.memory_space<hbm>>
      %dma_start3A_107 = tpu.memref_squeeze %dma_start3A_106 : memref<1x40x128xi32, #tpu.memory_space<hbm>> -> memref<40x128xi32, #tpu.memory_space<hbm>>
      tpu.enqueue_dma source(%dma_start3A_107 : memref<40x128xi32, #tpu.memory_space<hbm>>) target(%arg7 : memref<40x128xi32, #tpu.memory_space<vmem>>) target_semaphore(%run_scoped3A_101 : memref<!tpu.dma_semaphore, #tpu.memory_space<semaphore_mem>>)
      %dma_wait3A = arith.constant 0 : i32
      %dma_wait3A_108 = tpu.memref_slice %arg3[%run_scoped3A_17, %add3A_16, %dma_wait3A] : memref<2x2560x128xi32, #tpu.memory_space<hbm>> -> memref<1x40x128xi32, #tpu.memory_space<hbm>>
      %dma_wait3A_109 = tpu.memref_squeeze %dma_wait3A_108 : memref<1x40x128xi32, #tpu.memory_space<hbm>> -> memref<40x128xi32, #tpu.memory_space<hbm>>
      %dma_wait3A_110 = arith.constant 0 : i32
      %dma_wait3A_111 = tpu.memref_slice %arg3[%run_scoped3A_17, %add3A_16, %dma_wait3A_110] : memref<2x2560x128xi32, #tpu.memory_space<hbm>> -> memref<1x40x128xi32, #tpu.memory_space<hbm>>
      %dma_wait3A_112 = tpu.memref_squeeze %dma_wait3A_111 : memref<1x40x128xi32, #tpu.memory_space<hbm>> -> memref<40x128xi32, #tpu.memory_space<hbm>>
      tpu.wait_dma2 semaphore(%run_scoped3A_101 : memref<!tpu.dma_semaphore, #tpu.memory_space<semaphore_mem>>) src(%dma_wait3A_112 : memref<40x128xi32, #tpu.memory_space<hbm>>) dst(%arg7 : memref<40x128xi32, #tpu.memory_space<vmem>>)
      tpu.yield
    }) : () -> ()
    %dma_start3A = arith.constant 0 : i32
    %dma_start3A_18 = arith.constant 0 : i32
    %dma_start3A_19 = tpu.memref_slice %arg6[%dma_start3A, %dma_start3A_18] : memref<40x128xi32, #tpu.memory_space<vmem>> -> memref<1x64xi32, #tpu.memory_space<vmem>>
    %dma_start3A_20 = tpu.memref_squeeze %dma_start3A_19 : memref<1x64xi32, #tpu.memory_space<vmem>> -> memref<64xi32, #tpu.memory_space<vmem>>
    %dma_start3A_21 = arith.constant 0 : i32
    %dma_start3A_22 = arith.constant 0 : i32
    %dma_start3A_23 = tpu.memref_slice %arg2[%dma_start3A_21, %dma_start3A_22] : memref<10240x128xf32, #tpu.memory_space<hbm>> -> memref<10240x128xf32, #tpu.memory_space<hbm>>
    tpu.enqueue_indirect_dma source(%dma_start3A_23 : memref<10240x128xf32, #tpu.memory_space<hbm>>) target(%arg8 : memref<64x128xf32, #tpu.memory_space<vmem>>) offsets(%dma_start3A_20 : memref<64xi32, #tpu.memory_space<vmem>>) semaphore(%arg13 : memref<!tpu.dma_semaphore, #tpu.memory_space<semaphore_mem>>)
    %dma_start3A_24 = arith.constant 0 : i32
    %dma_start3A_25 = arith.constant 64 : i32
    %dma_start3A_26 = tpu.memref_slice %arg6[%dma_start3A_24, %dma_start3A_25] : memref<40x128xi32, #tpu.memory_space<vmem>> -> memref<1x64xi32, #tpu.memory_space<vmem>>
    %dma_start3A_27 = tpu.memref_squeeze %dma_start3A_26 : memref<1x64xi32, #tpu.memory_space<vmem>> -> memref<64xi32, #tpu.memory_space<vmem>>
    %dma_start3A_28 = arith.constant 0 : i32
    %dma_start3A_29 = arith.constant 0 : i32
    %dma_start3A_30 = tpu.memref_slice %arg2[%dma_start3A_28, %dma_start3A_29] : memref<10240x128xf32, #tpu.memory_space<hbm>> -> memref<10240x128xf32, #tpu.memory_space<hbm>>
    tpu.enqueue_indirect_dma source(%dma_start3A_30 : memref<10240x128xf32, #tpu.memory_space<hbm>>) target(%arg9 : memref<64x128xf32, #tpu.memory_space<vmem>>) offsets(%dma_start3A_27 : memref<64xi32, #tpu.memory_space<vmem>>) semaphore(%arg14 : memref<!tpu.dma_semaphore, #tpu.memory_space<semaphore_mem>>)
    %dma_start3A_31 = arith.constant 1 : i32
    %dma_start3A_32 = arith.constant 0 : i32
    %dma_start3A_33 = tpu.memref_slice %arg6[%dma_start3A_31, %dma_start3A_32] : memref<40x128xi32, #tpu.memory_space<vmem>> -> memref<1x64xi32, #tpu.memory_space<vmem>>
    %dma_start3A_34 = tpu.memref_squeeze %dma_start3A_33 : memref<1x64xi32, #tpu.memory_space<vmem>> -> memref<64xi32, #tpu.memory_space<vmem>>
    %dma_start3A_35 = arith.constant 0 : i32
    %dma_start3A_36 = arith.constant 0 : i32
    %dma_start3A_37 = tpu.memref_slice %arg2[%dma_start3A_35, %dma_start3A_36] : memref<10240x128xf32, #tpu.memory_space<hbm>> -> memref<10240x128xf32, #tpu.memory_space<hbm>>
    tpu.enqueue_indirect_dma source(%dma_start3A_37 : memref<10240x128xf32, #tpu.memory_space<hbm>>) target(%arg10 : memref<64x128xf32, #tpu.memory_space<vmem>>) offsets(%dma_start3A_34 : memref<64xi32, #tpu.memory_space<vmem>>) semaphore(%arg15 : memref<!tpu.dma_semaphore, #tpu.memory_space<semaphore_mem>>)
    %dma_start3A_38 = arith.constant 1 : i32
    %dma_start3A_39 = arith.constant 64 : i32
    %dma_start3A_40 = tpu.memref_slice %arg6[%dma_start3A_38, %dma_start3A_39] : memref<40x128xi32, #tpu.memory_space<vmem>> -> memref<1x64xi32, #tpu.memory_space<vmem>>
    %dma_start3A_41 = tpu.memref_squeeze %dma_start3A_40 : memref<1x64xi32, #tpu.memory_space<vmem>> -> memref<64xi32, #tpu.memory_space<vmem>>
    %dma_start3A_42 = arith.constant 0 : i32
    %dma_start3A_43 = arith.constant 0 : i32
    %dma_start3A_44 = tpu.memref_slice %arg2[%dma_start3A_42, %dma_start3A_43] : memref<10240x128xf32, #tpu.memory_space<hbm>> -> memref<10240x128xf32, #tpu.memory_space<hbm>>
    tpu.enqueue_indirect_dma source(%dma_start3A_44 : memref<10240x128xf32, #tpu.memory_space<hbm>>) target(%arg11 : memref<64x128xf32, #tpu.memory_space<vmem>>) offsets(%dma_start3A_41 : memref<64xi32, #tpu.memory_space<vmem>>) semaphore(%arg16 : memref<!tpu.dma_semaphore, #tpu.memory_space<semaphore_mem>>)
    %barrier3A = arith.constant 0 : index
    tpu.barrier barrier_id(%barrier3A)
    %scan3A = arith.constant 0 : i32
    %scan3A_45 = arith.constant 0 : i32
    %scan3A_46 = arith.constant 20 : i32
    %scan3A_47 = arith.addi %scan3A_45, %scan3A_46 : i32
    %scan3A_48 = arith.constant 1 : i32
    scf.for %scan3A_101 = %scan3A_45 to %scan3A_47 step %scan3A_48  : i32 {
      %mul3A_102 = arith.constant 2 : i32
      %mul3A_103 = arith.muli %mul3A_102, %scan3A_101 : i32
      %add3A_104 = arith.constant 0 : i32
      %add3A_105 = arith.addi %mul3A_103, %add3A_104 : i32
      %dma_wait3A = arith.constant 0 : i32
      %dma_wait3A_106 = tpu.memref_slice %arg6[%add3A_105, %dma_wait3A] : memref<40x128xi32, #tpu.memory_space<vmem>> -> memref<1x64xi32, #tpu.memory_space<vmem>>
      %dma_wait3A_107 = tpu.memref_squeeze %dma_wait3A_106 : memref<1x64xi32, #tpu.memory_space<vmem>> -> memref<64xi32, #tpu.memory_space<vmem>>
      %dma_wait3A_108 = arith.constant 0 : i32
      %dma_wait3A_109 = arith.constant 0 : i32
      %dma_wait3A_110 = tpu.memref_slice %arg2[%dma_wait3A_108, %dma_wait3A_109] : memref<10240x128xf32, #tpu.memory_space<hbm>> -> memref<10240x128xf32, #tpu.memory_space<hbm>>
      tpu.wait_indirect_dma semaphore(%arg13 : memref<!tpu.dma_semaphore, #tpu.memory_space<semaphore_mem>>) src(%dma_wait3A_110 : memref<10240x128xf32, #tpu.memory_space<hbm>>) dst(%arg8 : memref<64x128xf32, #tpu.memory_space<vmem>>)
      %mul3A_111 = arith.constant 2 : i32
      %mul3A_112 = arith.muli %mul3A_111, %scan3A_101 : i32
      %add3A_113 = arith.constant 0 : i32
      %add3A_114 = arith.addi %mul3A_112, %add3A_113 : i32
      "tpu.region"() ({
        %run_scoped3A_182 = tpu.sem_alloc : memref<!tpu.dma_semaphore, #tpu.memory_space<semaphore_mem>>
        %dma_start3A_183 = arith.constant 0 : i32
        %dma_start3A_184 = tpu.memref_slice %arg7[%add3A_114, %dma_start3A_183] : memref<40x128xi32, #tpu.memory_space<vmem>> -> memref<1x64xi32, #tpu.memory_space<vmem>>
        %dma_start3A_185 = tpu.memref_squeeze %dma_start3A_184 : memref<1x64xi32, #tpu.memory_space<vmem>> -> memref<64xi32, #tpu.memory_space<vmem>>
        %dma_start3A_186 = arith.constant 0 : i32
        %dma_start3A_187 = arith.constant 0 : i32
        %dma_start3A_188 = tpu.memref_slice %arg12[%dma_start3A_186, %dma_start3A_187] : memref<10240x128xf32, #tpu.memory_space<vmem_shared>> -> memref<10240x128xf32, #tpu.memory_space<vmem_shared>>
        tpu.enqueue_indirect_dma source(%arg8 : memref<64x128xf32, #tpu.memory_space<vmem>>) target(%dma_start3A_188 : memref<10240x128xf32, #tpu.memory_space<vmem_shared>>) offsets(%dma_start3A_185 : memref<64xi32, #tpu.memory_space<vmem>>) semaphore(%run_scoped3A_182 : memref<!tpu.dma_semaphore, #tpu.memory_space<semaphore_mem>>) {add = true}
        %dma_wait3A_189 = arith.constant 0 : i32
        %dma_wait3A_190 = tpu.memref_slice %arg7[%add3A_114, %dma_wait3A_189] : memref<40x128xi32, #tpu.memory_space<vmem>> -> memref<1x64xi32, #tpu.memory_space<vmem>>
        %dma_wait3A_191 = tpu.memref_squeeze %dma_wait3A_190 : memref<1x64xi32, #tpu.memory_space<vmem>> -> memref<64xi32, #tpu.memory_space<vmem>>
        %dma_wait3A_192 = arith.constant 0 : i32
        %dma_wait3A_193 = arith.constant 0 : i32
        %dma_wait3A_194 = tpu.memref_slice %arg12[%dma_wait3A_192, %dma_wait3A_193] : memref<10240x128xf32, #tpu.memory_space<vmem_shared>> -> memref<10240x128xf32, #tpu.memory_space<vmem_shared>>
        tpu.wait_indirect_dma semaphore(%run_scoped3A_182 : memref<!tpu.dma_semaphore, #tpu.memory_space<semaphore_mem>>) src(%arg8 : memref<64x128xf32, #tpu.memory_space<vmem>>) dst(%dma_wait3A_194 : memref<10240x128xf32, #tpu.memory_space<vmem_shared>>)
        tpu.yield
      }) : () -> ()
      %add3A_115 = arith.constant 1 : i32
      %add3A_116 = arith.addi %scan3A_101, %add3A_115 : i32
      %lt3A = arith.constant 20 : i32
      %lt3A_117 = arith.cmpi slt, %add3A_116, %lt3A : i32
      %convert_element_type3A = arith.extui %lt3A_117 : i1 to i32
      %cond3A = arith.constant 0 : i32
      %cond3A_118 = arith.cmpi ne, %convert_element_type3A, %cond3A : i32
      scf.if %cond3A_118 {
        %add3A_182 = arith.constant 1 : i32
        %add3A_183 = arith.addi %scan3A_101, %add3A_182 : i32
        %mul3A_184 = arith.constant 2 : i32
        %mul3A_185 = arith.muli %mul3A_184, %add3A_183 : i32
        %add3A_186 = arith.constant 0 : i32
        %add3A_187 = arith.addi %mul3A_185, %add3A_186 : i32
        %dma_start3A_188 = arith.constant 0 : i32
        %dma_start3A_189 = tpu.memref_slice %arg6[%add3A_187, %dma_start3A_188] : memref<40x128xi32, #tpu.memory_space<vmem>> -> memref<1x64xi32, #tpu.memory_space<vmem>>
        %dma_start3A_190 = tpu.memref_squeeze %dma_start3A_189 : memref<1x64xi32, #tpu.memory_space<vmem>> -> memref<64xi32, #tpu.memory_space<vmem>>
        %dma_start3A_191 = arith.constant 0 : i32
        %dma_start3A_192 = arith.constant 0 : i32
        %dma_start3A_193 = tpu.memref_slice %arg2[%dma_start3A_191, %dma_start3A_192] : memref<10240x128xf32, #tpu.memory_space<hbm>> -> memref<10240x128xf32, #tpu.memory_space<hbm>>
        tpu.enqueue_indirect_dma source(%dma_start3A_193 : memref<10240x128xf32, #tpu.memory_space<hbm>>) target(%arg8 : memref<64x128xf32, #tpu.memory_space<vmem>>) offsets(%dma_start3A_190 : memref<64xi32, #tpu.memory_space<vmem>>) semaphore(%arg13 : memref<!tpu.dma_semaphore, #tpu.memory_space<semaphore_mem>>)
      } else {
      }
      %mul3A_119 = arith.constant 2 : i32
      %mul3A_120 = arith.muli %mul3A_119, %scan3A_101 : i32
      %add3A_121 = arith.constant 0 : i32
      %add3A_122 = arith.addi %mul3A_120, %add3A_121 : i32
      %dma_wait3A_123 = arith.constant 64 : i32
      %dma_wait3A_124 = tpu.memref_slice %arg6[%add3A_122, %dma_wait3A_123] : memref<40x128xi32, #tpu.memory_space<vmem>> -> memref<1x64xi32, #tpu.memory_space<vmem>>
      %dma_wait3A_125 = tpu.memref_squeeze %dma_wait3A_124 : memref<1x64xi32, #tpu.memory_space<vmem>> -> memref<64xi32, #tpu.memory_space<vmem>>
      %dma_wait3A_126 = arith.constant 0 : i32
      %dma_wait3A_127 = arith.constant 0 : i32
      %dma_wait3A_128 = tpu.memref_slice %arg2[%dma_wait3A_126, %dma_wait3A_127] : memref<10240x128xf32, #tpu.memory_space<hbm>> -> memref<10240x128xf32, #tpu.memory_space<hbm>>
      tpu.wait_indirect_dma semaphore(%arg14 : memref<!tpu.dma_semaphore, #tpu.memory_space<semaphore_mem>>) src(%dma_wait3A_128 : memref<10240x128xf32, #tpu.memory_space<hbm>>) dst(%arg9 : memref<64x128xf32, #tpu.memory_space<vmem>>)
      %mul3A_129 = arith.constant 2 : i32
      %mul3A_130 = arith.muli %mul3A_129, %scan3A_101 : i32
      %add3A_131 = arith.constant 0 : i32
      %add3A_132 = arith.addi %mul3A_130, %add3A_131 : i32
      "tpu.region"() ({
        %run_scoped3A_182 = tpu.sem_alloc : memref<!tpu.dma_semaphore, #tpu.memory_space<semaphore_mem>>
        %dma_start3A_183 = arith.constant 64 : i32
        %dma_start3A_184 = tpu.memref_slice %arg7[%add3A_132, %dma_start3A_183] : memref<40x128xi32, #tpu.memory_space<vmem>> -> memref<1x64xi32, #tpu.memory_space<vmem>>
        %dma_start3A_185 = tpu.memref_squeeze %dma_start3A_184 : memref<1x64xi32, #tpu.memory_space<vmem>> -> memref<64xi32, #tpu.memory_space<vmem>>
        %dma_start3A_186 = arith.constant 0 : i32
        %dma_start3A_187 = arith.constant 0 : i32
        %dma_start3A_188 = tpu.memref_slice %arg12[%dma_start3A_186, %dma_start3A_187] : memref<10240x128xf32, #tpu.memory_space<vmem_shared>> -> memref<10240x128xf32, #tpu.memory_space<vmem_shared>>
        tpu.enqueue_indirect_dma source(%arg9 : memref<64x128xf32, #tpu.memory_space<vmem>>) target(%dma_start3A_188 : memref<10240x128xf32, #tpu.memory_space<vmem_shared>>) offsets(%dma_start3A_185 : memref<64xi32, #tpu.memory_space<vmem>>) semaphore(%run_scoped3A_182 : memref<!tpu.dma_semaphore, #tpu.memory_space<semaphore_mem>>) {add = true}
        %dma_wait3A_189 = arith.constant 64 : i32
        %dma_wait3A_190 = tpu.memref_slice %arg7[%add3A_132, %dma_wait3A_189] : memref<40x128xi32, #tpu.memory_space<vmem>> -> memref<1x64xi32, #tpu.memory_space<vmem>>
        %dma_wait3A_191 = tpu.memref_squeeze %dma_wait3A_190 : memref<1x64xi32, #tpu.memory_space<vmem>> -> memref<64xi32, #tpu.memory_space<vmem>>
        %dma_wait3A_192 = arith.constant 0 : i32
        %dma_wait3A_193 = arith.constant 0 : i32
        %dma_wait3A_194 = tpu.memref_slice %arg12[%dma_wait3A_192, %dma_wait3A_193] : memref<10240x128xf32, #tpu.memory_space<vmem_shared>> -> memref<10240x128xf32, #tpu.memory_space<vmem_shared>>
        tpu.wait_indirect_dma semaphore(%run_scoped3A_182 : memref<!tpu.dma_semaphore, #tpu.memory_space<semaphore_mem>>) src(%arg9 : memref<64x128xf32, #tpu.memory_space<vmem>>) dst(%dma_wait3A_194 : memref<10240x128xf32, #tpu.memory_space<vmem_shared>>)
        tpu.yield
      }) : () -> ()
      %add3A_133 = arith.constant 1 : i32
      %add3A_134 = arith.addi %scan3A_101, %add3A_133 : i32
      %lt3A_135 = arith.constant 20 : i32
      %lt3A_136 = arith.cmpi slt, %add3A_134, %lt3A_135 : i32
      %convert_element_type3A_137 = arith.extui %lt3A_136 : i1 to i32
      %cond3A_138 = arith.constant 0 : i32
      %cond3A_139 = arith.cmpi ne, %convert_element_type3A_137, %cond3A_138 : i32
      scf.if %cond3A_139 {
        %add3A_182 = arith.constant 1 : i32
        %add3A_183 = arith.addi %scan3A_101, %add3A_182 : i32
        %mul3A_184 = arith.constant 2 : i32
        %mul3A_185 = arith.muli %mul3A_184, %add3A_183 : i32
        %add3A_186 = arith.constant 0 : i32
        %add3A_187 = arith.addi %mul3A_185, %add3A_186 : i32
        %dma_start3A_188 = arith.constant 64 : i32
        %dma_start3A_189 = tpu.memref_slice %arg6[%add3A_187, %dma_start3A_188] : memref<40x128xi32, #tpu.memory_space<vmem>> -> memref<1x64xi32, #tpu.memory_space<vmem>>
        %dma_start3A_190 = tpu.memref_squeeze %dma_start3A_189 : memref<1x64xi32, #tpu.memory_space<vmem>> -> memref<64xi32, #tpu.memory_space<vmem>>
        %dma_start3A_191 = arith.constant 0 : i32
        %dma_start3A_192 = arith.constant 0 : i32
        %dma_start3A_193 = tpu.memref_slice %arg2[%dma_start3A_191, %dma_start3A_192] : memref<10240x128xf32, #tpu.memory_space<hbm>> -> memref<10240x128xf32, #tpu.memory_space<hbm>>
        tpu.enqueue_indirect_dma source(%dma_start3A_193 : memref<10240x128xf32, #tpu.memory_space<hbm>>) target(%arg9 : memref<64x128xf32, #tpu.memory_space<vmem>>) offsets(%dma_start3A_190 : memref<64xi32, #tpu.memory_space<vmem>>) semaphore(%arg14 : memref<!tpu.dma_semaphore, #tpu.memory_space<semaphore_mem>>)
      } else {
      }
      %mul3A_140 = arith.constant 2 : i32
      %mul3A_141 = arith.muli %mul3A_140, %scan3A_101 : i32
      %add3A_142 = arith.constant 1 : i32
      %add3A_143 = arith.addi %mul3A_141, %add3A_142 : i32
      %dma_wait3A_144 = arith.constant 0 : i32
      %dma_wait3A_145 = tpu.memref_slice %arg6[%add3A_143, %dma_wait3A_144] : memref<40x128xi32, #tpu.memory_space<vmem>> -> memref<1x64xi32, #tpu.memory_space<vmem>>
      %dma_wait3A_146 = tpu.memref_squeeze %dma_wait3A_145 : memref<1x64xi32, #tpu.memory_space<vmem>> -> memref<64xi32, #tpu.memory_space<vmem>>
      %dma_wait3A_147 = arith.constant 0 : i32
      %dma_wait3A_148 = arith.constant 0 : i32
      %dma_wait3A_149 = tpu.memref_slice %arg2[%dma_wait3A_147, %dma_wait3A_148] : memref<10240x128xf32, #tpu.memory_space<hbm>> -> memref<10240x128xf32, #tpu.memory_space<hbm>>
      tpu.wait_indirect_dma semaphore(%arg15 : memref<!tpu.dma_semaphore, #tpu.memory_space<semaphore_mem>>) src(%dma_wait3A_149 : memref<10240x128xf32, #tpu.memory_space<hbm>>) dst(%arg10 : memref<64x128xf32, #tpu.memory_space<vmem>>)
      %mul3A_150 = arith.constant 2 : i32
      %mul3A_151 = arith.muli %mul3A_150, %scan3A_101 : i32
      %add3A_152 = arith.constant 1 : i32
      %add3A_153 = arith.addi %mul3A_151, %add3A_152 : i32
      "tpu.region"() ({
        %run_scoped3A_182 = tpu.sem_alloc : memref<!tpu.dma_semaphore, #tpu.memory_space<semaphore_mem>>
        %dma_start3A_183 = arith.constant 0 : i32
        %dma_start3A_184 = tpu.memref_slice %arg7[%add3A_153, %dma_start3A_183] : memref<40x128xi32, #tpu.memory_space<vmem>> -> memref<1x64xi32, #tpu.memory_space<vmem>>
        %dma_start3A_185 = tpu.memref_squeeze %dma_start3A_184 : memref<1x64xi32, #tpu.memory_space<vmem>> -> memref<64xi32, #tpu.memory_space<vmem>>
        %dma_start3A_186 = arith.constant 0 : i32
        %dma_start3A_187 = arith.constant 0 : i32
        %dma_start3A_188 = tpu.memref_slice %arg12[%dma_start3A_186, %dma_start3A_187] : memref<10240x128xf32, #tpu.memory_space<vmem_shared>> -> memref<10240x128xf32, #tpu.memory_space<vmem_shared>>
        tpu.enqueue_indirect_dma source(%arg10 : memref<64x128xf32, #tpu.memory_space<vmem>>) target(%dma_start3A_188 : memref<10240x128xf32, #tpu.memory_space<vmem_shared>>) offsets(%dma_start3A_185 : memref<64xi32, #tpu.memory_space<vmem>>) semaphore(%run_scoped3A_182 : memref<!tpu.dma_semaphore, #tpu.memory_space<semaphore_mem>>) {add = true}
        %dma_wait3A_189 = arith.constant 0 : i32
        %dma_wait3A_190 = tpu.memref_slice %arg7[%add3A_153, %dma_wait3A_189] : memref<40x128xi32, #tpu.memory_space<vmem>> -> memref<1x64xi32, #tpu.memory_space<vmem>>
        %dma_wait3A_191 = tpu.memref_squeeze %dma_wait3A_190 : memref<1x64xi32, #tpu.memory_space<vmem>> -> memref<64xi32, #tpu.memory_space<vmem>>
        %dma_wait3A_192 = arith.constant 0 : i32
        %dma_wait3A_193 = arith.constant 0 : i32
        %dma_wait3A_194 = tpu.memref_slice %arg12[%dma_wait3A_192, %dma_wait3A_193] : memref<10240x128xf32, #tpu.memory_space<vmem_shared>> -> memref<10240x128xf32, #tpu.memory_space<vmem_shared>>
        tpu.wait_indirect_dma semaphore(%run_scoped3A_182 : memref<!tpu.dma_semaphore, #tpu.memory_space<semaphore_mem>>) src(%arg10 : memref<64x128xf32, #tpu.memory_space<vmem>>) dst(%dma_wait3A_194 : memref<10240x128xf32, #tpu.memory_space<vmem_shared>>)
        tpu.yield
      }) : () -> ()
      %add3A_154 = arith.constant 1 : i32
      %add3A_155 = arith.addi %scan3A_101, %add3A_154 : i32
      %lt3A_156 = arith.constant 20 : i32
      %lt3A_157 = arith.cmpi slt, %add3A_155, %lt3A_156 : i32
      %convert_element_type3A_158 = arith.extui %lt3A_157 : i1 to i32
      %cond3A_159 = arith.constant 0 : i32
      %cond3A_160 = arith.cmpi ne, %convert_element_type3A_158, %cond3A_159 : i32
      scf.if %cond3A_160 {
        %add3A_182 = arith.constant 1 : i32
        %add3A_183 = arith.addi %scan3A_101, %add3A_182 : i32
        %mul3A_184 = arith.constant 2 : i32
        %mul3A_185 = arith.muli %mul3A_184, %add3A_183 : i32
        %add3A_186 = arith.constant 1 : i32
        %add3A_187 = arith.addi %mul3A_185, %add3A_186 : i32
        %dma_start3A_188 = arith.constant 0 : i32
        %dma_start3A_189 = tpu.memref_slice %arg6[%add3A_187, %dma_start3A_188] : memref<40x128xi32, #tpu.memory_space<vmem>> -> memref<1x64xi32, #tpu.memory_space<vmem>>
        %dma_start3A_190 = tpu.memref_squeeze %dma_start3A_189 : memref<1x64xi32, #tpu.memory_space<vmem>> -> memref<64xi32, #tpu.memory_space<vmem>>
        %dma_start3A_191 = arith.constant 0 : i32
        %dma_start3A_192 = arith.constant 0 : i32
        %dma_start3A_193 = tpu.memref_slice %arg2[%dma_start3A_191, %dma_start3A_192] : memref<10240x128xf32, #tpu.memory_space<hbm>> -> memref<10240x128xf32, #tpu.memory_space<hbm>>
        tpu.enqueue_indirect_dma source(%dma_start3A_193 : memref<10240x128xf32, #tpu.memory_space<hbm>>) target(%arg10 : memref<64x128xf32, #tpu.memory_space<vmem>>) offsets(%dma_start3A_190 : memref<64xi32, #tpu.memory_space<vmem>>) semaphore(%arg15 : memref<!tpu.dma_semaphore, #tpu.memory_space<semaphore_mem>>)
      } else {
      }
      %mul3A_161 = arith.constant 2 : i32
      %mul3A_162 = arith.muli %mul3A_161, %scan3A_101 : i32
      %add3A_163 = arith.constant 1 : i32
      %add3A_164 = arith.addi %mul3A_162, %add3A_163 : i32
      %dma_wait3A_165 = arith.constant 64 : i32
      %dma_wait3A_166 = tpu.memref_slice %arg6[%add3A_164, %dma_wait3A_165] : memref<40x128xi32, #tpu.memory_space<vmem>> -> memref<1x64xi32, #tpu.memory_space<vmem>>
      %dma_wait3A_167 = tpu.memref_squeeze %dma_wait3A_166 : memref<1x64xi32, #tpu.memory_space<vmem>> -> memref<64xi32, #tpu.memory_space<vmem>>
      %dma_wait3A_168 = arith.constant 0 : i32
      %dma_wait3A_169 = arith.constant 0 : i32
      %dma_wait3A_170 = tpu.memref_slice %arg2[%dma_wait3A_168, %dma_wait3A_169] : memref<10240x128xf32, #tpu.memory_space<hbm>> -> memref<10240x128xf32, #tpu.memory_space<hbm>>
      tpu.wait_indirect_dma semaphore(%arg16 : memref<!tpu.dma_semaphore, #tpu.memory_space<semaphore_mem>>) src(%dma_wait3A_170 : memref<10240x128xf32, #tpu.memory_space<hbm>>) dst(%arg11 : memref<64x128xf32, #tpu.memory_space<vmem>>)
      %mul3A_171 = arith.constant 2 : i32
      %mul3A_172 = arith.muli %mul3A_171, %scan3A_101 : i32
      %add3A_173 = arith.constant 1 : i32
      %add3A_174 = arith.addi %mul3A_172, %add3A_173 : i32
      "tpu.region"() ({
        %run_scoped3A_182 = tpu.sem_alloc : memref<!tpu.dma_semaphore, #tpu.memory_space<semaphore_mem>>
        %dma_start3A_183 = arith.constant 64 : i32
        %dma_start3A_184 = tpu.memref_slice %arg7[%add3A_174, %dma_start3A_183] : memref<40x128xi32, #tpu.memory_space<vmem>> -> memref<1x64xi32, #tpu.memory_space<vmem>>
        %dma_start3A_185 = tpu.memref_squeeze %dma_start3A_184 : memref<1x64xi32, #tpu.memory_space<vmem>> -> memref<64xi32, #tpu.memory_space<vmem>>
        %dma_start3A_186 = arith.constant 0 : i32
        %dma_start3A_187 = arith.constant 0 : i32
        %dma_start3A_188 = tpu.memref_slice %arg12[%dma_start3A_186, %dma_start3A_187] : memref<10240x128xf32, #tpu.memory_space<vmem_shared>> -> memref<10240x128xf32, #tpu.memory_space<vmem_shared>>
        tpu.enqueue_indirect_dma source(%arg11 : memref<64x128xf32, #tpu.memory_space<vmem>>) target(%dma_start3A_188 : memref<10240x128xf32, #tpu.memory_space<vmem_shared>>) offsets(%dma_start3A_185 : memref<64xi32, #tpu.memory_space<vmem>>) semaphore(%run_scoped3A_182 : memref<!tpu.dma_semaphore, #tpu.memory_space<semaphore_mem>>) {add = true}
        %dma_wait3A_189 = arith.constant 64 : i32
        %dma_wait3A_190 = tpu.memref_slice %arg7[%add3A_174, %dma_wait3A_189] : memref<40x128xi32, #tpu.memory_space<vmem>> -> memref<1x64xi32, #tpu.memory_space<vmem>>
        %dma_wait3A_191 = tpu.memref_squeeze %dma_wait3A_190 : memref<1x64xi32, #tpu.memory_space<vmem>> -> memref<64xi32, #tpu.memory_space<vmem>>
        %dma_wait3A_192 = arith.constant 0 : i32
        %dma_wait3A_193 = arith.constant 0 : i32
        %dma_wait3A_194 = tpu.memref_slice %arg12[%dma_wait3A_192, %dma_wait3A_193] : memref<10240x128xf32, #tpu.memory_space<vmem_shared>> -> memref<10240x128xf32, #tpu.memory_space<vmem_shared>>
        tpu.wait_indirect_dma semaphore(%run_scoped3A_182 : memref<!tpu.dma_semaphore, #tpu.memory_space<semaphore_mem>>) src(%arg11 : memref<64x128xf32, #tpu.memory_space<vmem>>) dst(%dma_wait3A_194 : memref<10240x128xf32, #tpu.memory_space<vmem_shared>>)
        tpu.yield
      }) : () -> ()
      %add3A_175 = arith.constant 1 : i32
      %add3A_176 = arith.addi %scan3A_101, %add3A_175 : i32
      %lt3A_177 = arith.constant 20 : i32
      %lt3A_178 = arith.cmpi slt, %add3A_176, %lt3A_177 : i32
      %convert_element_type3A_179 = arith.extui %lt3A_178 : i1 to i32
      %cond3A_180 = arith.constant 0 : i32
      %cond3A_181 = arith.cmpi ne, %convert_element_type3A_179, %cond3A_180 : i32
      scf.if %cond3A_181 {
        %add3A_182 = arith.constant 1 : i32
        %add3A_183 = arith.addi %scan3A_101, %add3A_182 : i32
        %mul3A_184 = arith.constant 2 : i32
        %mul3A_185 = arith.muli %mul3A_184, %add3A_183 : i32
        %add3A_186 = arith.constant 1 : i32
        %add3A_187 = arith.addi %mul3A_185, %add3A_186 : i32
        %dma_start3A_188 = arith.constant 64 : i32
        %dma_start3A_189 = tpu.memref_slice %arg6[%add3A_187, %dma_start3A_188] : memref<40x128xi32, #tpu.memory_space<vmem>> -> memref<1x64xi32, #tpu.memory_space<vmem>>
        %dma_start3A_190 = tpu.memref_squeeze %dma_start3A_189 : memref<1x64xi32, #tpu.memory_space<vmem>> -> memref<64xi32, #tpu.memory_space<vmem>>
        %dma_start3A_191 = arith.constant 0 : i32
        %dma_start3A_192 = arith.constant 0 : i32
        %dma_start3A_193 = tpu.memref_slice %arg2[%dma_start3A_191, %dma_start3A_192] : memref<10240x128xf32, #tpu.memory_space<hbm>> -> memref<10240x128xf32, #tpu.memory_space<hbm>>
        tpu.enqueue_indirect_dma source(%dma_start3A_193 : memref<10240x128xf32, #tpu.memory_space<hbm>>) target(%arg11 : memref<64x128xf32, #tpu.memory_space<vmem>>) offsets(%dma_start3A_190 : memref<64xi32, #tpu.memory_space<vmem>>) semaphore(%arg16 : memref<!tpu.dma_semaphore, #tpu.memory_space<semaphore_mem>>)
      } else {
      }
    }
    %scan3A_49 = arith.constant 20 : i32
    %mul3A_50 = arith.constant 80 : i32
    %mul3A_51 = arith.muli %add3A, %mul3A_50 : i32
    %add3A_52 = arith.constant 40 : i32
    %add3A_53 = arith.addi %mul3A_51, %add3A_52 : i32
    %run_scoped3A_54 = arith.constant 0 : i32
    "tpu.region"() ({
      %run_scoped3A_101 = tpu.sem_alloc : memref<!tpu.dma_semaphore, #tpu.memory_space<semaphore_mem>>
      %dma_start3A_102 = arith.constant 0 : i32
      %dma_start3A_103 = tpu.memref_slice %arg3[%run_scoped3A_54, %add3A_53, %dma_start3A_102] : memref<2x2560x128xi32, #tpu.memory_space<hbm>> -> memref<1x40x128xi32, #tpu.memory_space<hbm>>
      %dma_start3A_104 = tpu.memref_squeeze %dma_start3A_103 : memref<1x40x128xi32, #tpu.memory_space<hbm>> -> memref<40x128xi32, #tpu.memory_space<hbm>>
      %dma_start3A_105 = arith.constant 0 : i32
      %dma_start3A_106 = tpu.memref_slice %arg3[%run_scoped3A_54, %add3A_53, %dma_start3A_105] : memref<2x2560x128xi32, #tpu.memory_space<hbm>> -> memref<1x40x128xi32, #tpu.memory_space<hbm>>
      %dma_start3A_107 = tpu.memref_squeeze %dma_start3A_106 : memref<1x40x128xi32, #tpu.memory_space<hbm>> -> memref<40x128xi32, #tpu.memory_space<hbm>>
      tpu.enqueue_dma source(%dma_start3A_107 : memref<40x128xi32, #tpu.memory_space<hbm>>) target(%arg6 : memref<40x128xi32, #tpu.memory_space<vmem>>) target_semaphore(%run_scoped3A_101 : memref<!tpu.dma_semaphore, #tpu.memory_space<semaphore_mem>>)
      %dma_wait3A = arith.constant 0 : i32
      %dma_wait3A_108 = tpu.memref_slice %arg3[%run_scoped3A_54, %add3A_53, %dma_wait3A] : memref<2x2560x128xi32, #tpu.memory_space<hbm>> -> memref<1x40x128xi32, #tpu.memory_space<hbm>>
      %dma_wait3A_109 = tpu.memref_squeeze %dma_wait3A_108 : memref<1x40x128xi32, #tpu.memory_space<hbm>> -> memref<40x128xi32, #tpu.memory_space<hbm>>
      %dma_wait3A_110 = arith.constant 0 : i32
      %dma_wait3A_111 = tpu.memref_slice %arg3[%run_scoped3A_54, %add3A_53, %dma_wait3A_110] : memref<2x2560x128xi32, #tpu.memory_space<hbm>> -> memref<1x40x128xi32, #tpu.memory_space<hbm>>
      %dma_wait3A_112 = tpu.memref_squeeze %dma_wait3A_111 : memref<1x40x128xi32, #tpu.memory_space<hbm>> -> memref<40x128xi32, #tpu.memory_space<hbm>>
      tpu.wait_dma2 semaphore(%run_scoped3A_101 : memref<!tpu.dma_semaphore, #tpu.memory_space<semaphore_mem>>) src(%dma_wait3A_112 : memref<40x128xi32, #tpu.memory_space<hbm>>) dst(%arg6 : memref<40x128xi32, #tpu.memory_space<vmem>>)
      tpu.yield
    }) : () -> ()
    %run_scoped3A_55 = arith.constant 1 : i32
    "tpu.region"() ({
      %run_scoped3A_101 = tpu.sem_alloc : memref<!tpu.dma_semaphore, #tpu.memory_space<semaphore_mem>>
      %dma_start3A_102 = arith.constant 0 : i32
      %dma_start3A_103 = tpu.memref_slice %arg3[%run_scoped3A_55, %add3A_53, %dma_start3A_102] : memref<2x2560x128xi32, #tpu.memory_space<hbm>> -> memref<1x40x128xi32, #tpu.memory_space<hbm>>
      %dma_start3A_104 = tpu.memref_squeeze %dma_start3A_103 : memref<1x40x128xi32, #tpu.memory_space<hbm>> -> memref<40x128xi32, #tpu.memory_space<hbm>>
      %dma_start3A_105 = arith.constant 0 : i32
      %dma_start3A_106 = tpu.memref_slice %arg3[%run_scoped3A_55, %add3A_53, %dma_start3A_105] : memref<2x2560x128xi32, #tpu.memory_space<hbm>> -> memref<1x40x128xi32, #tpu.memory_space<hbm>>
      %dma_start3A_107 = tpu.memref_squeeze %dma_start3A_106 : memref<1x40x128xi32, #tpu.memory_space<hbm>> -> memref<40x128xi32, #tpu.memory_space<hbm>>
      tpu.enqueue_dma source(%dma_start3A_107 : memref<40x128xi32, #tpu.memory_space<hbm>>) target(%arg7 : memref<40x128xi32, #tpu.memory_space<vmem>>) target_semaphore(%run_scoped3A_101 : memref<!tpu.dma_semaphore, #tpu.memory_space<semaphore_mem>>)
      %dma_wait3A = arith.constant 0 : i32
      %dma_wait3A_108 = tpu.memref_slice %arg3[%run_scoped3A_55, %add3A_53, %dma_wait3A] : memref<2x2560x128xi32, #tpu.memory_space<hbm>> -> memref<1x40x128xi32, #tpu.memory_space<hbm>>
      %dma_wait3A_109 = tpu.memref_squeeze %dma_wait3A_108 : memref<1x40x128xi32, #tpu.memory_space<hbm>> -> memref<40x128xi32, #tpu.memory_space<hbm>>
      %dma_wait3A_110 = arith.constant 0 : i32
      %dma_wait3A_111 = tpu.memref_slice %arg3[%run_scoped3A_55, %add3A_53, %dma_wait3A_110] : memref<2x2560x128xi32, #tpu.memory_space<hbm>> -> memref<1x40x128xi32, #tpu.memory_space<hbm>>
      %dma_wait3A_112 = tpu.memref_squeeze %dma_wait3A_111 : memref<1x40x128xi32, #tpu.memory_space<hbm>> -> memref<40x128xi32, #tpu.memory_space<hbm>>
      tpu.wait_dma2 semaphore(%run_scoped3A_101 : memref<!tpu.dma_semaphore, #tpu.memory_space<semaphore_mem>>) src(%dma_wait3A_112 : memref<40x128xi32, #tpu.memory_space<hbm>>) dst(%arg7 : memref<40x128xi32, #tpu.memory_space<vmem>>)
      tpu.yield
    }) : () -> ()
    %dma_start3A_56 = arith.constant 0 : i32
    %dma_start3A_57 = arith.constant 0 : i32
    %dma_start3A_58 = tpu.memref_slice %arg6[%dma_start3A_56, %dma_start3A_57] : memref<40x128xi32, #tpu.memory_space<vmem>> -> memref<1x64xi32, #tpu.memory_space<vmem>>
    %dma_start3A_59 = tpu.memref_squeeze %dma_start3A_58 : memref<1x64xi32, #tpu.memory_space<vmem>> -> memref<64xi32, #tpu.memory_space<vmem>>
    %dma_start3A_60 = arith.constant 0 : i32
    %dma_start3A_61 = arith.constant 0 : i32
    %dma_start3A_62 = tpu.memref_slice %arg2[%dma_start3A_60, %dma_start3A_61] : memref<10240x128xf32, #tpu.memory_space<hbm>> -> memref<10240x128xf32, #tpu.memory_space<hbm>>
    tpu.enqueue_indirect_dma source(%dma_start3A_62 : memref<10240x128xf32, #tpu.memory_space<hbm>>) target(%arg8 : memref<64x128xf32, #tpu.memory_space<vmem>>) offsets(%dma_start3A_59 : memref<64xi32, #tpu.memory_space<vmem>>) semaphore(%arg13 : memref<!tpu.dma_semaphore, #tpu.memory_space<semaphore_mem>>)
    %dma_start3A_63 = arith.constant 0 : i32
    %dma_start3A_64 = arith.constant 64 : i32
    %dma_start3A_65 = tpu.memref_slice %arg6[%dma_start3A_63, %dma_start3A_64] : memref<40x128xi32, #tpu.memory_space<vmem>> -> memref<1x64xi32, #tpu.memory_space<vmem>>
    %dma_start3A_66 = tpu.memref_squeeze %dma_start3A_65 : memref<1x64xi32, #tpu.memory_space<vmem>> -> memref<64xi32, #tpu.memory_space<vmem>>
    %dma_start3A_67 = arith.constant 0 : i32
    %dma_start3A_68 = arith.constant 0 : i32
    %dma_start3A_69 = tpu.memref_slice %arg2[%dma_start3A_67, %dma_start3A_68] : memref<10240x128xf32, #tpu.memory_space<hbm>> -> memref<10240x128xf32, #tpu.memory_space<hbm>>
    tpu.enqueue_indirect_dma source(%dma_start3A_69 : memref<10240x128xf32, #tpu.memory_space<hbm>>) target(%arg9 : memref<64x128xf32, #tpu.memory_space<vmem>>) offsets(%dma_start3A_66 : memref<64xi32, #tpu.memory_space<vmem>>) semaphore(%arg14 : memref<!tpu.dma_semaphore, #tpu.memory_space<semaphore_mem>>)
    %dma_start3A_70 = arith.constant 1 : i32
    %dma_start3A_71 = arith.constant 0 : i32
    %dma_start3A_72 = tpu.memref_slice %arg6[%dma_start3A_70, %dma_start3A_71] : memref<40x128xi32, #tpu.memory_space<vmem>> -> memref<1x64xi32, #tpu.memory_space<vmem>>
    %dma_start3A_73 = tpu.memref_squeeze %dma_start3A_72 : memref<1x64xi32, #tpu.memory_space<vmem>> -> memref<64xi32, #tpu.memory_space<vmem>>
    %dma_start3A_74 = arith.constant 0 : i32
    %dma_start3A_75 = arith.constant 0 : i32
    %dma_start3A_76 = tpu.memref_slice %arg2[%dma_start3A_74, %dma_start3A_75] : memref<10240x128xf32, #tpu.memory_space<hbm>> -> memref<10240x128xf32, #tpu.memory_space<hbm>>
    tpu.enqueue_indirect_dma source(%dma_start3A_76 : memref<10240x128xf32, #tpu.memory_space<hbm>>) target(%arg10 : memref<64x128xf32, #tpu.memory_space<vmem>>) offsets(%dma_start3A_73 : memref<64xi32, #tpu.memory_space<vmem>>) semaphore(%arg15 : memref<!tpu.dma_semaphore, #tpu.memory_space<semaphore_mem>>)
    %dma_start3A_77 = arith.constant 1 : i32
    %dma_start3A_78 = arith.constant 64 : i32
    %dma_start3A_79 = tpu.memref_slice %arg6[%dma_start3A_77, %dma_start3A_78] : memref<40x128xi32, #tpu.memory_space<vmem>> -> memref<1x64xi32, #tpu.memory_space<vmem>>
    %dma_start3A_80 = tpu.memref_squeeze %dma_start3A_79 : memref<1x64xi32, #tpu.memory_space<vmem>> -> memref<64xi32, #tpu.memory_space<vmem>>
    %dma_start3A_81 = arith.constant 0 : i32
    %dma_start3A_82 = arith.constant 0 : i32
    %dma_start3A_83 = tpu.memref_slice %arg2[%dma_start3A_81, %dma_start3A_82] : memref<10240x128xf32, #tpu.memory_space<hbm>> -> memref<10240x128xf32, #tpu.memory_space<hbm>>
    tpu.enqueue_indirect_dma source(%dma_start3A_83 : memref<10240x128xf32, #tpu.memory_space<hbm>>) target(%arg11 : memref<64x128xf32, #tpu.memory_space<vmem>>) offsets(%dma_start3A_80 : memref<64xi32, #tpu.memory_space<vmem>>) semaphore(%arg16 : memref<!tpu.dma_semaphore, #tpu.memory_space<semaphore_mem>>)
    %scan3A_84 = arith.constant 0 : i32
    %scan3A_85 = arith.constant 0 : i32
    %scan3A_86 = arith.constant 20 : i32
    %scan3A_87 = arith.addi %scan3A_85, %scan3A_86 : i32
    %scan3A_88 = arith.constant 1 : i32
    scf.for %scan3A_101 = %scan3A_85 to %scan3A_87 step %scan3A_88  : i32 {
      %mul3A_102 = arith.constant 2 : i32
      %mul3A_103 = arith.muli %mul3A_102, %scan3A_101 : i32
      %add3A_104 = arith.constant 0 : i32
      %add3A_105 = arith.addi %mul3A_103, %add3A_104 : i32
      %dma_wait3A = arith.constant 0 : i32
      %dma_wait3A_106 = tpu.memref_slice %arg6[%add3A_105, %dma_wait3A] : memref<40x128xi32, #tpu.memory_space<vmem>> -> memref<1x64xi32, #tpu.memory_space<vmem>>
      %dma_wait3A_107 = tpu.memref_squeeze %dma_wait3A_106 : memref<1x64xi32, #tpu.memory_space<vmem>> -> memref<64xi32, #tpu.memory_space<vmem>>
      %dma_wait3A_108 = arith.constant 0 : i32
      %dma_wait3A_109 = arith.constant 0 : i32
      %dma_wait3A_110 = tpu.memref_slice %arg2[%dma_wait3A_108, %dma_wait3A_109] : memref<10240x128xf32, #tpu.memory_space<hbm>> -> memref<10240x128xf32, #tpu.memory_space<hbm>>
      tpu.wait_indirect_dma semaphore(%arg13 : memref<!tpu.dma_semaphore, #tpu.memory_space<semaphore_mem>>) src(%dma_wait3A_110 : memref<10240x128xf32, #tpu.memory_space<hbm>>) dst(%arg8 : memref<64x128xf32, #tpu.memory_space<vmem>>)
      %mul3A_111 = arith.constant 2 : i32
      %mul3A_112 = arith.muli %mul3A_111, %scan3A_101 : i32
      %add3A_113 = arith.constant 0 : i32
      %add3A_114 = arith.addi %mul3A_112, %add3A_113 : i32
      "tpu.region"() ({
        %run_scoped3A_182 = tpu.sem_alloc : memref<!tpu.dma_semaphore, #tpu.memory_space<semaphore_mem>>
        %dma_start3A_183 = arith.constant 0 : i32
        %dma_start3A_184 = tpu.memref_slice %arg7[%add3A_114, %dma_start3A_183] : memref<40x128xi32, #tpu.memory_space<vmem>> -> memref<1x64xi32, #tpu.memory_space<vmem>>
        %dma_start3A_185 = tpu.memref_squeeze %dma_start3A_184 : memref<1x64xi32, #tpu.memory_space<vmem>> -> memref<64xi32, #tpu.memory_space<vmem>>
        %dma_start3A_186 = arith.constant 0 : i32
        %dma_start3A_187 = arith.constant 0 : i32
        %dma_start3A_188 = tpu.memref_slice %arg12[%dma_start3A_186, %dma_start3A_187] : memref<10240x128xf32, #tpu.memory_space<vmem_shared>> -> memref<10240x128xf32, #tpu.memory_space<vmem_shared>>
        tpu.enqueue_indirect_dma source(%arg8 : memref<64x128xf32, #tpu.memory_space<vmem>>) target(%dma_start3A_188 : memref<10240x128xf32, #tpu.memory_space<vmem_shared>>) offsets(%dma_start3A_185 : memref<64xi32, #tpu.memory_space<vmem>>) semaphore(%run_scoped3A_182 : memref<!tpu.dma_semaphore, #tpu.memory_space<semaphore_mem>>) {add = true}
        %dma_wait3A_189 = arith.constant 0 : i32
        %dma_wait3A_190 = tpu.memref_slice %arg7[%add3A_114, %dma_wait3A_189] : memref<40x128xi32, #tpu.memory_space<vmem>> -> memref<1x64xi32, #tpu.memory_space<vmem>>
        %dma_wait3A_191 = tpu.memref_squeeze %dma_wait3A_190 : memref<1x64xi32, #tpu.memory_space<vmem>> -> memref<64xi32, #tpu.memory_space<vmem>>
        %dma_wait3A_192 = arith.constant 0 : i32
        %dma_wait3A_193 = arith.constant 0 : i32
        %dma_wait3A_194 = tpu.memref_slice %arg12[%dma_wait3A_192, %dma_wait3A_193] : memref<10240x128xf32, #tpu.memory_space<vmem_shared>> -> memref<10240x128xf32, #tpu.memory_space<vmem_shared>>
        tpu.wait_indirect_dma semaphore(%run_scoped3A_182 : memref<!tpu.dma_semaphore, #tpu.memory_space<semaphore_mem>>) src(%arg8 : memref<64x128xf32, #tpu.memory_space<vmem>>) dst(%dma_wait3A_194 : memref<10240x128xf32, #tpu.memory_space<vmem_shared>>)
        tpu.yield
      }) : () -> ()
      %add3A_115 = arith.constant 1 : i32
      %add3A_116 = arith.addi %scan3A_101, %add3A_115 : i32
      %lt3A = arith.constant 20 : i32
      %lt3A_117 = arith.cmpi slt, %add3A_116, %lt3A : i32
      %convert_element_type3A = arith.extui %lt3A_117 : i1 to i32
      %cond3A = arith.constant 0 : i32
      %cond3A_118 = arith.cmpi ne, %convert_element_type3A, %cond3A : i32
      scf.if %cond3A_118 {
        %add3A_182 = arith.constant 1 : i32
        %add3A_183 = arith.addi %scan3A_101, %add3A_182 : i32
        %mul3A_184 = arith.constant 2 : i32
        %mul3A_185 = arith.muli %mul3A_184, %add3A_183 : i32
        %add3A_186 = arith.constant 0 : i32
        %add3A_187 = arith.addi %mul3A_185, %add3A_186 : i32
        %dma_start3A_188 = arith.constant 0 : i32
        %dma_start3A_189 = tpu.memref_slice %arg6[%add3A_187, %dma_start3A_188] : memref<40x128xi32, #tpu.memory_space<vmem>> -> memref<1x64xi32, #tpu.memory_space<vmem>>
        %dma_start3A_190 = tpu.memref_squeeze %dma_start3A_189 : memref<1x64xi32, #tpu.memory_space<vmem>> -> memref<64xi32, #tpu.memory_space<vmem>>
        %dma_start3A_191 = arith.constant 0 : i32
        %dma_start3A_192 = arith.constant 0 : i32
        %dma_start3A_193 = tpu.memref_slice %arg2[%dma_start3A_191, %dma_start3A_192] : memref<10240x128xf32, #tpu.memory_space<hbm>> -> memref<10240x128xf32, #tpu.memory_space<hbm>>
        tpu.enqueue_indirect_dma source(%dma_start3A_193 : memref<10240x128xf32, #tpu.memory_space<hbm>>) target(%arg8 : memref<64x128xf32, #tpu.memory_space<vmem>>) offsets(%dma_start3A_190 : memref<64xi32, #tpu.memory_space<vmem>>) semaphore(%arg13 : memref<!tpu.dma_semaphore, #tpu.memory_space<semaphore_mem>>)
      } else {
      }
      %mul3A_119 = arith.constant 2 : i32
      %mul3A_120 = arith.muli %mul3A_119, %scan3A_101 : i32
      %add3A_121 = arith.constant 0 : i32
      %add3A_122 = arith.addi %mul3A_120, %add3A_121 : i32
      %dma_wait3A_123 = arith.constant 64 : i32
      %dma_wait3A_124 = tpu.memref_slice %arg6[%add3A_122, %dma_wait3A_123] : memref<40x128xi32, #tpu.memory_space<vmem>> -> memref<1x64xi32, #tpu.memory_space<vmem>>
      %dma_wait3A_125 = tpu.memref_squeeze %dma_wait3A_124 : memref<1x64xi32, #tpu.memory_space<vmem>> -> memref<64xi32, #tpu.memory_space<vmem>>
      %dma_wait3A_126 = arith.constant 0 : i32
      %dma_wait3A_127 = arith.constant 0 : i32
      %dma_wait3A_128 = tpu.memref_slice %arg2[%dma_wait3A_126, %dma_wait3A_127] : memref<10240x128xf32, #tpu.memory_space<hbm>> -> memref<10240x128xf32, #tpu.memory_space<hbm>>
      tpu.wait_indirect_dma semaphore(%arg14 : memref<!tpu.dma_semaphore, #tpu.memory_space<semaphore_mem>>) src(%dma_wait3A_128 : memref<10240x128xf32, #tpu.memory_space<hbm>>) dst(%arg9 : memref<64x128xf32, #tpu.memory_space<vmem>>)
      %mul3A_129 = arith.constant 2 : i32
      %mul3A_130 = arith.muli %mul3A_129, %scan3A_101 : i32
      %add3A_131 = arith.constant 0 : i32
      %add3A_132 = arith.addi %mul3A_130, %add3A_131 : i32
      "tpu.region"() ({
        %run_scoped3A_182 = tpu.sem_alloc : memref<!tpu.dma_semaphore, #tpu.memory_space<semaphore_mem>>
        %dma_start3A_183 = arith.constant 64 : i32
        %dma_start3A_184 = tpu.memref_slice %arg7[%add3A_132, %dma_start3A_183] : memref<40x128xi32, #tpu.memory_space<vmem>> -> memref<1x64xi32, #tpu.memory_space<vmem>>
        %dma_start3A_185 = tpu.memref_squeeze %dma_start3A_184 : memref<1x64xi32, #tpu.memory_space<vmem>> -> memref<64xi32, #tpu.memory_space<vmem>>
        %dma_start3A_186 = arith.constant 0 : i32
        %dma_start3A_187 = arith.constant 0 : i32
        %dma_start3A_188 = tpu.memref_slice %arg12[%dma_start3A_186, %dma_start3A_187] : memref<10240x128xf32, #tpu.memory_space<vmem_shared>> -> memref<10240x128xf32, #tpu.memory_space<vmem_shared>>
        tpu.enqueue_indirect_dma source(%arg9 : memref<64x128xf32, #tpu.memory_space<vmem>>) target(%dma_start3A_188 : memref<10240x128xf32, #tpu.memory_space<vmem_shared>>) offsets(%dma_start3A_185 : memref<64xi32, #tpu.memory_space<vmem>>) semaphore(%run_scoped3A_182 : memref<!tpu.dma_semaphore, #tpu.memory_space<semaphore_mem>>) {add = true}
        %dma_wait3A_189 = arith.constant 64 : i32
        %dma_wait3A_190 = tpu.memref_slice %arg7[%add3A_132, %dma_wait3A_189] : memref<40x128xi32, #tpu.memory_space<vmem>> -> memref<1x64xi32, #tpu.memory_space<vmem>>
        %dma_wait3A_191 = tpu.memref_squeeze %dma_wait3A_190 : memref<1x64xi32, #tpu.memory_space<vmem>> -> memref<64xi32, #tpu.memory_space<vmem>>
        %dma_wait3A_192 = arith.constant 0 : i32
        %dma_wait3A_193 = arith.constant 0 : i32
        %dma_wait3A_194 = tpu.memref_slice %arg12[%dma_wait3A_192, %dma_wait3A_193] : memref<10240x128xf32, #tpu.memory_space<vmem_shared>> -> memref<10240x128xf32, #tpu.memory_space<vmem_shared>>
        tpu.wait_indirect_dma semaphore(%run_scoped3A_182 : memref<!tpu.dma_semaphore, #tpu.memory_space<semaphore_mem>>) src(%arg9 : memref<64x128xf32, #tpu.memory_space<vmem>>) dst(%dma_wait3A_194 : memref<10240x128xf32, #tpu.memory_space<vmem_shared>>)
        tpu.yield
      }) : () -> ()
      %add3A_133 = arith.constant 1 : i32
      %add3A_134 = arith.addi %scan3A_101, %add3A_133 : i32
      %lt3A_135 = arith.constant 20 : i32
      %lt3A_136 = arith.cmpi slt, %add3A_134, %lt3A_135 : i32
      %convert_element_type3A_137 = arith.extui %lt3A_136 : i1 to i32
      %cond3A_138 = arith.constant 0 : i32
      %cond3A_139 = arith.cmpi ne, %convert_element_type3A_137, %cond3A_138 : i32
      scf.if %cond3A_139 {
        %add3A_182 = arith.constant 1 : i32
        %add3A_183 = arith.addi %scan3A_101, %add3A_182 : i32
        %mul3A_184 = arith.constant 2 : i32
        %mul3A_185 = arith.muli %mul3A_184, %add3A_183 : i32
        %add3A_186 = arith.constant 0 : i32
        %add3A_187 = arith.addi %mul3A_185, %add3A_186 : i32
        %dma_start3A_188 = arith.constant 64 : i32
        %dma_start3A_189 = tpu.memref_slice %arg6[%add3A_187, %dma_start3A_188] : memref<40x128xi32, #tpu.memory_space<vmem>> -> memref<1x64xi32, #tpu.memory_space<vmem>>
        %dma_start3A_190 = tpu.memref_squeeze %dma_start3A_189 : memref<1x64xi32, #tpu.memory_space<vmem>> -> memref<64xi32, #tpu.memory_space<vmem>>
        %dma_start3A_191 = arith.constant 0 : i32
        %dma_start3A_192 = arith.constant 0 : i32
        %dma_start3A_193 = tpu.memref_slice %arg2[%dma_start3A_191, %dma_start3A_192] : memref<10240x128xf32, #tpu.memory_space<hbm>> -> memref<10240x128xf32, #tpu.memory_space<hbm>>
        tpu.enqueue_indirect_dma source(%dma_start3A_193 : memref<10240x128xf32, #tpu.memory_space<hbm>>) target(%arg9 : memref<64x128xf32, #tpu.memory_space<vmem>>) offsets(%dma_start3A_190 : memref<64xi32, #tpu.memory_space<vmem>>) semaphore(%arg14 : memref<!tpu.dma_semaphore, #tpu.memory_space<semaphore_mem>>)
      } else {
      }
      %mul3A_140 = arith.constant 2 : i32
      %mul3A_141 = arith.muli %mul3A_140, %scan3A_101 : i32
      %add3A_142 = arith.constant 1 : i32
      %add3A_143 = arith.addi %mul3A_141, %add3A_142 : i32
      %dma_wait3A_144 = arith.constant 0 : i32
      %dma_wait3A_145 = tpu.memref_slice %arg6[%add3A_143, %dma_wait3A_144] : memref<40x128xi32, #tpu.memory_space<vmem>> -> memref<1x64xi32, #tpu.memory_space<vmem>>
      %dma_wait3A_146 = tpu.memref_squeeze %dma_wait3A_145 : memref<1x64xi32, #tpu.memory_space<vmem>> -> memref<64xi32, #tpu.memory_space<vmem>>
      %dma_wait3A_147 = arith.constant 0 : i32
      %dma_wait3A_148 = arith.constant 0 : i32
      %dma_wait3A_149 = tpu.memref_slice %arg2[%dma_wait3A_147, %dma_wait3A_148] : memref<10240x128xf32, #tpu.memory_space<hbm>> -> memref<10240x128xf32, #tpu.memory_space<hbm>>
      tpu.wait_indirect_dma semaphore(%arg15 : memref<!tpu.dma_semaphore, #tpu.memory_space<semaphore_mem>>) src(%dma_wait3A_149 : memref<10240x128xf32, #tpu.memory_space<hbm>>) dst(%arg10 : memref<64x128xf32, #tpu.memory_space<vmem>>)
      %mul3A_150 = arith.constant 2 : i32
      %mul3A_151 = arith.muli %mul3A_150, %scan3A_101 : i32
      %add3A_152 = arith.constant 1 : i32
      %add3A_153 = arith.addi %mul3A_151, %add3A_152 : i32
      "tpu.region"() ({
        %run_scoped3A_182 = tpu.sem_alloc : memref<!tpu.dma_semaphore, #tpu.memory_space<semaphore_mem>>
        %dma_start3A_183 = arith.constant 0 : i32
        %dma_start3A_184 = tpu.memref_slice %arg7[%add3A_153, %dma_start3A_183] : memref<40x128xi32, #tpu.memory_space<vmem>> -> memref<1x64xi32, #tpu.memory_space<vmem>>
        %dma_start3A_185 = tpu.memref_squeeze %dma_start3A_184 : memref<1x64xi32, #tpu.memory_space<vmem>> -> memref<64xi32, #tpu.memory_space<vmem>>
        %dma_start3A_186 = arith.constant 0 : i32
        %dma_start3A_187 = arith.constant 0 : i32
        %dma_start3A_188 = tpu.memref_slice %arg12[%dma_start3A_186, %dma_start3A_187] : memref<10240x128xf32, #tpu.memory_space<vmem_shared>> -> memref<10240x128xf32, #tpu.memory_space<vmem_shared>>
        tpu.enqueue_indirect_dma source(%arg10 : memref<64x128xf32, #tpu.memory_space<vmem>>) target(%dma_start3A_188 : memref<10240x128xf32, #tpu.memory_space<vmem_shared>>) offsets(%dma_start3A_185 : memref<64xi32, #tpu.memory_space<vmem>>) semaphore(%run_scoped3A_182 : memref<!tpu.dma_semaphore, #tpu.memory_space<semaphore_mem>>) {add = true}
        %dma_wait3A_189 = arith.constant 0 : i32
        %dma_wait3A_190 = tpu.memref_slice %arg7[%add3A_153, %dma_wait3A_189] : memref<40x128xi32, #tpu.memory_space<vmem>> -> memref<1x64xi32, #tpu.memory_space<vmem>>
        %dma_wait3A_191 = tpu.memref_squeeze %dma_wait3A_190 : memref<1x64xi32, #tpu.memory_space<vmem>> -> memref<64xi32, #tpu.memory_space<vmem>>
        %dma_wait3A_192 = arith.constant 0 : i32
        %dma_wait3A_193 = arith.constant 0 : i32
        %dma_wait3A_194 = tpu.memref_slice %arg12[%dma_wait3A_192, %dma_wait3A_193] : memref<10240x128xf32, #tpu.memory_space<vmem_shared>> -> memref<10240x128xf32, #tpu.memory_space<vmem_shared>>
        tpu.wait_indirect_dma semaphore(%run_scoped3A_182 : memref<!tpu.dma_semaphore, #tpu.memory_space<semaphore_mem>>) src(%arg10 : memref<64x128xf32, #tpu.memory_space<vmem>>) dst(%dma_wait3A_194 : memref<10240x128xf32, #tpu.memory_space<vmem_shared>>)
        tpu.yield
      }) : () -> ()
      %add3A_154 = arith.constant 1 : i32
      %add3A_155 = arith.addi %scan3A_101, %add3A_154 : i32
      %lt3A_156 = arith.constant 20 : i32
      %lt3A_157 = arith.cmpi slt, %add3A_155, %lt3A_156 : i32
      %convert_element_type3A_158 = arith.extui %lt3A_157 : i1 to i32
      %cond3A_159 = arith.constant 0 : i32
      %cond3A_160 = arith.cmpi ne, %convert_element_type3A_158, %cond3A_159 : i32
      scf.if %cond3A_160 {
        %add3A_182 = arith.constant 1 : i32
        %add3A_183 = arith.addi %scan3A_101, %add3A_182 : i32
        %mul3A_184 = arith.constant 2 : i32
        %mul3A_185 = arith.muli %mul3A_184, %add3A_183 : i32
        %add3A_186 = arith.constant 1 : i32
        %add3A_187 = arith.addi %mul3A_185, %add3A_186 : i32
        %dma_start3A_188 = arith.constant 0 : i32
        %dma_start3A_189 = tpu.memref_slice %arg6[%add3A_187, %dma_start3A_188] : memref<40x128xi32, #tpu.memory_space<vmem>> -> memref<1x64xi32, #tpu.memory_space<vmem>>
        %dma_start3A_190 = tpu.memref_squeeze %dma_start3A_189 : memref<1x64xi32, #tpu.memory_space<vmem>> -> memref<64xi32, #tpu.memory_space<vmem>>
        %dma_start3A_191 = arith.constant 0 : i32
        %dma_start3A_192 = arith.constant 0 : i32
        %dma_start3A_193 = tpu.memref_slice %arg2[%dma_start3A_191, %dma_start3A_192] : memref<10240x128xf32, #tpu.memory_space<hbm>> -> memref<10240x128xf32, #tpu.memory_space<hbm>>
        tpu.enqueue_indirect_dma source(%dma_start3A_193 : memref<10240x128xf32, #tpu.memory_space<hbm>>) target(%arg10 : memref<64x128xf32, #tpu.memory_space<vmem>>) offsets(%dma_start3A_190 : memref<64xi32, #tpu.memory_space<vmem>>) semaphore(%arg15 : memref<!tpu.dma_semaphore, #tpu.memory_space<semaphore_mem>>)
      } else {
      }
      %mul3A_161 = arith.constant 2 : i32
      %mul3A_162 = arith.muli %mul3A_161, %scan3A_101 : i32
      %add3A_163 = arith.constant 1 : i32
      %add3A_164 = arith.addi %mul3A_162, %add3A_163 : i32
      %dma_wait3A_165 = arith.constant 64 : i32
      %dma_wait3A_166 = tpu.memref_slice %arg6[%add3A_164, %dma_wait3A_165] : memref<40x128xi32, #tpu.memory_space<vmem>> -> memref<1x64xi32, #tpu.memory_space<vmem>>
      %dma_wait3A_167 = tpu.memref_squeeze %dma_wait3A_166 : memref<1x64xi32, #tpu.memory_space<vmem>> -> memref<64xi32, #tpu.memory_space<vmem>>
      %dma_wait3A_168 = arith.constant 0 : i32
      %dma_wait3A_169 = arith.constant 0 : i32
      %dma_wait3A_170 = tpu.memref_slice %arg2[%dma_wait3A_168, %dma_wait3A_169] : memref<10240x128xf32, #tpu.memory_space<hbm>> -> memref<10240x128xf32, #tpu.memory_space<hbm>>
      tpu.wait_indirect_dma semaphore(%arg16 : memref<!tpu.dma_semaphore, #tpu.memory_space<semaphore_mem>>) src(%dma_wait3A_170 : memref<10240x128xf32, #tpu.memory_space<hbm>>) dst(%arg11 : memref<64x128xf32, #tpu.memory_space<vmem>>)
      %mul3A_171 = arith.constant 2 : i32
      %mul3A_172 = arith.muli %mul3A_171, %scan3A_101 : i32
      %add3A_173 = arith.constant 1 : i32
      %add3A_174 = arith.addi %mul3A_172, %add3A_173 : i32
      "tpu.region"() ({
        %run_scoped3A_182 = tpu.sem_alloc : memref<!tpu.dma_semaphore, #tpu.memory_space<semaphore_mem>>
        %dma_start3A_183 = arith.constant 64 : i32
        %dma_start3A_184 = tpu.memref_slice %arg7[%add3A_174, %dma_start3A_183] : memref<40x128xi32, #tpu.memory_space<vmem>> -> memref<1x64xi32, #tpu.memory_space<vmem>>
        %dma_start3A_185 = tpu.memref_squeeze %dma_start3A_184 : memref<1x64xi32, #tpu.memory_space<vmem>> -> memref<64xi32, #tpu.memory_space<vmem>>
        %dma_start3A_186 = arith.constant 0 : i32
        %dma_start3A_187 = arith.constant 0 : i32
        %dma_start3A_188 = tpu.memref_slice %arg12[%dma_start3A_186, %dma_start3A_187] : memref<10240x128xf32, #tpu.memory_space<vmem_shared>> -> memref<10240x128xf32, #tpu.memory_space<vmem_shared>>
        tpu.enqueue_indirect_dma source(%arg11 : memref<64x128xf32, #tpu.memory_space<vmem>>) target(%dma_start3A_188 : memref<10240x128xf32, #tpu.memory_space<vmem_shared>>) offsets(%dma_start3A_185 : memref<64xi32, #tpu.memory_space<vmem>>) semaphore(%run_scoped3A_182 : memref<!tpu.dma_semaphore, #tpu.memory_space<semaphore_mem>>) {add = true}
        %dma_wait3A_189 = arith.constant 64 : i32
        %dma_wait3A_190 = tpu.memref_slice %arg7[%add3A_174, %dma_wait3A_189] : memref<40x128xi32, #tpu.memory_space<vmem>> -> memref<1x64xi32, #tpu.memory_space<vmem>>
        %dma_wait3A_191 = tpu.memref_squeeze %dma_wait3A_190 : memref<1x64xi32, #tpu.memory_space<vmem>> -> memref<64xi32, #tpu.memory_space<vmem>>
        %dma_wait3A_192 = arith.constant 0 : i32
        %dma_wait3A_193 = arith.constant 0 : i32
        %dma_wait3A_194 = tpu.memref_slice %arg12[%dma_wait3A_192, %dma_wait3A_193] : memref<10240x128xf32, #tpu.memory_space<vmem_shared>> -> memref<10240x128xf32, #tpu.memory_space<vmem_shared>>
        tpu.wait_indirect_dma semaphore(%run_scoped3A_182 : memref<!tpu.dma_semaphore, #tpu.memory_space<semaphore_mem>>) src(%arg11 : memref<64x128xf32, #tpu.memory_space<vmem>>) dst(%dma_wait3A_194 : memref<10240x128xf32, #tpu.memory_space<vmem_shared>>)
        tpu.yield
      }) : () -> ()
      %add3A_175 = arith.constant 1 : i32
      %add3A_176 = arith.addi %scan3A_101, %add3A_175 : i32
      %lt3A_177 = arith.constant 20 : i32
      %lt3A_178 = arith.cmpi slt, %add3A_176, %lt3A_177 : i32
      %convert_element_type3A_179 = arith.extui %lt3A_178 : i1 to i32
      %cond3A_180 = arith.constant 0 : i32
      %cond3A_181 = arith.cmpi ne, %convert_element_type3A_179, %cond3A_180 : i32
      scf.if %cond3A_181 {
        %add3A_182 = arith.constant 1 : i32
        %add3A_183 = arith.addi %scan3A_101, %add3A_182 : i32
        %mul3A_184 = arith.constant 2 : i32
        %mul3A_185 = arith.muli %mul3A_184, %add3A_183 : i32
        %add3A_186 = arith.constant 1 : i32
        %add3A_187 = arith.addi %mul3A_185, %add3A_186 : i32
        %dma_start3A_188 = arith.constant 64 : i32
        %dma_start3A_189 = tpu.memref_slice %arg6[%add3A_187, %dma_start3A_188] : memref<40x128xi32, #tpu.memory_space<vmem>> -> memref<1x64xi32, #tpu.memory_space<vmem>>
        %dma_start3A_190 = tpu.memref_squeeze %dma_start3A_189 : memref<1x64xi32, #tpu.memory_space<vmem>> -> memref<64xi32, #tpu.memory_space<vmem>>
        %dma_start3A_191 = arith.constant 0 : i32
        %dma_start3A_192 = arith.constant 0 : i32
        %dma_start3A_193 = tpu.memref_slice %arg2[%dma_start3A_191, %dma_start3A_192] : memref<10240x128xf32, #tpu.memory_space<hbm>> -> memref<10240x128xf32, #tpu.memory_space<hbm>>
        tpu.enqueue_indirect_dma source(%dma_start3A_193 : memref<10240x128xf32, #tpu.memory_space<hbm>>) target(%arg11 : memref<64x128xf32, #tpu.memory_space<vmem>>) offsets(%dma_start3A_190 : memref<64xi32, #tpu.memory_space<vmem>>) semaphore(%arg16 : memref<!tpu.dma_semaphore, #tpu.memory_space<semaphore_mem>>)
      } else {
      }
    }
    %scan3A_89 = arith.constant 20 : i32
    %barrier3A_90 = arith.constant 0 : index
    tpu.barrier barrier_id(%barrier3A_90)
    %add3A_91 = arith.constant 0 : i32
    %add3A_92 = arith.addi %mul3A_2, %add3A_91 : i32
    "tpu.region"() ({
      %run_scoped3A_101 = tpu.sem_alloc : memref<!tpu.dma_semaphore, #tpu.memory_space<semaphore_mem>>
      %dma_start3A_102 = arith.constant 0 : i32
      %dma_start3A_103 = tpu.memref_slice %arg5[%arg0, %add3A_92, %dma_start3A_102] : memref<2x10240x128xf32, #tpu.memory_space<hbm>> -> memref<1x128x128xf32, #tpu.memory_space<hbm>>
      %dma_start3A_104 = tpu.memref_squeeze %dma_start3A_103 : memref<1x128x128xf32, #tpu.memory_space<hbm>> -> memref<128x128xf32, #tpu.memory_space<hbm>>
      %dma_start3A_105 = arith.constant 0 : i32
      %dma_start3A_106 = tpu.memref_slice %arg12[%add3A_92, %dma_start3A_105] : memref<10240x128xf32, #tpu.memory_space<vmem_shared>> -> memref<128x128xf32, #tpu.memory_space<vmem_shared>>
      tpu.enqueue_dma source(%dma_start3A_106 : memref<128x128xf32, #tpu.memory_space<vmem_shared>>) target(%dma_start3A_104 : memref<128x128xf32, #tpu.memory_space<hbm>>) target_semaphore(%run_scoped3A_101 : memref<!tpu.dma_semaphore, #tpu.memory_space<semaphore_mem>>)
      %dma_wait3A = arith.constant 0 : i32
      %dma_wait3A_107 = tpu.memref_slice %arg5[%arg0, %add3A_92, %dma_wait3A] : memref<2x10240x128xf32, #tpu.memory_space<hbm>> -> memref<1x128x128xf32, #tpu.memory_space<hbm>>
      %dma_wait3A_108 = tpu.memref_squeeze %dma_wait3A_107 : memref<1x128x128xf32, #tpu.memory_space<hbm>> -> memref<128x128xf32, #tpu.memory_space<hbm>>
      %dma_wait3A_109 = arith.constant 0 : i32
      %dma_wait3A_110 = tpu.memref_slice %arg12[%add3A_92, %dma_wait3A_109] : memref<10240x128xf32, #tpu.memory_space<vmem_shared>> -> memref<128x128xf32, #tpu.memory_space<vmem_shared>>
      tpu.wait_dma2 semaphore(%run_scoped3A_101 : memref<!tpu.dma_semaphore, #tpu.memory_space<semaphore_mem>>) src(%dma_wait3A_110 : memref<128x128xf32, #tpu.memory_space<vmem_shared>>) dst(%dma_wait3A_108 : memref<128x128xf32, #tpu.memory_space<hbm>>)
      tpu.yield
    }) : () -> ()
    %add3A_93 = arith.constant 128 : i32
    %add3A_94 = arith.addi %mul3A_2, %add3A_93 : i32
    "tpu.region"() ({
      %run_scoped3A_101 = tpu.sem_alloc : memref<!tpu.dma_semaphore, #tpu.memory_space<semaphore_mem>>
      %dma_start3A_102 = arith.constant 0 : i32
      %dma_start3A_103 = tpu.memref_slice %arg5[%arg0, %add3A_94, %dma_start3A_102] : memref<2x10240x128xf32, #tpu.memory_space<hbm>> -> memref<1x128x128xf32, #tpu.memory_space<hbm>>
      %dma_start3A_104 = tpu.memref_squeeze %dma_start3A_103 : memref<1x128x128xf32, #tpu.memory_space<hbm>> -> memref<128x128xf32, #tpu.memory_space<hbm>>
      %dma_start3A_105 = arith.constant 0 : i32
      %dma_start3A_106 = tpu.memref_slice %arg12[%add3A_94, %dma_start3A_105] : memref<10240x128xf32, #tpu.memory_space<vmem_shared>> -> memref<128x128xf32, #tpu.memory_space<vmem_shared>>
      tpu.enqueue_dma source(%dma_start3A_106 : memref<128x128xf32, #tpu.memory_space<vmem_shared>>) target(%dma_start3A_104 : memref<128x128xf32, #tpu.memory_space<hbm>>) target_semaphore(%run_scoped3A_101 : memref<!tpu.dma_semaphore, #tpu.memory_space<semaphore_mem>>)
      %dma_wait3A = arith.constant 0 : i32
      %dma_wait3A_107 = tpu.memref_slice %arg5[%arg0, %add3A_94, %dma_wait3A] : memref<2x10240x128xf32, #tpu.memory_space<hbm>> -> memref<1x128x128xf32, #tpu.memory_space<hbm>>
      %dma_wait3A_108 = tpu.memref_squeeze %dma_wait3A_107 : memref<1x128x128xf32, #tpu.memory_space<hbm>> -> memref<128x128xf32, #tpu.memory_space<hbm>>
      %dma_wait3A_109 = arith.constant 0 : i32
      %dma_wait3A_110 = tpu.memref_slice %arg12[%add3A_94, %dma_wait3A_109] : memref<10240x128xf32, #tpu.memory_space<vmem_shared>> -> memref<128x128xf32, #tpu.memory_space<vmem_shared>>
      tpu.wait_dma2 semaphore(%run_scoped3A_101 : memref<!tpu.dma_semaphore, #tpu.memory_space<semaphore_mem>>) src(%dma_wait3A_110 : memref<128x128xf32, #tpu.memory_space<vmem_shared>>) dst(%dma_wait3A_108 : memref<128x128xf32, #tpu.memory_space<hbm>>)
      tpu.yield
    }) : () -> ()
    %add3A_95 = arith.constant 256 : i32
    %add3A_96 = arith.addi %mul3A_2, %add3A_95 : i32
    "tpu.region"() ({
      %run_scoped3A_101 = tpu.sem_alloc : memref<!tpu.dma_semaphore, #tpu.memory_space<semaphore_mem>>
      %dma_start3A_102 = arith.constant 0 : i32
      %dma_start3A_103 = tpu.memref_slice %arg5[%arg0, %add3A_96, %dma_start3A_102] : memref<2x10240x128xf32, #tpu.memory_space<hbm>> -> memref<1x128x128xf32, #tpu.memory_space<hbm>>
      %dma_start3A_104 = tpu.memref_squeeze %dma_start3A_103 : memref<1x128x128xf32, #tpu.memory_space<hbm>> -> memref<128x128xf32, #tpu.memory_space<hbm>>
      %dma_start3A_105 = arith.constant 0 : i32
      %dma_start3A_106 = tpu.memref_slice %arg12[%add3A_96, %dma_start3A_105] : memref<10240x128xf32, #tpu.memory_space<vmem_shared>> -> memref<128x128xf32, #tpu.memory_space<vmem_shared>>
      tpu.enqueue_dma source(%dma_start3A_106 : memref<128x128xf32, #tpu.memory_space<vmem_shared>>) target(%dma_start3A_104 : memref<128x128xf32, #tpu.memory_space<hbm>>) target_semaphore(%run_scoped3A_101 : memref<!tpu.dma_semaphore, #tpu.memory_space<semaphore_mem>>)
      %dma_wait3A = arith.constant 0 : i32
      %dma_wait3A_107 = tpu.memref_slice %arg5[%arg0, %add3A_96, %dma_wait3A] : memref<2x10240x128xf32, #tpu.memory_space<hbm>> -> memref<1x128x128xf32, #tpu.memory_space<hbm>>
      %dma_wait3A_108 = tpu.memref_squeeze %dma_wait3A_107 : memref<1x128x128xf32, #tpu.memory_space<hbm>> -> memref<128x128xf32, #tpu.memory_space<hbm>>
      %dma_wait3A_109 = arith.constant 0 : i32
      %dma_wait3A_110 = tpu.memref_slice %arg12[%add3A_96, %dma_wait3A_109] : memref<10240x128xf32, #tpu.memory_space<vmem_shared>> -> memref<128x128xf32, #tpu.memory_space<vmem_shared>>
      tpu.wait_dma2 semaphore(%run_scoped3A_101 : memref<!tpu.dma_semaphore, #tpu.memory_space<semaphore_mem>>) src(%dma_wait3A_110 : memref<128x128xf32, #tpu.memory_space<vmem_shared>>) dst(%dma_wait3A_108 : memref<128x128xf32, #tpu.memory_space<hbm>>)
      tpu.yield
    }) : () -> ()
    %add3A_97 = arith.constant 384 : i32
    %add3A_98 = arith.addi %mul3A_2, %add3A_97 : i32
    "tpu.region"() ({
      %run_scoped3A_101 = tpu.sem_alloc : memref<!tpu.dma_semaphore, #tpu.memory_space<semaphore_mem>>
      %dma_start3A_102 = arith.constant 0 : i32
      %dma_start3A_103 = tpu.memref_slice %arg5[%arg0, %add3A_98, %dma_start3A_102] : memref<2x10240x128xf32, #tpu.memory_space<hbm>> -> memref<1x128x128xf32, #tpu.memory_space<hbm>>
      %dma_start3A_104 = tpu.memref_squeeze %dma_start3A_103 : memref<1x128x128xf32, #tpu.memory_space<hbm>> -> memref<128x128xf32, #tpu.memory_space<hbm>>
      %dma_start3A_105 = arith.constant 0 : i32
      %dma_start3A_106 = tpu.memref_slice %arg12[%add3A_98, %dma_start3A_105] : memref<10240x128xf32, #tpu.memory_space<vmem_shared>> -> memref<128x128xf32, #tpu.memory_space<vmem_shared>>
      tpu.enqueue_dma source(%dma_start3A_106 : memref<128x128xf32, #tpu.memory_space<vmem_shared>>) target(%dma_start3A_104 : memref<128x128xf32, #tpu.memory_space<hbm>>) target_semaphore(%run_scoped3A_101 : memref<!tpu.dma_semaphore, #tpu.memory_space<semaphore_mem>>)
      %dma_wait3A = arith.constant 0 : i32
      %dma_wait3A_107 = tpu.memref_slice %arg5[%arg0, %add3A_98, %dma_wait3A] : memref<2x10240x128xf32, #tpu.memory_space<hbm>> -> memref<1x128x128xf32, #tpu.memory_space<hbm>>
      %dma_wait3A_108 = tpu.memref_squeeze %dma_wait3A_107 : memref<1x128x128xf32, #tpu.memory_space<hbm>> -> memref<128x128xf32, #tpu.memory_space<hbm>>
      %dma_wait3A_109 = arith.constant 0 : i32
      %dma_wait3A_110 = tpu.memref_slice %arg12[%add3A_98, %dma_wait3A_109] : memref<10240x128xf32, #tpu.memory_space<vmem_shared>> -> memref<128x128xf32, #tpu.memory_space<vmem_shared>>
      tpu.wait_dma2 semaphore(%run_scoped3A_101 : memref<!tpu.dma_semaphore, #tpu.memory_space<semaphore_mem>>) src(%dma_wait3A_110 : memref<128x128xf32, #tpu.memory_space<vmem_shared>>) dst(%dma_wait3A_108 : memref<128x128xf32, #tpu.memory_space<hbm>>)
      tpu.yield
    }) : () -> ()
    %add3A_99 = arith.constant 512 : i32
    %add3A_100 = arith.addi %mul3A_2, %add3A_99 : i32
    "tpu.region"() ({
      %run_scoped3A_101 = tpu.sem_alloc : memref<!tpu.dma_semaphore, #tpu.memory_space<semaphore_mem>>
      %dma_start3A_102 = arith.constant 0 : i32
      %dma_start3A_103 = tpu.memref_slice %arg5[%arg0, %add3A_100, %dma_start3A_102] : memref<2x10240x128xf32, #tpu.memory_space<hbm>> -> memref<1x128x128xf32, #tpu.memory_space<hbm>>
      %dma_start3A_104 = tpu.memref_squeeze %dma_start3A_103 : memref<1x128x128xf32, #tpu.memory_space<hbm>> -> memref<128x128xf32, #tpu.memory_space<hbm>>
      %dma_start3A_105 = arith.constant 0 : i32
      %dma_start3A_106 = tpu.memref_slice %arg12[%add3A_100, %dma_start3A_105] : memref<10240x128xf32, #tpu.memory_space<vmem_shared>> -> memref<128x128xf32, #tpu.memory_space<vmem_shared>>
      tpu.enqueue_dma source(%dma_start3A_106 : memref<128x128xf32, #tpu.memory_space<vmem_shared>>) target(%dma_start3A_104 : memref<128x128xf32, #tpu.memory_space<hbm>>) target_semaphore(%run_scoped3A_101 : memref<!tpu.dma_semaphore, #tpu.memory_space<semaphore_mem>>)
      %dma_wait3A = arith.constant 0 : i32
      %dma_wait3A_107 = tpu.memref_slice %arg5[%arg0, %add3A_100, %dma_wait3A] : memref<2x10240x128xf32, #tpu.memory_space<hbm>> -> memref<1x128x128xf32, #tpu.memory_space<hbm>>
      %dma_wait3A_108 = tpu.memref_squeeze %dma_wait3A_107 : memref<1x128x128xf32, #tpu.memory_space<hbm>> -> memref<128x128xf32, #tpu.memory_space<hbm>>
      %dma_wait3A_109 = arith.constant 0 : i32
      %dma_wait3A_110 = tpu.memref_slice %arg12[%add3A_100, %dma_wait3A_109] : memref<10240x128xf32, #tpu.memory_space<vmem_shared>> -> memref<128x128xf32, #tpu.memory_space<vmem_shared>>
      tpu.wait_dma2 semaphore(%run_scoped3A_101 : memref<!tpu.dma_semaphore, #tpu.memory_space<semaphore_mem>>) src(%dma_wait3A_110 : memref<128x128xf32, #tpu.memory_space<vmem_shared>>) dst(%dma_wait3A_108 : memref<128x128xf32, #tpu.memory_space<hbm>>)
      tpu.yield
    }) : () -> ()
    return
  }
}

#map = affine_map<(d0, d1) -> (0, 0, 0)>
#map1 = affine_map<(d0, d1) -> (0)>
#map2 = affine_map<(d0, d1) -> (0, 0)>
module attributes {stable_mosaic.version = 14 : i64} {
  func.func @_sc_degree(%arg0: i32, %arg1: i32, %arg2: memref<2x2560x128xi32, #tpu.memory_space<hbm>>, %arg3: memref<128xf32, #tpu.memory_space<hbm>>, %arg4: memref<640xf32, #tpu.memory_space<hbm>>, %arg5: memref<2x10240xf32, #tpu.memory_space<hbm>>, %arg6: memref<80x128xi32, #tpu.memory_space<vmem>>, %arg7: memref<128xf32, #tpu.memory_space<vmem>>, %arg8: memref<10240xf32, #tpu.memory_space<vmem_shared>>) attributes {dimension_semantics = [#tpu.dimension_semantics<core_parallel>, #tpu.dimension_semantics<subcore_parallel>], iteration_bounds = array<i64: 2, 16>, scalar_prefetch = 0 : i64, scratch_operands = 3 : i64, tpu.core_type = #tpu.core_type<sc_vector_subcore>, window_params = [{transform_indices = #map}, {transform_indices = #map1}, {transform_indices = #map1}, {transform_indices = #map2}]} {
    %mul3A = arith.constant 2 : i32
    %mul3A_0 = arith.muli %arg1, %mul3A : i32
    %add3A = arith.addi %mul3A_0, %arg0 : i32
    %mul3A_1 = arith.constant 640 : i32
    %mul3A_2 = arith.muli %arg1, %mul3A_1 : i32
    "tpu.region"() ({
      %run_scoped3A_11 = tpu.sem_alloc : memref<!tpu.dma_semaphore, #tpu.memory_space<semaphore_mem>>
      %dma_start3A = tpu.memref_slice %arg8[%mul3A_2] : memref<10240xf32, #tpu.memory_space<vmem_shared>> -> memref<640xf32, #tpu.memory_space<vmem_shared>>
      tpu.enqueue_dma source(%arg4 : memref<640xf32, #tpu.memory_space<hbm>>) target(%dma_start3A : memref<640xf32, #tpu.memory_space<vmem_shared>>) target_semaphore(%run_scoped3A_11 : memref<!tpu.dma_semaphore, #tpu.memory_space<semaphore_mem>>)
      %dma_wait3A = tpu.memref_slice %arg8[%mul3A_2] : memref<10240xf32, #tpu.memory_space<vmem_shared>> -> memref<640xf32, #tpu.memory_space<vmem_shared>>
      tpu.wait_dma2 semaphore(%run_scoped3A_11 : memref<!tpu.dma_semaphore, #tpu.memory_space<semaphore_mem>>) src(%arg4 : memref<640xf32, #tpu.memory_space<hbm>>) dst(%dma_wait3A : memref<640xf32, #tpu.memory_space<vmem_shared>>)
      tpu.yield
    }) : () -> ()
    %mul3A_3 = arith.constant 80 : i32
    %mul3A_4 = arith.muli %add3A, %mul3A_3 : i32
    %run_scoped3A = arith.constant 1 : i32
    "tpu.region"() ({
      %run_scoped3A_11 = tpu.sem_alloc : memref<!tpu.dma_semaphore, #tpu.memory_space<semaphore_mem>>
      %dma_start3A = arith.constant 0 : i32
      %dma_start3A_12 = tpu.memref_slice %arg2[%run_scoped3A, %mul3A_4, %dma_start3A] : memref<2x2560x128xi32, #tpu.memory_space<hbm>> -> memref<1x80x128xi32, #tpu.memory_space<hbm>>
      %dma_start3A_13 = tpu.memref_squeeze %dma_start3A_12 : memref<1x80x128xi32, #tpu.memory_space<hbm>> -> memref<80x128xi32, #tpu.memory_space<hbm>>
      %dma_start3A_14 = arith.constant 0 : i32
      %dma_start3A_15 = tpu.memref_slice %arg2[%run_scoped3A, %mul3A_4, %dma_start3A_14] : memref<2x2560x128xi32, #tpu.memory_space<hbm>> -> memref<1x80x128xi32, #tpu.memory_space<hbm>>
      %dma_start3A_16 = tpu.memref_squeeze %dma_start3A_15 : memref<1x80x128xi32, #tpu.memory_space<hbm>> -> memref<80x128xi32, #tpu.memory_space<hbm>>
      tpu.enqueue_dma source(%dma_start3A_16 : memref<80x128xi32, #tpu.memory_space<hbm>>) target(%arg6 : memref<80x128xi32, #tpu.memory_space<vmem>>) target_semaphore(%run_scoped3A_11 : memref<!tpu.dma_semaphore, #tpu.memory_space<semaphore_mem>>)
      %dma_wait3A = arith.constant 0 : i32
      %dma_wait3A_17 = tpu.memref_slice %arg2[%run_scoped3A, %mul3A_4, %dma_wait3A] : memref<2x2560x128xi32, #tpu.memory_space<hbm>> -> memref<1x80x128xi32, #tpu.memory_space<hbm>>
      %dma_wait3A_18 = tpu.memref_squeeze %dma_wait3A_17 : memref<1x80x128xi32, #tpu.memory_space<hbm>> -> memref<80x128xi32, #tpu.memory_space<hbm>>
      %dma_wait3A_19 = arith.constant 0 : i32
      %dma_wait3A_20 = tpu.memref_slice %arg2[%run_scoped3A, %mul3A_4, %dma_wait3A_19] : memref<2x2560x128xi32, #tpu.memory_space<hbm>> -> memref<1x80x128xi32, #tpu.memory_space<hbm>>
      %dma_wait3A_21 = tpu.memref_squeeze %dma_wait3A_20 : memref<1x80x128xi32, #tpu.memory_space<hbm>> -> memref<80x128xi32, #tpu.memory_space<hbm>>
      tpu.wait_dma2 semaphore(%run_scoped3A_11 : memref<!tpu.dma_semaphore, #tpu.memory_space<semaphore_mem>>) src(%dma_wait3A_21 : memref<80x128xi32, #tpu.memory_space<hbm>>) dst(%arg6 : memref<80x128xi32, #tpu.memory_space<vmem>>)
      tpu.yield
    }) : () -> ()
    "tpu.region"() ({
      %run_scoped3A_11 = tpu.sem_alloc : memref<!tpu.dma_semaphore, #tpu.memory_space<semaphore_mem>>
      tpu.enqueue_dma source(%arg3 : memref<128xf32, #tpu.memory_space<hbm>>) target(%arg7 : memref<128xf32, #tpu.memory_space<vmem>>) target_semaphore(%run_scoped3A_11 : memref<!tpu.dma_semaphore, #tpu.memory_space<semaphore_mem>>)
      tpu.wait_dma2 semaphore(%run_scoped3A_11 : memref<!tpu.dma_semaphore, #tpu.memory_space<semaphore_mem>>) src(%arg3 : memref<128xf32, #tpu.memory_space<hbm>>) dst(%arg7 : memref<128xf32, #tpu.memory_space<vmem>>)
      tpu.yield
    }) : () -> ()
    %barrier3A = arith.constant 0 : index
    tpu.barrier barrier_id(%barrier3A)
    %scan3A = arith.constant 0 : i32
    %scan3A_5 = arith.constant 0 : i32
    %scan3A_6 = arith.constant 80 : i32
    %scan3A_7 = arith.addi %scan3A_5, %scan3A_6 : i32
    %scan3A_8 = arith.constant 1 : i32
    scf.for %scan3A_11 = %scan3A_5 to %scan3A_7 step %scan3A_8  : i32 {
      "tpu.region"() ({
        %run_scoped3A_12 = tpu.sem_alloc : memref<!tpu.dma_semaphore, #tpu.memory_space<semaphore_mem>>
        %dma_start3A = arith.constant 0 : i32
        %dma_start3A_13 = tpu.memref_slice %arg6[%scan3A_11, %dma_start3A] : memref<80x128xi32, #tpu.memory_space<vmem>> -> memref<1x128xi32, #tpu.memory_space<vmem>>
        %dma_start3A_14 = tpu.memref_squeeze %dma_start3A_13 : memref<1x128xi32, #tpu.memory_space<vmem>> -> memref<128xi32, #tpu.memory_space<vmem>>
        %dma_start3A_15 = arith.constant 0 : i32
        %dma_start3A_16 = tpu.memref_slice %arg8[%dma_start3A_15] : memref<10240xf32, #tpu.memory_space<vmem_shared>> -> memref<10240xf32, #tpu.memory_space<vmem_shared>>
        tpu.enqueue_indirect_dma source(%arg7 : memref<128xf32, #tpu.memory_space<vmem>>) target(%dma_start3A_16 : memref<10240xf32, #tpu.memory_space<vmem_shared>>) offsets(%dma_start3A_14 : memref<128xi32, #tpu.memory_space<vmem>>) semaphore(%run_scoped3A_12 : memref<!tpu.dma_semaphore, #tpu.memory_space<semaphore_mem>>) {add = true}
        %dma_wait3A = arith.constant 0 : i32
        %dma_wait3A_17 = tpu.memref_slice %arg6[%scan3A_11, %dma_wait3A] : memref<80x128xi32, #tpu.memory_space<vmem>> -> memref<1x128xi32, #tpu.memory_space<vmem>>
        %dma_wait3A_18 = tpu.memref_squeeze %dma_wait3A_17 : memref<1x128xi32, #tpu.memory_space<vmem>> -> memref<128xi32, #tpu.memory_space<vmem>>
        %dma_wait3A_19 = arith.constant 0 : i32
        %dma_wait3A_20 = tpu.memref_slice %arg8[%dma_wait3A_19] : memref<10240xf32, #tpu.memory_space<vmem_shared>> -> memref<10240xf32, #tpu.memory_space<vmem_shared>>
        tpu.wait_indirect_dma semaphore(%run_scoped3A_12 : memref<!tpu.dma_semaphore, #tpu.memory_space<semaphore_mem>>) src(%arg7 : memref<128xf32, #tpu.memory_space<vmem>>) dst(%dma_wait3A_20 : memref<10240xf32, #tpu.memory_space<vmem_shared>>)
        tpu.yield
      }) : () -> ()
    }
    %scan3A_9 = arith.constant 80 : i32
    %barrier3A_10 = arith.constant 0 : index
    tpu.barrier barrier_id(%barrier3A_10)
    "tpu.region"() ({
      %run_scoped3A_11 = tpu.sem_alloc : memref<!tpu.dma_semaphore, #tpu.memory_space<semaphore_mem>>
      %dma_start3A = tpu.memref_slice %arg5[%arg0, %mul3A_2] : memref<2x10240xf32, #tpu.memory_space<hbm>> -> memref<1x640xf32, #tpu.memory_space<hbm>>
      %dma_start3A_12 = tpu.memref_squeeze %dma_start3A : memref<1x640xf32, #tpu.memory_space<hbm>> -> memref<640xf32, #tpu.memory_space<hbm>>
      %dma_start3A_13 = tpu.memref_slice %arg8[%mul3A_2] : memref<10240xf32, #tpu.memory_space<vmem_shared>> -> memref<640xf32, #tpu.memory_space<vmem_shared>>
      tpu.enqueue_dma source(%dma_start3A_13 : memref<640xf32, #tpu.memory_space<vmem_shared>>) target(%dma_start3A_12 : memref<640xf32, #tpu.memory_space<hbm>>) target_semaphore(%run_scoped3A_11 : memref<!tpu.dma_semaphore, #tpu.memory_space<semaphore_mem>>)
      %dma_wait3A = tpu.memref_slice %arg5[%arg0, %mul3A_2] : memref<2x10240xf32, #tpu.memory_space<hbm>> -> memref<1x640xf32, #tpu.memory_space<hbm>>
      %dma_wait3A_14 = tpu.memref_squeeze %dma_wait3A : memref<1x640xf32, #tpu.memory_space<hbm>> -> memref<640xf32, #tpu.memory_space<hbm>>
      %dma_wait3A_15 = tpu.memref_slice %arg8[%mul3A_2] : memref<10240xf32, #tpu.memory_space<vmem_shared>> -> memref<640xf32, #tpu.memory_space<vmem_shared>>
      tpu.wait_dma2 semaphore(%run_scoped3A_11 : memref<!tpu.dma_semaphore, #tpu.memory_space<semaphore_mem>>) src(%dma_wait3A_15 : memref<640xf32, #tpu.memory_space<vmem_shared>>) dst(%dma_wait3A_14 : memref<640xf32, #tpu.memory_space<hbm>>)
      tpu.yield
    }) : () -> ()
    return
  }
}

#map = affine_map<(d0, d1) -> (0, 0)>
#map1 = affine_map<(d0, d1) -> (0, 0, 0)>
module attributes {stable_mosaic.version = 14 : i64} {
  func.func @_scat(%arg0: i32, %arg1: i32, %arg2: memref<10000x128xf32, #tpu.memory_space<hbm>>, %arg3: memref<2x2560x128xi32, #tpu.memory_space<hbm>>, %arg4: memref<128x128xf32, #tpu.memory_space<hbm>>, %arg5: memref<2x10240x128xf32, #tpu.memory_space<hbm>>, %arg6: memref<40x128xi32, #tpu.memory_space<vmem>>, %arg7: memref<40x128xi32, #tpu.memory_space<vmem>>, %arg8: memref<64x128xf32, #tpu.memory_space<vmem>>, %arg9: memref<64x128xf32, #tpu.memory_space<vmem>>, %arg10: memref<64x128xf32, #tpu.memory_space<vmem>>, %arg11: memref<64x128xf32, #tpu.memory_space<vmem>>, %arg12: memref<10240x128xf32, #tpu.memory_space<vmem_shared>>, %arg13: memref<!tpu.dma_semaphore, #tpu.memory_space<semaphore_mem>>, %arg14: memref<!tpu.dma_semaphore, #tpu.memory_space<semaphore_mem>>, %arg15: memref<!tpu.dma_semaphore, #tpu.memory_space<semaphore_mem>>, %arg16: memref<!tpu.dma_semaphore, #tpu.memory_space<semaphore_mem>>) attributes {dimension_semantics = [#tpu.dimension_semantics<core_parallel>, #tpu.dimension_semantics<subcore_parallel>], iteration_bounds = array<i64: 2, 16>, scalar_prefetch = 0 : i64, scratch_operands = 11 : i64, tpu.core_type = #tpu.core_type<sc_vector_subcore>, window_params = [{transform_indices = #map}, {transform_indices = #map1}, {transform_indices = #map}, {transform_indices = #map1}]} {
    %mul3A = arith.constant 2 : i32
    %mul3A_0 = arith.muli %arg1, %mul3A : i32
    %add3A = arith.addi %mul3A_0, %arg0 : i32
    %mul3A_1 = arith.constant 640 : i32
    %mul3A_2 = arith.muli %arg1, %mul3A_1 : i32
    %add3A_3 = arith.constant 0 : i32
    %add3A_4 = arith.addi %mul3A_2, %add3A_3 : i32
    "tpu.region"() ({
      %run_scoped3A_101 = tpu.sem_alloc : memref<!tpu.dma_semaphore, #tpu.memory_space<semaphore_mem>>
      %dma_start3A_102 = arith.constant 0 : i32
      %dma_start3A_103 = tpu.memref_slice %arg12[%add3A_4, %dma_start3A_102] : memref<10240x128xf32, #tpu.memory_space<vmem_shared>> -> memref<128x128xf32, #tpu.memory_space<vmem_shared>>
      tpu.enqueue_dma source(%arg4 : memref<128x128xf32, #tpu.memory_space<hbm>>) target(%dma_start3A_103 : memref<128x128xf32, #tpu.memory_space<vmem_shared>>) target_semaphore(%run_scoped3A_101 : memref<!tpu.dma_semaphore, #tpu.memory_space<semaphore_mem>>)
      %dma_wait3A = arith.constant 0 : i32
      %dma_wait3A_104 = tpu.memref_slice %arg12[%add3A_4, %dma_wait3A] : memref<10240x128xf32, #tpu.memory_space<vmem_shared>> -> memref<128x128xf32, #tpu.memory_space<vmem_shared>>
      tpu.wait_dma2 semaphore(%run_scoped3A_101 : memref<!tpu.dma_semaphore, #tpu.memory_space<semaphore_mem>>) src(%arg4 : memref<128x128xf32, #tpu.memory_space<hbm>>) dst(%dma_wait3A_104 : memref<128x128xf32, #tpu.memory_space<vmem_shared>>)
      tpu.yield
    }) : () -> ()
    %add3A_5 = arith.constant 128 : i32
    %add3A_6 = arith.addi %mul3A_2, %add3A_5 : i32
    "tpu.region"() ({
      %run_scoped3A_101 = tpu.sem_alloc : memref<!tpu.dma_semaphore, #tpu.memory_space<semaphore_mem>>
      %dma_start3A_102 = arith.constant 0 : i32
      %dma_start3A_103 = tpu.memref_slice %arg12[%add3A_6, %dma_start3A_102] : memref<10240x128xf32, #tpu.memory_space<vmem_shared>> -> memref<128x128xf32, #tpu.memory_space<vmem_shared>>
      tpu.enqueue_dma source(%arg4 : memref<128x128xf32, #tpu.memory_space<hbm>>) target(%dma_start3A_103 : memref<128x128xf32, #tpu.memory_space<vmem_shared>>) target_semaphore(%run_scoped3A_101 : memref<!tpu.dma_semaphore, #tpu.memory_space<semaphore_mem>>)
      %dma_wait3A = arith.constant 0 : i32
      %dma_wait3A_104 = tpu.memref_slice %arg12[%add3A_6, %dma_wait3A] : memref<10240x128xf32, #tpu.memory_space<vmem_shared>> -> memref<128x128xf32, #tpu.memory_space<vmem_shared>>
      tpu.wait_dma2 semaphore(%run_scoped3A_101 : memref<!tpu.dma_semaphore, #tpu.memory_space<semaphore_mem>>) src(%arg4 : memref<128x128xf32, #tpu.memory_space<hbm>>) dst(%dma_wait3A_104 : memref<128x128xf32, #tpu.memory_space<vmem_shared>>)
      tpu.yield
    }) : () -> ()
    %add3A_7 = arith.constant 256 : i32
    %add3A_8 = arith.addi %mul3A_2, %add3A_7 : i32
    "tpu.region"() ({
      %run_scoped3A_101 = tpu.sem_alloc : memref<!tpu.dma_semaphore, #tpu.memory_space<semaphore_mem>>
      %dma_start3A_102 = arith.constant 0 : i32
      %dma_start3A_103 = tpu.memref_slice %arg12[%add3A_8, %dma_start3A_102] : memref<10240x128xf32, #tpu.memory_space<vmem_shared>> -> memref<128x128xf32, #tpu.memory_space<vmem_shared>>
      tpu.enqueue_dma source(%arg4 : memref<128x128xf32, #tpu.memory_space<hbm>>) target(%dma_start3A_103 : memref<128x128xf32, #tpu.memory_space<vmem_shared>>) target_semaphore(%run_scoped3A_101 : memref<!tpu.dma_semaphore, #tpu.memory_space<semaphore_mem>>)
      %dma_wait3A = arith.constant 0 : i32
      %dma_wait3A_104 = tpu.memref_slice %arg12[%add3A_8, %dma_wait3A] : memref<10240x128xf32, #tpu.memory_space<vmem_shared>> -> memref<128x128xf32, #tpu.memory_space<vmem_shared>>
      tpu.wait_dma2 semaphore(%run_scoped3A_101 : memref<!tpu.dma_semaphore, #tpu.memory_space<semaphore_mem>>) src(%arg4 : memref<128x128xf32, #tpu.memory_space<hbm>>) dst(%dma_wait3A_104 : memref<128x128xf32, #tpu.memory_space<vmem_shared>>)
      tpu.yield
    }) : () -> ()
    %add3A_9 = arith.constant 384 : i32
    %add3A_10 = arith.addi %mul3A_2, %add3A_9 : i32
    "tpu.region"() ({
      %run_scoped3A_101 = tpu.sem_alloc : memref<!tpu.dma_semaphore, #tpu.memory_space<semaphore_mem>>
      %dma_start3A_102 = arith.constant 0 : i32
      %dma_start3A_103 = tpu.memref_slice %arg12[%add3A_10, %dma_start3A_102] : memref<10240x128xf32, #tpu.memory_space<vmem_shared>> -> memref<128x128xf32, #tpu.memory_space<vmem_shared>>
      tpu.enqueue_dma source(%arg4 : memref<128x128xf32, #tpu.memory_space<hbm>>) target(%dma_start3A_103 : memref<128x128xf32, #tpu.memory_space<vmem_shared>>) target_semaphore(%run_scoped3A_101 : memref<!tpu.dma_semaphore, #tpu.memory_space<semaphore_mem>>)
      %dma_wait3A = arith.constant 0 : i32
      %dma_wait3A_104 = tpu.memref_slice %arg12[%add3A_10, %dma_wait3A] : memref<10240x128xf32, #tpu.memory_space<vmem_shared>> -> memref<128x128xf32, #tpu.memory_space<vmem_shared>>
      tpu.wait_dma2 semaphore(%run_scoped3A_101 : memref<!tpu.dma_semaphore, #tpu.memory_space<semaphore_mem>>) src(%arg4 : memref<128x128xf32, #tpu.memory_space<hbm>>) dst(%dma_wait3A_104 : memref<128x128xf32, #tpu.memory_space<vmem_shared>>)
      tpu.yield
    }) : () -> ()
    %add3A_11 = arith.constant 512 : i32
    %add3A_12 = arith.addi %mul3A_2, %add3A_11 : i32
    "tpu.region"() ({
      %run_scoped3A_101 = tpu.sem_alloc : memref<!tpu.dma_semaphore, #tpu.memory_space<semaphore_mem>>
      %dma_start3A_102 = arith.constant 0 : i32
      %dma_start3A_103 = tpu.memref_slice %arg12[%add3A_12, %dma_start3A_102] : memref<10240x128xf32, #tpu.memory_space<vmem_shared>> -> memref<128x128xf32, #tpu.memory_space<vmem_shared>>
      tpu.enqueue_dma source(%arg4 : memref<128x128xf32, #tpu.memory_space<hbm>>) target(%dma_start3A_103 : memref<128x128xf32, #tpu.memory_space<vmem_shared>>) target_semaphore(%run_scoped3A_101 : memref<!tpu.dma_semaphore, #tpu.memory_space<semaphore_mem>>)
      %dma_wait3A = arith.constant 0 : i32
      %dma_wait3A_104 = tpu.memref_slice %arg12[%add3A_12, %dma_wait3A] : memref<10240x128xf32, #tpu.memory_space<vmem_shared>> -> memref<128x128xf32, #tpu.memory_space<vmem_shared>>
      tpu.wait_dma2 semaphore(%run_scoped3A_101 : memref<!tpu.dma_semaphore, #tpu.memory_space<semaphore_mem>>) src(%arg4 : memref<128x128xf32, #tpu.memory_space<hbm>>) dst(%dma_wait3A_104 : memref<128x128xf32, #tpu.memory_space<vmem_shared>>)
      tpu.yield
    }) : () -> ()
    %mul3A_13 = arith.constant 80 : i32
    %mul3A_14 = arith.muli %add3A, %mul3A_13 : i32
    %add3A_15 = arith.constant 0 : i32
    %add3A_16 = arith.addi %mul3A_14, %add3A_15 : i32
    %run_scoped3A = arith.constant 0 : i32
    "tpu.region"() ({
      %run_scoped3A_101 = tpu.sem_alloc : memref<!tpu.dma_semaphore, #tpu.memory_space<semaphore_mem>>
      %dma_start3A_102 = arith.constant 0 : i32
      %dma_start3A_103 = tpu.memref_slice %arg3[%run_scoped3A, %add3A_16, %dma_start3A_102] : memref<2x2560x128xi32, #tpu.memory_space<hbm>> -> memref<1x40x128xi32, #tpu.memory_space<hbm>>
      %dma_start3A_104 = tpu.memref_squeeze %dma_start3A_103 : memref<1x40x128xi32, #tpu.memory_space<hbm>> -> memref<40x128xi32, #tpu.memory_space<hbm>>
      %dma_start3A_105 = arith.constant 0 : i32
      %dma_start3A_106 = tpu.memref_slice %arg3[%run_scoped3A, %add3A_16, %dma_start3A_105] : memref<2x2560x128xi32, #tpu.memory_space<hbm>> -> memref<1x40x128xi32, #tpu.memory_space<hbm>>
      %dma_start3A_107 = tpu.memref_squeeze %dma_start3A_106 : memref<1x40x128xi32, #tpu.memory_space<hbm>> -> memref<40x128xi32, #tpu.memory_space<hbm>>
      tpu.enqueue_dma source(%dma_start3A_107 : memref<40x128xi32, #tpu.memory_space<hbm>>) target(%arg6 : memref<40x128xi32, #tpu.memory_space<vmem>>) target_semaphore(%run_scoped3A_101 : memref<!tpu.dma_semaphore, #tpu.memory_space<semaphore_mem>>)
      %dma_wait3A = arith.constant 0 : i32
      %dma_wait3A_108 = tpu.memref_slice %arg3[%run_scoped3A, %add3A_16, %dma_wait3A] : memref<2x2560x128xi32, #tpu.memory_space<hbm>> -> memref<1x40x128xi32, #tpu.memory_space<hbm>>
      %dma_wait3A_109 = tpu.memref_squeeze %dma_wait3A_108 : memref<1x40x128xi32, #tpu.memory_space<hbm>> -> memref<40x128xi32, #tpu.memory_space<hbm>>
      %dma_wait3A_110 = arith.constant 0 : i32
      %dma_wait3A_111 = tpu.memref_slice %arg3[%run_scoped3A, %add3A_16, %dma_wait3A_110] : memref<2x2560x128xi32, #tpu.memory_space<hbm>> -> memref<1x40x128xi32, #tpu.memory_space<hbm>>
      %dma_wait3A_112 = tpu.memref_squeeze %dma_wait3A_111 : memref<1x40x128xi32, #tpu.memory_space<hbm>> -> memref<40x128xi32, #tpu.memory_space<hbm>>
      tpu.wait_dma2 semaphore(%run_scoped3A_101 : memref<!tpu.dma_semaphore, #tpu.memory_space<semaphore_mem>>) src(%dma_wait3A_112 : memref<40x128xi32, #tpu.memory_space<hbm>>) dst(%arg6 : memref<40x128xi32, #tpu.memory_space<vmem>>)
      tpu.yield
    }) : () -> ()
    %run_scoped3A_17 = arith.constant 1 : i32
    "tpu.region"() ({
      %run_scoped3A_101 = tpu.sem_alloc : memref<!tpu.dma_semaphore, #tpu.memory_space<semaphore_mem>>
      %dma_start3A_102 = arith.constant 0 : i32
      %dma_start3A_103 = tpu.memref_slice %arg3[%run_scoped3A_17, %add3A_16, %dma_start3A_102] : memref<2x2560x128xi32, #tpu.memory_space<hbm>> -> memref<1x40x128xi32, #tpu.memory_space<hbm>>
      %dma_start3A_104 = tpu.memref_squeeze %dma_start3A_103 : memref<1x40x128xi32, #tpu.memory_space<hbm>> -> memref<40x128xi32, #tpu.memory_space<hbm>>
      %dma_start3A_105 = arith.constant 0 : i32
      %dma_start3A_106 = tpu.memref_slice %arg3[%run_scoped3A_17, %add3A_16, %dma_start3A_105] : memref<2x2560x128xi32, #tpu.memory_space<hbm>> -> memref<1x40x128xi32, #tpu.memory_space<hbm>>
      %dma_start3A_107 = tpu.memref_squeeze %dma_start3A_106 : memref<1x40x128xi32, #tpu.memory_space<hbm>> -> memref<40x128xi32, #tpu.memory_space<hbm>>
      tpu.enqueue_dma source(%dma_start3A_107 : memref<40x128xi32, #tpu.memory_space<hbm>>) target(%arg7 : memref<40x128xi32, #tpu.memory_space<vmem>>) target_semaphore(%run_scoped3A_101 : memref<!tpu.dma_semaphore, #tpu.memory_space<semaphore_mem>>)
      %dma_wait3A = arith.constant 0 : i32
      %dma_wait3A_108 = tpu.memref_slice %arg3[%run_scoped3A_17, %add3A_16, %dma_wait3A] : memref<2x2560x128xi32, #tpu.memory_space<hbm>> -> memref<1x40x128xi32, #tpu.memory_space<hbm>>
      %dma_wait3A_109 = tpu.memref_squeeze %dma_wait3A_108 : memref<1x40x128xi32, #tpu.memory_space<hbm>> -> memref<40x128xi32, #tpu.memory_space<hbm>>
      %dma_wait3A_110 = arith.constant 0 : i32
      %dma_wait3A_111 = tpu.memref_slice %arg3[%run_scoped3A_17, %add3A_16, %dma_wait3A_110] : memref<2x2560x128xi32, #tpu.memory_space<hbm>> -> memref<1x40x128xi32, #tpu.memory_space<hbm>>
      %dma_wait3A_112 = tpu.memref_squeeze %dma_wait3A_111 : memref<1x40x128xi32, #tpu.memory_space<hbm>> -> memref<40x128xi32, #tpu.memory_space<hbm>>
      tpu.wait_dma2 semaphore(%run_scoped3A_101 : memref<!tpu.dma_semaphore, #tpu.memory_space<semaphore_mem>>) src(%dma_wait3A_112 : memref<40x128xi32, #tpu.memory_space<hbm>>) dst(%arg7 : memref<40x128xi32, #tpu.memory_space<vmem>>)
      tpu.yield
    }) : () -> ()
    %dma_start3A = arith.constant 0 : i32
    %dma_start3A_18 = arith.constant 0 : i32
    %dma_start3A_19 = tpu.memref_slice %arg6[%dma_start3A, %dma_start3A_18] : memref<40x128xi32, #tpu.memory_space<vmem>> -> memref<1x64xi32, #tpu.memory_space<vmem>>
    %dma_start3A_20 = tpu.memref_squeeze %dma_start3A_19 : memref<1x64xi32, #tpu.memory_space<vmem>> -> memref<64xi32, #tpu.memory_space<vmem>>
    %dma_start3A_21 = arith.constant 0 : i32
    %dma_start3A_22 = arith.constant 0 : i32
    %dma_start3A_23 = tpu.memref_slice %arg2[%dma_start3A_21, %dma_start3A_22] : memref<10000x128xf32, #tpu.memory_space<hbm>> -> memref<10000x128xf32, #tpu.memory_space<hbm>>
    tpu.enqueue_indirect_dma source(%dma_start3A_23 : memref<10000x128xf32, #tpu.memory_space<hbm>>) target(%arg8 : memref<64x128xf32, #tpu.memory_space<vmem>>) offsets(%dma_start3A_20 : memref<64xi32, #tpu.memory_space<vmem>>) semaphore(%arg13 : memref<!tpu.dma_semaphore, #tpu.memory_space<semaphore_mem>>)
    %dma_start3A_24 = arith.constant 0 : i32
    %dma_start3A_25 = arith.constant 64 : i32
    %dma_start3A_26 = tpu.memref_slice %arg6[%dma_start3A_24, %dma_start3A_25] : memref<40x128xi32, #tpu.memory_space<vmem>> -> memref<1x64xi32, #tpu.memory_space<vmem>>
    %dma_start3A_27 = tpu.memref_squeeze %dma_start3A_26 : memref<1x64xi32, #tpu.memory_space<vmem>> -> memref<64xi32, #tpu.memory_space<vmem>>
    %dma_start3A_28 = arith.constant 0 : i32
    %dma_start3A_29 = arith.constant 0 : i32
    %dma_start3A_30 = tpu.memref_slice %arg2[%dma_start3A_28, %dma_start3A_29] : memref<10000x128xf32, #tpu.memory_space<hbm>> -> memref<10000x128xf32, #tpu.memory_space<hbm>>
    tpu.enqueue_indirect_dma source(%dma_start3A_30 : memref<10000x128xf32, #tpu.memory_space<hbm>>) target(%arg9 : memref<64x128xf32, #tpu.memory_space<vmem>>) offsets(%dma_start3A_27 : memref<64xi32, #tpu.memory_space<vmem>>) semaphore(%arg14 : memref<!tpu.dma_semaphore, #tpu.memory_space<semaphore_mem>>)
    %dma_start3A_31 = arith.constant 1 : i32
    %dma_start3A_32 = arith.constant 0 : i32
    %dma_start3A_33 = tpu.memref_slice %arg6[%dma_start3A_31, %dma_start3A_32] : memref<40x128xi32, #tpu.memory_space<vmem>> -> memref<1x64xi32, #tpu.memory_space<vmem>>
    %dma_start3A_34 = tpu.memref_squeeze %dma_start3A_33 : memref<1x64xi32, #tpu.memory_space<vmem>> -> memref<64xi32, #tpu.memory_space<vmem>>
    %dma_start3A_35 = arith.constant 0 : i32
    %dma_start3A_36 = arith.constant 0 : i32
    %dma_start3A_37 = tpu.memref_slice %arg2[%dma_start3A_35, %dma_start3A_36] : memref<10000x128xf32, #tpu.memory_space<hbm>> -> memref<10000x128xf32, #tpu.memory_space<hbm>>
    tpu.enqueue_indirect_dma source(%dma_start3A_37 : memref<10000x128xf32, #tpu.memory_space<hbm>>) target(%arg10 : memref<64x128xf32, #tpu.memory_space<vmem>>) offsets(%dma_start3A_34 : memref<64xi32, #tpu.memory_space<vmem>>) semaphore(%arg15 : memref<!tpu.dma_semaphore, #tpu.memory_space<semaphore_mem>>)
    %dma_start3A_38 = arith.constant 1 : i32
    %dma_start3A_39 = arith.constant 64 : i32
    %dma_start3A_40 = tpu.memref_slice %arg6[%dma_start3A_38, %dma_start3A_39] : memref<40x128xi32, #tpu.memory_space<vmem>> -> memref<1x64xi32, #tpu.memory_space<vmem>>
    %dma_start3A_41 = tpu.memref_squeeze %dma_start3A_40 : memref<1x64xi32, #tpu.memory_space<vmem>> -> memref<64xi32, #tpu.memory_space<vmem>>
    %dma_start3A_42 = arith.constant 0 : i32
    %dma_start3A_43 = arith.constant 0 : i32
    %dma_start3A_44 = tpu.memref_slice %arg2[%dma_start3A_42, %dma_start3A_43] : memref<10000x128xf32, #tpu.memory_space<hbm>> -> memref<10000x128xf32, #tpu.memory_space<hbm>>
    tpu.enqueue_indirect_dma source(%dma_start3A_44 : memref<10000x128xf32, #tpu.memory_space<hbm>>) target(%arg11 : memref<64x128xf32, #tpu.memory_space<vmem>>) offsets(%dma_start3A_41 : memref<64xi32, #tpu.memory_space<vmem>>) semaphore(%arg16 : memref<!tpu.dma_semaphore, #tpu.memory_space<semaphore_mem>>)
    %barrier3A = arith.constant 0 : index
    tpu.barrier barrier_id(%barrier3A)
    %scan3A = arith.constant 0 : i32
    %scan3A_45 = arith.constant 0 : i32
    %scan3A_46 = arith.constant 20 : i32
    %scan3A_47 = arith.addi %scan3A_45, %scan3A_46 : i32
    %scan3A_48 = arith.constant 1 : i32
    scf.for %scan3A_101 = %scan3A_45 to %scan3A_47 step %scan3A_48  : i32 {
      %mul3A_102 = arith.constant 2 : i32
      %mul3A_103 = arith.muli %mul3A_102, %scan3A_101 : i32
      %add3A_104 = arith.constant 0 : i32
      %add3A_105 = arith.addi %mul3A_103, %add3A_104 : i32
      %dma_wait3A = arith.constant 0 : i32
      %dma_wait3A_106 = tpu.memref_slice %arg6[%add3A_105, %dma_wait3A] : memref<40x128xi32, #tpu.memory_space<vmem>> -> memref<1x64xi32, #tpu.memory_space<vmem>>
      %dma_wait3A_107 = tpu.memref_squeeze %dma_wait3A_106 : memref<1x64xi32, #tpu.memory_space<vmem>> -> memref<64xi32, #tpu.memory_space<vmem>>
      %dma_wait3A_108 = arith.constant 0 : i32
      %dma_wait3A_109 = arith.constant 0 : i32
      %dma_wait3A_110 = tpu.memref_slice %arg2[%dma_wait3A_108, %dma_wait3A_109] : memref<10000x128xf32, #tpu.memory_space<hbm>> -> memref<10000x128xf32, #tpu.memory_space<hbm>>
      tpu.wait_indirect_dma semaphore(%arg13 : memref<!tpu.dma_semaphore, #tpu.memory_space<semaphore_mem>>) src(%dma_wait3A_110 : memref<10000x128xf32, #tpu.memory_space<hbm>>) dst(%arg8 : memref<64x128xf32, #tpu.memory_space<vmem>>)
      %mul3A_111 = arith.constant 2 : i32
      %mul3A_112 = arith.muli %mul3A_111, %scan3A_101 : i32
      %add3A_113 = arith.constant 0 : i32
      %add3A_114 = arith.addi %mul3A_112, %add3A_113 : i32
      "tpu.region"() ({
        %run_scoped3A_182 = tpu.sem_alloc : memref<!tpu.dma_semaphore, #tpu.memory_space<semaphore_mem>>
        %dma_start3A_183 = arith.constant 0 : i32
        %dma_start3A_184 = tpu.memref_slice %arg7[%add3A_114, %dma_start3A_183] : memref<40x128xi32, #tpu.memory_space<vmem>> -> memref<1x64xi32, #tpu.memory_space<vmem>>
        %dma_start3A_185 = tpu.memref_squeeze %dma_start3A_184 : memref<1x64xi32, #tpu.memory_space<vmem>> -> memref<64xi32, #tpu.memory_space<vmem>>
        %dma_start3A_186 = arith.constant 0 : i32
        %dma_start3A_187 = arith.constant 0 : i32
        %dma_start3A_188 = tpu.memref_slice %arg12[%dma_start3A_186, %dma_start3A_187] : memref<10240x128xf32, #tpu.memory_space<vmem_shared>> -> memref<10240x128xf32, #tpu.memory_space<vmem_shared>>
        tpu.enqueue_indirect_dma source(%arg8 : memref<64x128xf32, #tpu.memory_space<vmem>>) target(%dma_start3A_188 : memref<10240x128xf32, #tpu.memory_space<vmem_shared>>) offsets(%dma_start3A_185 : memref<64xi32, #tpu.memory_space<vmem>>) semaphore(%run_scoped3A_182 : memref<!tpu.dma_semaphore, #tpu.memory_space<semaphore_mem>>) {add = true}
        %dma_wait3A_189 = arith.constant 0 : i32
        %dma_wait3A_190 = tpu.memref_slice %arg7[%add3A_114, %dma_wait3A_189] : memref<40x128xi32, #tpu.memory_space<vmem>> -> memref<1x64xi32, #tpu.memory_space<vmem>>
        %dma_wait3A_191 = tpu.memref_squeeze %dma_wait3A_190 : memref<1x64xi32, #tpu.memory_space<vmem>> -> memref<64xi32, #tpu.memory_space<vmem>>
        %dma_wait3A_192 = arith.constant 0 : i32
        %dma_wait3A_193 = arith.constant 0 : i32
        %dma_wait3A_194 = tpu.memref_slice %arg12[%dma_wait3A_192, %dma_wait3A_193] : memref<10240x128xf32, #tpu.memory_space<vmem_shared>> -> memref<10240x128xf32, #tpu.memory_space<vmem_shared>>
        tpu.wait_indirect_dma semaphore(%run_scoped3A_182 : memref<!tpu.dma_semaphore, #tpu.memory_space<semaphore_mem>>) src(%arg8 : memref<64x128xf32, #tpu.memory_space<vmem>>) dst(%dma_wait3A_194 : memref<10240x128xf32, #tpu.memory_space<vmem_shared>>)
        tpu.yield
      }) : () -> ()
      %add3A_115 = arith.constant 1 : i32
      %add3A_116 = arith.addi %scan3A_101, %add3A_115 : i32
      %lt3A = arith.constant 20 : i32
      %lt3A_117 = arith.cmpi slt, %add3A_116, %lt3A : i32
      %convert_element_type3A = arith.extui %lt3A_117 : i1 to i32
      %cond3A = arith.constant 0 : i32
      %cond3A_118 = arith.cmpi ne, %convert_element_type3A, %cond3A : i32
      scf.if %cond3A_118 {
        %add3A_182 = arith.constant 1 : i32
        %add3A_183 = arith.addi %scan3A_101, %add3A_182 : i32
        %mul3A_184 = arith.constant 2 : i32
        %mul3A_185 = arith.muli %mul3A_184, %add3A_183 : i32
        %add3A_186 = arith.constant 0 : i32
        %add3A_187 = arith.addi %mul3A_185, %add3A_186 : i32
        %dma_start3A_188 = arith.constant 0 : i32
        %dma_start3A_189 = tpu.memref_slice %arg6[%add3A_187, %dma_start3A_188] : memref<40x128xi32, #tpu.memory_space<vmem>> -> memref<1x64xi32, #tpu.memory_space<vmem>>
        %dma_start3A_190 = tpu.memref_squeeze %dma_start3A_189 : memref<1x64xi32, #tpu.memory_space<vmem>> -> memref<64xi32, #tpu.memory_space<vmem>>
        %dma_start3A_191 = arith.constant 0 : i32
        %dma_start3A_192 = arith.constant 0 : i32
        %dma_start3A_193 = tpu.memref_slice %arg2[%dma_start3A_191, %dma_start3A_192] : memref<10000x128xf32, #tpu.memory_space<hbm>> -> memref<10000x128xf32, #tpu.memory_space<hbm>>
        tpu.enqueue_indirect_dma source(%dma_start3A_193 : memref<10000x128xf32, #tpu.memory_space<hbm>>) target(%arg8 : memref<64x128xf32, #tpu.memory_space<vmem>>) offsets(%dma_start3A_190 : memref<64xi32, #tpu.memory_space<vmem>>) semaphore(%arg13 : memref<!tpu.dma_semaphore, #tpu.memory_space<semaphore_mem>>)
      } else {
      }
      %mul3A_119 = arith.constant 2 : i32
      %mul3A_120 = arith.muli %mul3A_119, %scan3A_101 : i32
      %add3A_121 = arith.constant 0 : i32
      %add3A_122 = arith.addi %mul3A_120, %add3A_121 : i32
      %dma_wait3A_123 = arith.constant 64 : i32
      %dma_wait3A_124 = tpu.memref_slice %arg6[%add3A_122, %dma_wait3A_123] : memref<40x128xi32, #tpu.memory_space<vmem>> -> memref<1x64xi32, #tpu.memory_space<vmem>>
      %dma_wait3A_125 = tpu.memref_squeeze %dma_wait3A_124 : memref<1x64xi32, #tpu.memory_space<vmem>> -> memref<64xi32, #tpu.memory_space<vmem>>
      %dma_wait3A_126 = arith.constant 0 : i32
      %dma_wait3A_127 = arith.constant 0 : i32
      %dma_wait3A_128 = tpu.memref_slice %arg2[%dma_wait3A_126, %dma_wait3A_127] : memref<10000x128xf32, #tpu.memory_space<hbm>> -> memref<10000x128xf32, #tpu.memory_space<hbm>>
      tpu.wait_indirect_dma semaphore(%arg14 : memref<!tpu.dma_semaphore, #tpu.memory_space<semaphore_mem>>) src(%dma_wait3A_128 : memref<10000x128xf32, #tpu.memory_space<hbm>>) dst(%arg9 : memref<64x128xf32, #tpu.memory_space<vmem>>)
      %mul3A_129 = arith.constant 2 : i32
      %mul3A_130 = arith.muli %mul3A_129, %scan3A_101 : i32
      %add3A_131 = arith.constant 0 : i32
      %add3A_132 = arith.addi %mul3A_130, %add3A_131 : i32
      "tpu.region"() ({
        %run_scoped3A_182 = tpu.sem_alloc : memref<!tpu.dma_semaphore, #tpu.memory_space<semaphore_mem>>
        %dma_start3A_183 = arith.constant 64 : i32
        %dma_start3A_184 = tpu.memref_slice %arg7[%add3A_132, %dma_start3A_183] : memref<40x128xi32, #tpu.memory_space<vmem>> -> memref<1x64xi32, #tpu.memory_space<vmem>>
        %dma_start3A_185 = tpu.memref_squeeze %dma_start3A_184 : memref<1x64xi32, #tpu.memory_space<vmem>> -> memref<64xi32, #tpu.memory_space<vmem>>
        %dma_start3A_186 = arith.constant 0 : i32
        %dma_start3A_187 = arith.constant 0 : i32
        %dma_start3A_188 = tpu.memref_slice %arg12[%dma_start3A_186, %dma_start3A_187] : memref<10240x128xf32, #tpu.memory_space<vmem_shared>> -> memref<10240x128xf32, #tpu.memory_space<vmem_shared>>
        tpu.enqueue_indirect_dma source(%arg9 : memref<64x128xf32, #tpu.memory_space<vmem>>) target(%dma_start3A_188 : memref<10240x128xf32, #tpu.memory_space<vmem_shared>>) offsets(%dma_start3A_185 : memref<64xi32, #tpu.memory_space<vmem>>) semaphore(%run_scoped3A_182 : memref<!tpu.dma_semaphore, #tpu.memory_space<semaphore_mem>>) {add = true}
        %dma_wait3A_189 = arith.constant 64 : i32
        %dma_wait3A_190 = tpu.memref_slice %arg7[%add3A_132, %dma_wait3A_189] : memref<40x128xi32, #tpu.memory_space<vmem>> -> memref<1x64xi32, #tpu.memory_space<vmem>>
        %dma_wait3A_191 = tpu.memref_squeeze %dma_wait3A_190 : memref<1x64xi32, #tpu.memory_space<vmem>> -> memref<64xi32, #tpu.memory_space<vmem>>
        %dma_wait3A_192 = arith.constant 0 : i32
        %dma_wait3A_193 = arith.constant 0 : i32
        %dma_wait3A_194 = tpu.memref_slice %arg12[%dma_wait3A_192, %dma_wait3A_193] : memref<10240x128xf32, #tpu.memory_space<vmem_shared>> -> memref<10240x128xf32, #tpu.memory_space<vmem_shared>>
        tpu.wait_indirect_dma semaphore(%run_scoped3A_182 : memref<!tpu.dma_semaphore, #tpu.memory_space<semaphore_mem>>) src(%arg9 : memref<64x128xf32, #tpu.memory_space<vmem>>) dst(%dma_wait3A_194 : memref<10240x128xf32, #tpu.memory_space<vmem_shared>>)
        tpu.yield
      }) : () -> ()
      %add3A_133 = arith.constant 1 : i32
      %add3A_134 = arith.addi %scan3A_101, %add3A_133 : i32
      %lt3A_135 = arith.constant 20 : i32
      %lt3A_136 = arith.cmpi slt, %add3A_134, %lt3A_135 : i32
      %convert_element_type3A_137 = arith.extui %lt3A_136 : i1 to i32
      %cond3A_138 = arith.constant 0 : i32
      %cond3A_139 = arith.cmpi ne, %convert_element_type3A_137, %cond3A_138 : i32
      scf.if %cond3A_139 {
        %add3A_182 = arith.constant 1 : i32
        %add3A_183 = arith.addi %scan3A_101, %add3A_182 : i32
        %mul3A_184 = arith.constant 2 : i32
        %mul3A_185 = arith.muli %mul3A_184, %add3A_183 : i32
        %add3A_186 = arith.constant 0 : i32
        %add3A_187 = arith.addi %mul3A_185, %add3A_186 : i32
        %dma_start3A_188 = arith.constant 64 : i32
        %dma_start3A_189 = tpu.memref_slice %arg6[%add3A_187, %dma_start3A_188] : memref<40x128xi32, #tpu.memory_space<vmem>> -> memref<1x64xi32, #tpu.memory_space<vmem>>
        %dma_start3A_190 = tpu.memref_squeeze %dma_start3A_189 : memref<1x64xi32, #tpu.memory_space<vmem>> -> memref<64xi32, #tpu.memory_space<vmem>>
        %dma_start3A_191 = arith.constant 0 : i32
        %dma_start3A_192 = arith.constant 0 : i32
        %dma_start3A_193 = tpu.memref_slice %arg2[%dma_start3A_191, %dma_start3A_192] : memref<10000x128xf32, #tpu.memory_space<hbm>> -> memref<10000x128xf32, #tpu.memory_space<hbm>>
        tpu.enqueue_indirect_dma source(%dma_start3A_193 : memref<10000x128xf32, #tpu.memory_space<hbm>>) target(%arg9 : memref<64x128xf32, #tpu.memory_space<vmem>>) offsets(%dma_start3A_190 : memref<64xi32, #tpu.memory_space<vmem>>) semaphore(%arg14 : memref<!tpu.dma_semaphore, #tpu.memory_space<semaphore_mem>>)
      } else {
      }
      %mul3A_140 = arith.constant 2 : i32
      %mul3A_141 = arith.muli %mul3A_140, %scan3A_101 : i32
      %add3A_142 = arith.constant 1 : i32
      %add3A_143 = arith.addi %mul3A_141, %add3A_142 : i32
      %dma_wait3A_144 = arith.constant 0 : i32
      %dma_wait3A_145 = tpu.memref_slice %arg6[%add3A_143, %dma_wait3A_144] : memref<40x128xi32, #tpu.memory_space<vmem>> -> memref<1x64xi32, #tpu.memory_space<vmem>>
      %dma_wait3A_146 = tpu.memref_squeeze %dma_wait3A_145 : memref<1x64xi32, #tpu.memory_space<vmem>> -> memref<64xi32, #tpu.memory_space<vmem>>
      %dma_wait3A_147 = arith.constant 0 : i32
      %dma_wait3A_148 = arith.constant 0 : i32
      %dma_wait3A_149 = tpu.memref_slice %arg2[%dma_wait3A_147, %dma_wait3A_148] : memref<10000x128xf32, #tpu.memory_space<hbm>> -> memref<10000x128xf32, #tpu.memory_space<hbm>>
      tpu.wait_indirect_dma semaphore(%arg15 : memref<!tpu.dma_semaphore, #tpu.memory_space<semaphore_mem>>) src(%dma_wait3A_149 : memref<10000x128xf32, #tpu.memory_space<hbm>>) dst(%arg10 : memref<64x128xf32, #tpu.memory_space<vmem>>)
      %mul3A_150 = arith.constant 2 : i32
      %mul3A_151 = arith.muli %mul3A_150, %scan3A_101 : i32
      %add3A_152 = arith.constant 1 : i32
      %add3A_153 = arith.addi %mul3A_151, %add3A_152 : i32
      "tpu.region"() ({
        %run_scoped3A_182 = tpu.sem_alloc : memref<!tpu.dma_semaphore, #tpu.memory_space<semaphore_mem>>
        %dma_start3A_183 = arith.constant 0 : i32
        %dma_start3A_184 = tpu.memref_slice %arg7[%add3A_153, %dma_start3A_183] : memref<40x128xi32, #tpu.memory_space<vmem>> -> memref<1x64xi32, #tpu.memory_space<vmem>>
        %dma_start3A_185 = tpu.memref_squeeze %dma_start3A_184 : memref<1x64xi32, #tpu.memory_space<vmem>> -> memref<64xi32, #tpu.memory_space<vmem>>
        %dma_start3A_186 = arith.constant 0 : i32
        %dma_start3A_187 = arith.constant 0 : i32
        %dma_start3A_188 = tpu.memref_slice %arg12[%dma_start3A_186, %dma_start3A_187] : memref<10240x128xf32, #tpu.memory_space<vmem_shared>> -> memref<10240x128xf32, #tpu.memory_space<vmem_shared>>
        tpu.enqueue_indirect_dma source(%arg10 : memref<64x128xf32, #tpu.memory_space<vmem>>) target(%dma_start3A_188 : memref<10240x128xf32, #tpu.memory_space<vmem_shared>>) offsets(%dma_start3A_185 : memref<64xi32, #tpu.memory_space<vmem>>) semaphore(%run_scoped3A_182 : memref<!tpu.dma_semaphore, #tpu.memory_space<semaphore_mem>>) {add = true}
        %dma_wait3A_189 = arith.constant 0 : i32
        %dma_wait3A_190 = tpu.memref_slice %arg7[%add3A_153, %dma_wait3A_189] : memref<40x128xi32, #tpu.memory_space<vmem>> -> memref<1x64xi32, #tpu.memory_space<vmem>>
        %dma_wait3A_191 = tpu.memref_squeeze %dma_wait3A_190 : memref<1x64xi32, #tpu.memory_space<vmem>> -> memref<64xi32, #tpu.memory_space<vmem>>
        %dma_wait3A_192 = arith.constant 0 : i32
        %dma_wait3A_193 = arith.constant 0 : i32
        %dma_wait3A_194 = tpu.memref_slice %arg12[%dma_wait3A_192, %dma_wait3A_193] : memref<10240x128xf32, #tpu.memory_space<vmem_shared>> -> memref<10240x128xf32, #tpu.memory_space<vmem_shared>>
        tpu.wait_indirect_dma semaphore(%run_scoped3A_182 : memref<!tpu.dma_semaphore, #tpu.memory_space<semaphore_mem>>) src(%arg10 : memref<64x128xf32, #tpu.memory_space<vmem>>) dst(%dma_wait3A_194 : memref<10240x128xf32, #tpu.memory_space<vmem_shared>>)
        tpu.yield
      }) : () -> ()
      %add3A_154 = arith.constant 1 : i32
      %add3A_155 = arith.addi %scan3A_101, %add3A_154 : i32
      %lt3A_156 = arith.constant 20 : i32
      %lt3A_157 = arith.cmpi slt, %add3A_155, %lt3A_156 : i32
      %convert_element_type3A_158 = arith.extui %lt3A_157 : i1 to i32
      %cond3A_159 = arith.constant 0 : i32
      %cond3A_160 = arith.cmpi ne, %convert_element_type3A_158, %cond3A_159 : i32
      scf.if %cond3A_160 {
        %add3A_182 = arith.constant 1 : i32
        %add3A_183 = arith.addi %scan3A_101, %add3A_182 : i32
        %mul3A_184 = arith.constant 2 : i32
        %mul3A_185 = arith.muli %mul3A_184, %add3A_183 : i32
        %add3A_186 = arith.constant 1 : i32
        %add3A_187 = arith.addi %mul3A_185, %add3A_186 : i32
        %dma_start3A_188 = arith.constant 0 : i32
        %dma_start3A_189 = tpu.memref_slice %arg6[%add3A_187, %dma_start3A_188] : memref<40x128xi32, #tpu.memory_space<vmem>> -> memref<1x64xi32, #tpu.memory_space<vmem>>
        %dma_start3A_190 = tpu.memref_squeeze %dma_start3A_189 : memref<1x64xi32, #tpu.memory_space<vmem>> -> memref<64xi32, #tpu.memory_space<vmem>>
        %dma_start3A_191 = arith.constant 0 : i32
        %dma_start3A_192 = arith.constant 0 : i32
        %dma_start3A_193 = tpu.memref_slice %arg2[%dma_start3A_191, %dma_start3A_192] : memref<10000x128xf32, #tpu.memory_space<hbm>> -> memref<10000x128xf32, #tpu.memory_space<hbm>>
        tpu.enqueue_indirect_dma source(%dma_start3A_193 : memref<10000x128xf32, #tpu.memory_space<hbm>>) target(%arg10 : memref<64x128xf32, #tpu.memory_space<vmem>>) offsets(%dma_start3A_190 : memref<64xi32, #tpu.memory_space<vmem>>) semaphore(%arg15 : memref<!tpu.dma_semaphore, #tpu.memory_space<semaphore_mem>>)
      } else {
      }
      %mul3A_161 = arith.constant 2 : i32
      %mul3A_162 = arith.muli %mul3A_161, %scan3A_101 : i32
      %add3A_163 = arith.constant 1 : i32
      %add3A_164 = arith.addi %mul3A_162, %add3A_163 : i32
      %dma_wait3A_165 = arith.constant 64 : i32
      %dma_wait3A_166 = tpu.memref_slice %arg6[%add3A_164, %dma_wait3A_165] : memref<40x128xi32, #tpu.memory_space<vmem>> -> memref<1x64xi32, #tpu.memory_space<vmem>>
      %dma_wait3A_167 = tpu.memref_squeeze %dma_wait3A_166 : memref<1x64xi32, #tpu.memory_space<vmem>> -> memref<64xi32, #tpu.memory_space<vmem>>
      %dma_wait3A_168 = arith.constant 0 : i32
      %dma_wait3A_169 = arith.constant 0 : i32
      %dma_wait3A_170 = tpu.memref_slice %arg2[%dma_wait3A_168, %dma_wait3A_169] : memref<10000x128xf32, #tpu.memory_space<hbm>> -> memref<10000x128xf32, #tpu.memory_space<hbm>>
      tpu.wait_indirect_dma semaphore(%arg16 : memref<!tpu.dma_semaphore, #tpu.memory_space<semaphore_mem>>) src(%dma_wait3A_170 : memref<10000x128xf32, #tpu.memory_space<hbm>>) dst(%arg11 : memref<64x128xf32, #tpu.memory_space<vmem>>)
      %mul3A_171 = arith.constant 2 : i32
      %mul3A_172 = arith.muli %mul3A_171, %scan3A_101 : i32
      %add3A_173 = arith.constant 1 : i32
      %add3A_174 = arith.addi %mul3A_172, %add3A_173 : i32
      "tpu.region"() ({
        %run_scoped3A_182 = tpu.sem_alloc : memref<!tpu.dma_semaphore, #tpu.memory_space<semaphore_mem>>
        %dma_start3A_183 = arith.constant 64 : i32
        %dma_start3A_184 = tpu.memref_slice %arg7[%add3A_174, %dma_start3A_183] : memref<40x128xi32, #tpu.memory_space<vmem>> -> memref<1x64xi32, #tpu.memory_space<vmem>>
        %dma_start3A_185 = tpu.memref_squeeze %dma_start3A_184 : memref<1x64xi32, #tpu.memory_space<vmem>> -> memref<64xi32, #tpu.memory_space<vmem>>
        %dma_start3A_186 = arith.constant 0 : i32
        %dma_start3A_187 = arith.constant 0 : i32
        %dma_start3A_188 = tpu.memref_slice %arg12[%dma_start3A_186, %dma_start3A_187] : memref<10240x128xf32, #tpu.memory_space<vmem_shared>> -> memref<10240x128xf32, #tpu.memory_space<vmem_shared>>
        tpu.enqueue_indirect_dma source(%arg11 : memref<64x128xf32, #tpu.memory_space<vmem>>) target(%dma_start3A_188 : memref<10240x128xf32, #tpu.memory_space<vmem_shared>>) offsets(%dma_start3A_185 : memref<64xi32, #tpu.memory_space<vmem>>) semaphore(%run_scoped3A_182 : memref<!tpu.dma_semaphore, #tpu.memory_space<semaphore_mem>>) {add = true}
        %dma_wait3A_189 = arith.constant 64 : i32
        %dma_wait3A_190 = tpu.memref_slice %arg7[%add3A_174, %dma_wait3A_189] : memref<40x128xi32, #tpu.memory_space<vmem>> -> memref<1x64xi32, #tpu.memory_space<vmem>>
        %dma_wait3A_191 = tpu.memref_squeeze %dma_wait3A_190 : memref<1x64xi32, #tpu.memory_space<vmem>> -> memref<64xi32, #tpu.memory_space<vmem>>
        %dma_wait3A_192 = arith.constant 0 : i32
        %dma_wait3A_193 = arith.constant 0 : i32
        %dma_wait3A_194 = tpu.memref_slice %arg12[%dma_wait3A_192, %dma_wait3A_193] : memref<10240x128xf32, #tpu.memory_space<vmem_shared>> -> memref<10240x128xf32, #tpu.memory_space<vmem_shared>>
        tpu.wait_indirect_dma semaphore(%run_scoped3A_182 : memref<!tpu.dma_semaphore, #tpu.memory_space<semaphore_mem>>) src(%arg11 : memref<64x128xf32, #tpu.memory_space<vmem>>) dst(%dma_wait3A_194 : memref<10240x128xf32, #tpu.memory_space<vmem_shared>>)
        tpu.yield
      }) : () -> ()
      %add3A_175 = arith.constant 1 : i32
      %add3A_176 = arith.addi %scan3A_101, %add3A_175 : i32
      %lt3A_177 = arith.constant 20 : i32
      %lt3A_178 = arith.cmpi slt, %add3A_176, %lt3A_177 : i32
      %convert_element_type3A_179 = arith.extui %lt3A_178 : i1 to i32
      %cond3A_180 = arith.constant 0 : i32
      %cond3A_181 = arith.cmpi ne, %convert_element_type3A_179, %cond3A_180 : i32
      scf.if %cond3A_181 {
        %add3A_182 = arith.constant 1 : i32
        %add3A_183 = arith.addi %scan3A_101, %add3A_182 : i32
        %mul3A_184 = arith.constant 2 : i32
        %mul3A_185 = arith.muli %mul3A_184, %add3A_183 : i32
        %add3A_186 = arith.constant 1 : i32
        %add3A_187 = arith.addi %mul3A_185, %add3A_186 : i32
        %dma_start3A_188 = arith.constant 64 : i32
        %dma_start3A_189 = tpu.memref_slice %arg6[%add3A_187, %dma_start3A_188] : memref<40x128xi32, #tpu.memory_space<vmem>> -> memref<1x64xi32, #tpu.memory_space<vmem>>
        %dma_start3A_190 = tpu.memref_squeeze %dma_start3A_189 : memref<1x64xi32, #tpu.memory_space<vmem>> -> memref<64xi32, #tpu.memory_space<vmem>>
        %dma_start3A_191 = arith.constant 0 : i32
        %dma_start3A_192 = arith.constant 0 : i32
        %dma_start3A_193 = tpu.memref_slice %arg2[%dma_start3A_191, %dma_start3A_192] : memref<10000x128xf32, #tpu.memory_space<hbm>> -> memref<10000x128xf32, #tpu.memory_space<hbm>>
        tpu.enqueue_indirect_dma source(%dma_start3A_193 : memref<10000x128xf32, #tpu.memory_space<hbm>>) target(%arg11 : memref<64x128xf32, #tpu.memory_space<vmem>>) offsets(%dma_start3A_190 : memref<64xi32, #tpu.memory_space<vmem>>) semaphore(%arg16 : memref<!tpu.dma_semaphore, #tpu.memory_space<semaphore_mem>>)
      } else {
      }
    }
    %scan3A_49 = arith.constant 20 : i32
    %mul3A_50 = arith.constant 80 : i32
    %mul3A_51 = arith.muli %add3A, %mul3A_50 : i32
    %add3A_52 = arith.constant 40 : i32
    %add3A_53 = arith.addi %mul3A_51, %add3A_52 : i32
    %run_scoped3A_54 = arith.constant 0 : i32
    "tpu.region"() ({
      %run_scoped3A_101 = tpu.sem_alloc : memref<!tpu.dma_semaphore, #tpu.memory_space<semaphore_mem>>
      %dma_start3A_102 = arith.constant 0 : i32
      %dma_start3A_103 = tpu.memref_slice %arg3[%run_scoped3A_54, %add3A_53, %dma_start3A_102] : memref<2x2560x128xi32, #tpu.memory_space<hbm>> -> memref<1x40x128xi32, #tpu.memory_space<hbm>>
      %dma_start3A_104 = tpu.memref_squeeze %dma_start3A_103 : memref<1x40x128xi32, #tpu.memory_space<hbm>> -> memref<40x128xi32, #tpu.memory_space<hbm>>
      %dma_start3A_105 = arith.constant 0 : i32
      %dma_start3A_106 = tpu.memref_slice %arg3[%run_scoped3A_54, %add3A_53, %dma_start3A_105] : memref<2x2560x128xi32, #tpu.memory_space<hbm>> -> memref<1x40x128xi32, #tpu.memory_space<hbm>>
      %dma_start3A_107 = tpu.memref_squeeze %dma_start3A_106 : memref<1x40x128xi32, #tpu.memory_space<hbm>> -> memref<40x128xi32, #tpu.memory_space<hbm>>
      tpu.enqueue_dma source(%dma_start3A_107 : memref<40x128xi32, #tpu.memory_space<hbm>>) target(%arg6 : memref<40x128xi32, #tpu.memory_space<vmem>>) target_semaphore(%run_scoped3A_101 : memref<!tpu.dma_semaphore, #tpu.memory_space<semaphore_mem>>)
      %dma_wait3A = arith.constant 0 : i32
      %dma_wait3A_108 = tpu.memref_slice %arg3[%run_scoped3A_54, %add3A_53, %dma_wait3A] : memref<2x2560x128xi32, #tpu.memory_space<hbm>> -> memref<1x40x128xi32, #tpu.memory_space<hbm>>
      %dma_wait3A_109 = tpu.memref_squeeze %dma_wait3A_108 : memref<1x40x128xi32, #tpu.memory_space<hbm>> -> memref<40x128xi32, #tpu.memory_space<hbm>>
      %dma_wait3A_110 = arith.constant 0 : i32
      %dma_wait3A_111 = tpu.memref_slice %arg3[%run_scoped3A_54, %add3A_53, %dma_wait3A_110] : memref<2x2560x128xi32, #tpu.memory_space<hbm>> -> memref<1x40x128xi32, #tpu.memory_space<hbm>>
      %dma_wait3A_112 = tpu.memref_squeeze %dma_wait3A_111 : memref<1x40x128xi32, #tpu.memory_space<hbm>> -> memref<40x128xi32, #tpu.memory_space<hbm>>
      tpu.wait_dma2 semaphore(%run_scoped3A_101 : memref<!tpu.dma_semaphore, #tpu.memory_space<semaphore_mem>>) src(%dma_wait3A_112 : memref<40x128xi32, #tpu.memory_space<hbm>>) dst(%arg6 : memref<40x128xi32, #tpu.memory_space<vmem>>)
      tpu.yield
    }) : () -> ()
    %run_scoped3A_55 = arith.constant 1 : i32
    "tpu.region"() ({
      %run_scoped3A_101 = tpu.sem_alloc : memref<!tpu.dma_semaphore, #tpu.memory_space<semaphore_mem>>
      %dma_start3A_102 = arith.constant 0 : i32
      %dma_start3A_103 = tpu.memref_slice %arg3[%run_scoped3A_55, %add3A_53, %dma_start3A_102] : memref<2x2560x128xi32, #tpu.memory_space<hbm>> -> memref<1x40x128xi32, #tpu.memory_space<hbm>>
      %dma_start3A_104 = tpu.memref_squeeze %dma_start3A_103 : memref<1x40x128xi32, #tpu.memory_space<hbm>> -> memref<40x128xi32, #tpu.memory_space<hbm>>
      %dma_start3A_105 = arith.constant 0 : i32
      %dma_start3A_106 = tpu.memref_slice %arg3[%run_scoped3A_55, %add3A_53, %dma_start3A_105] : memref<2x2560x128xi32, #tpu.memory_space<hbm>> -> memref<1x40x128xi32, #tpu.memory_space<hbm>>
      %dma_start3A_107 = tpu.memref_squeeze %dma_start3A_106 : memref<1x40x128xi32, #tpu.memory_space<hbm>> -> memref<40x128xi32, #tpu.memory_space<hbm>>
      tpu.enqueue_dma source(%dma_start3A_107 : memref<40x128xi32, #tpu.memory_space<hbm>>) target(%arg7 : memref<40x128xi32, #tpu.memory_space<vmem>>) target_semaphore(%run_scoped3A_101 : memref<!tpu.dma_semaphore, #tpu.memory_space<semaphore_mem>>)
      %dma_wait3A = arith.constant 0 : i32
      %dma_wait3A_108 = tpu.memref_slice %arg3[%run_scoped3A_55, %add3A_53, %dma_wait3A] : memref<2x2560x128xi32, #tpu.memory_space<hbm>> -> memref<1x40x128xi32, #tpu.memory_space<hbm>>
      %dma_wait3A_109 = tpu.memref_squeeze %dma_wait3A_108 : memref<1x40x128xi32, #tpu.memory_space<hbm>> -> memref<40x128xi32, #tpu.memory_space<hbm>>
      %dma_wait3A_110 = arith.constant 0 : i32
      %dma_wait3A_111 = tpu.memref_slice %arg3[%run_scoped3A_55, %add3A_53, %dma_wait3A_110] : memref<2x2560x128xi32, #tpu.memory_space<hbm>> -> memref<1x40x128xi32, #tpu.memory_space<hbm>>
      %dma_wait3A_112 = tpu.memref_squeeze %dma_wait3A_111 : memref<1x40x128xi32, #tpu.memory_space<hbm>> -> memref<40x128xi32, #tpu.memory_space<hbm>>
      tpu.wait_dma2 semaphore(%run_scoped3A_101 : memref<!tpu.dma_semaphore, #tpu.memory_space<semaphore_mem>>) src(%dma_wait3A_112 : memref<40x128xi32, #tpu.memory_space<hbm>>) dst(%arg7 : memref<40x128xi32, #tpu.memory_space<vmem>>)
      tpu.yield
    }) : () -> ()
    %dma_start3A_56 = arith.constant 0 : i32
    %dma_start3A_57 = arith.constant 0 : i32
    %dma_start3A_58 = tpu.memref_slice %arg6[%dma_start3A_56, %dma_start3A_57] : memref<40x128xi32, #tpu.memory_space<vmem>> -> memref<1x64xi32, #tpu.memory_space<vmem>>
    %dma_start3A_59 = tpu.memref_squeeze %dma_start3A_58 : memref<1x64xi32, #tpu.memory_space<vmem>> -> memref<64xi32, #tpu.memory_space<vmem>>
    %dma_start3A_60 = arith.constant 0 : i32
    %dma_start3A_61 = arith.constant 0 : i32
    %dma_start3A_62 = tpu.memref_slice %arg2[%dma_start3A_60, %dma_start3A_61] : memref<10000x128xf32, #tpu.memory_space<hbm>> -> memref<10000x128xf32, #tpu.memory_space<hbm>>
    tpu.enqueue_indirect_dma source(%dma_start3A_62 : memref<10000x128xf32, #tpu.memory_space<hbm>>) target(%arg8 : memref<64x128xf32, #tpu.memory_space<vmem>>) offsets(%dma_start3A_59 : memref<64xi32, #tpu.memory_space<vmem>>) semaphore(%arg13 : memref<!tpu.dma_semaphore, #tpu.memory_space<semaphore_mem>>)
    %dma_start3A_63 = arith.constant 0 : i32
    %dma_start3A_64 = arith.constant 64 : i32
    %dma_start3A_65 = tpu.memref_slice %arg6[%dma_start3A_63, %dma_start3A_64] : memref<40x128xi32, #tpu.memory_space<vmem>> -> memref<1x64xi32, #tpu.memory_space<vmem>>
    %dma_start3A_66 = tpu.memref_squeeze %dma_start3A_65 : memref<1x64xi32, #tpu.memory_space<vmem>> -> memref<64xi32, #tpu.memory_space<vmem>>
    %dma_start3A_67 = arith.constant 0 : i32
    %dma_start3A_68 = arith.constant 0 : i32
    %dma_start3A_69 = tpu.memref_slice %arg2[%dma_start3A_67, %dma_start3A_68] : memref<10000x128xf32, #tpu.memory_space<hbm>> -> memref<10000x128xf32, #tpu.memory_space<hbm>>
    tpu.enqueue_indirect_dma source(%dma_start3A_69 : memref<10000x128xf32, #tpu.memory_space<hbm>>) target(%arg9 : memref<64x128xf32, #tpu.memory_space<vmem>>) offsets(%dma_start3A_66 : memref<64xi32, #tpu.memory_space<vmem>>) semaphore(%arg14 : memref<!tpu.dma_semaphore, #tpu.memory_space<semaphore_mem>>)
    %dma_start3A_70 = arith.constant 1 : i32
    %dma_start3A_71 = arith.constant 0 : i32
    %dma_start3A_72 = tpu.memref_slice %arg6[%dma_start3A_70, %dma_start3A_71] : memref<40x128xi32, #tpu.memory_space<vmem>> -> memref<1x64xi32, #tpu.memory_space<vmem>>
    %dma_start3A_73 = tpu.memref_squeeze %dma_start3A_72 : memref<1x64xi32, #tpu.memory_space<vmem>> -> memref<64xi32, #tpu.memory_space<vmem>>
    %dma_start3A_74 = arith.constant 0 : i32
    %dma_start3A_75 = arith.constant 0 : i32
    %dma_start3A_76 = tpu.memref_slice %arg2[%dma_start3A_74, %dma_start3A_75] : memref<10000x128xf32, #tpu.memory_space<hbm>> -> memref<10000x128xf32, #tpu.memory_space<hbm>>
    tpu.enqueue_indirect_dma source(%dma_start3A_76 : memref<10000x128xf32, #tpu.memory_space<hbm>>) target(%arg10 : memref<64x128xf32, #tpu.memory_space<vmem>>) offsets(%dma_start3A_73 : memref<64xi32, #tpu.memory_space<vmem>>) semaphore(%arg15 : memref<!tpu.dma_semaphore, #tpu.memory_space<semaphore_mem>>)
    %dma_start3A_77 = arith.constant 1 : i32
    %dma_start3A_78 = arith.constant 64 : i32
    %dma_start3A_79 = tpu.memref_slice %arg6[%dma_start3A_77, %dma_start3A_78] : memref<40x128xi32, #tpu.memory_space<vmem>> -> memref<1x64xi32, #tpu.memory_space<vmem>>
    %dma_start3A_80 = tpu.memref_squeeze %dma_start3A_79 : memref<1x64xi32, #tpu.memory_space<vmem>> -> memref<64xi32, #tpu.memory_space<vmem>>
    %dma_start3A_81 = arith.constant 0 : i32
    %dma_start3A_82 = arith.constant 0 : i32
    %dma_start3A_83 = tpu.memref_slice %arg2[%dma_start3A_81, %dma_start3A_82] : memref<10000x128xf32, #tpu.memory_space<hbm>> -> memref<10000x128xf32, #tpu.memory_space<hbm>>
    tpu.enqueue_indirect_dma source(%dma_start3A_83 : memref<10000x128xf32, #tpu.memory_space<hbm>>) target(%arg11 : memref<64x128xf32, #tpu.memory_space<vmem>>) offsets(%dma_start3A_80 : memref<64xi32, #tpu.memory_space<vmem>>) semaphore(%arg16 : memref<!tpu.dma_semaphore, #tpu.memory_space<semaphore_mem>>)
    %scan3A_84 = arith.constant 0 : i32
    %scan3A_85 = arith.constant 0 : i32
    %scan3A_86 = arith.constant 20 : i32
    %scan3A_87 = arith.addi %scan3A_85, %scan3A_86 : i32
    %scan3A_88 = arith.constant 1 : i32
    scf.for %scan3A_101 = %scan3A_85 to %scan3A_87 step %scan3A_88  : i32 {
      %mul3A_102 = arith.constant 2 : i32
      %mul3A_103 = arith.muli %mul3A_102, %scan3A_101 : i32
      %add3A_104 = arith.constant 0 : i32
      %add3A_105 = arith.addi %mul3A_103, %add3A_104 : i32
      %dma_wait3A = arith.constant 0 : i32
      %dma_wait3A_106 = tpu.memref_slice %arg6[%add3A_105, %dma_wait3A] : memref<40x128xi32, #tpu.memory_space<vmem>> -> memref<1x64xi32, #tpu.memory_space<vmem>>
      %dma_wait3A_107 = tpu.memref_squeeze %dma_wait3A_106 : memref<1x64xi32, #tpu.memory_space<vmem>> -> memref<64xi32, #tpu.memory_space<vmem>>
      %dma_wait3A_108 = arith.constant 0 : i32
      %dma_wait3A_109 = arith.constant 0 : i32
      %dma_wait3A_110 = tpu.memref_slice %arg2[%dma_wait3A_108, %dma_wait3A_109] : memref<10000x128xf32, #tpu.memory_space<hbm>> -> memref<10000x128xf32, #tpu.memory_space<hbm>>
      tpu.wait_indirect_dma semaphore(%arg13 : memref<!tpu.dma_semaphore, #tpu.memory_space<semaphore_mem>>) src(%dma_wait3A_110 : memref<10000x128xf32, #tpu.memory_space<hbm>>) dst(%arg8 : memref<64x128xf32, #tpu.memory_space<vmem>>)
      %mul3A_111 = arith.constant 2 : i32
      %mul3A_112 = arith.muli %mul3A_111, %scan3A_101 : i32
      %add3A_113 = arith.constant 0 : i32
      %add3A_114 = arith.addi %mul3A_112, %add3A_113 : i32
      "tpu.region"() ({
        %run_scoped3A_182 = tpu.sem_alloc : memref<!tpu.dma_semaphore, #tpu.memory_space<semaphore_mem>>
        %dma_start3A_183 = arith.constant 0 : i32
        %dma_start3A_184 = tpu.memref_slice %arg7[%add3A_114, %dma_start3A_183] : memref<40x128xi32, #tpu.memory_space<vmem>> -> memref<1x64xi32, #tpu.memory_space<vmem>>
        %dma_start3A_185 = tpu.memref_squeeze %dma_start3A_184 : memref<1x64xi32, #tpu.memory_space<vmem>> -> memref<64xi32, #tpu.memory_space<vmem>>
        %dma_start3A_186 = arith.constant 0 : i32
        %dma_start3A_187 = arith.constant 0 : i32
        %dma_start3A_188 = tpu.memref_slice %arg12[%dma_start3A_186, %dma_start3A_187] : memref<10240x128xf32, #tpu.memory_space<vmem_shared>> -> memref<10240x128xf32, #tpu.memory_space<vmem_shared>>
        tpu.enqueue_indirect_dma source(%arg8 : memref<64x128xf32, #tpu.memory_space<vmem>>) target(%dma_start3A_188 : memref<10240x128xf32, #tpu.memory_space<vmem_shared>>) offsets(%dma_start3A_185 : memref<64xi32, #tpu.memory_space<vmem>>) semaphore(%run_scoped3A_182 : memref<!tpu.dma_semaphore, #tpu.memory_space<semaphore_mem>>) {add = true}
        %dma_wait3A_189 = arith.constant 0 : i32
        %dma_wait3A_190 = tpu.memref_slice %arg7[%add3A_114, %dma_wait3A_189] : memref<40x128xi32, #tpu.memory_space<vmem>> -> memref<1x64xi32, #tpu.memory_space<vmem>>
        %dma_wait3A_191 = tpu.memref_squeeze %dma_wait3A_190 : memref<1x64xi32, #tpu.memory_space<vmem>> -> memref<64xi32, #tpu.memory_space<vmem>>
        %dma_wait3A_192 = arith.constant 0 : i32
        %dma_wait3A_193 = arith.constant 0 : i32
        %dma_wait3A_194 = tpu.memref_slice %arg12[%dma_wait3A_192, %dma_wait3A_193] : memref<10240x128xf32, #tpu.memory_space<vmem_shared>> -> memref<10240x128xf32, #tpu.memory_space<vmem_shared>>
        tpu.wait_indirect_dma semaphore(%run_scoped3A_182 : memref<!tpu.dma_semaphore, #tpu.memory_space<semaphore_mem>>) src(%arg8 : memref<64x128xf32, #tpu.memory_space<vmem>>) dst(%dma_wait3A_194 : memref<10240x128xf32, #tpu.memory_space<vmem_shared>>)
        tpu.yield
      }) : () -> ()
      %add3A_115 = arith.constant 1 : i32
      %add3A_116 = arith.addi %scan3A_101, %add3A_115 : i32
      %lt3A = arith.constant 20 : i32
      %lt3A_117 = arith.cmpi slt, %add3A_116, %lt3A : i32
      %convert_element_type3A = arith.extui %lt3A_117 : i1 to i32
      %cond3A = arith.constant 0 : i32
      %cond3A_118 = arith.cmpi ne, %convert_element_type3A, %cond3A : i32
      scf.if %cond3A_118 {
        %add3A_182 = arith.constant 1 : i32
        %add3A_183 = arith.addi %scan3A_101, %add3A_182 : i32
        %mul3A_184 = arith.constant 2 : i32
        %mul3A_185 = arith.muli %mul3A_184, %add3A_183 : i32
        %add3A_186 = arith.constant 0 : i32
        %add3A_187 = arith.addi %mul3A_185, %add3A_186 : i32
        %dma_start3A_188 = arith.constant 0 : i32
        %dma_start3A_189 = tpu.memref_slice %arg6[%add3A_187, %dma_start3A_188] : memref<40x128xi32, #tpu.memory_space<vmem>> -> memref<1x64xi32, #tpu.memory_space<vmem>>
        %dma_start3A_190 = tpu.memref_squeeze %dma_start3A_189 : memref<1x64xi32, #tpu.memory_space<vmem>> -> memref<64xi32, #tpu.memory_space<vmem>>
        %dma_start3A_191 = arith.constant 0 : i32
        %dma_start3A_192 = arith.constant 0 : i32
        %dma_start3A_193 = tpu.memref_slice %arg2[%dma_start3A_191, %dma_start3A_192] : memref<10000x128xf32, #tpu.memory_space<hbm>> -> memref<10000x128xf32, #tpu.memory_space<hbm>>
        tpu.enqueue_indirect_dma source(%dma_start3A_193 : memref<10000x128xf32, #tpu.memory_space<hbm>>) target(%arg8 : memref<64x128xf32, #tpu.memory_space<vmem>>) offsets(%dma_start3A_190 : memref<64xi32, #tpu.memory_space<vmem>>) semaphore(%arg13 : memref<!tpu.dma_semaphore, #tpu.memory_space<semaphore_mem>>)
      } else {
      }
      %mul3A_119 = arith.constant 2 : i32
      %mul3A_120 = arith.muli %mul3A_119, %scan3A_101 : i32
      %add3A_121 = arith.constant 0 : i32
      %add3A_122 = arith.addi %mul3A_120, %add3A_121 : i32
      %dma_wait3A_123 = arith.constant 64 : i32
      %dma_wait3A_124 = tpu.memref_slice %arg6[%add3A_122, %dma_wait3A_123] : memref<40x128xi32, #tpu.memory_space<vmem>> -> memref<1x64xi32, #tpu.memory_space<vmem>>
      %dma_wait3A_125 = tpu.memref_squeeze %dma_wait3A_124 : memref<1x64xi32, #tpu.memory_space<vmem>> -> memref<64xi32, #tpu.memory_space<vmem>>
      %dma_wait3A_126 = arith.constant 0 : i32
      %dma_wait3A_127 = arith.constant 0 : i32
      %dma_wait3A_128 = tpu.memref_slice %arg2[%dma_wait3A_126, %dma_wait3A_127] : memref<10000x128xf32, #tpu.memory_space<hbm>> -> memref<10000x128xf32, #tpu.memory_space<hbm>>
      tpu.wait_indirect_dma semaphore(%arg14 : memref<!tpu.dma_semaphore, #tpu.memory_space<semaphore_mem>>) src(%dma_wait3A_128 : memref<10000x128xf32, #tpu.memory_space<hbm>>) dst(%arg9 : memref<64x128xf32, #tpu.memory_space<vmem>>)
      %mul3A_129 = arith.constant 2 : i32
      %mul3A_130 = arith.muli %mul3A_129, %scan3A_101 : i32
      %add3A_131 = arith.constant 0 : i32
      %add3A_132 = arith.addi %mul3A_130, %add3A_131 : i32
      "tpu.region"() ({
        %run_scoped3A_182 = tpu.sem_alloc : memref<!tpu.dma_semaphore, #tpu.memory_space<semaphore_mem>>
        %dma_start3A_183 = arith.constant 64 : i32
        %dma_start3A_184 = tpu.memref_slice %arg7[%add3A_132, %dma_start3A_183] : memref<40x128xi32, #tpu.memory_space<vmem>> -> memref<1x64xi32, #tpu.memory_space<vmem>>
        %dma_start3A_185 = tpu.memref_squeeze %dma_start3A_184 : memref<1x64xi32, #tpu.memory_space<vmem>> -> memref<64xi32, #tpu.memory_space<vmem>>
        %dma_start3A_186 = arith.constant 0 : i32
        %dma_start3A_187 = arith.constant 0 : i32
        %dma_start3A_188 = tpu.memref_slice %arg12[%dma_start3A_186, %dma_start3A_187] : memref<10240x128xf32, #tpu.memory_space<vmem_shared>> -> memref<10240x128xf32, #tpu.memory_space<vmem_shared>>
        tpu.enqueue_indirect_dma source(%arg9 : memref<64x128xf32, #tpu.memory_space<vmem>>) target(%dma_start3A_188 : memref<10240x128xf32, #tpu.memory_space<vmem_shared>>) offsets(%dma_start3A_185 : memref<64xi32, #tpu.memory_space<vmem>>) semaphore(%run_scoped3A_182 : memref<!tpu.dma_semaphore, #tpu.memory_space<semaphore_mem>>) {add = true}
        %dma_wait3A_189 = arith.constant 64 : i32
        %dma_wait3A_190 = tpu.memref_slice %arg7[%add3A_132, %dma_wait3A_189] : memref<40x128xi32, #tpu.memory_space<vmem>> -> memref<1x64xi32, #tpu.memory_space<vmem>>
        %dma_wait3A_191 = tpu.memref_squeeze %dma_wait3A_190 : memref<1x64xi32, #tpu.memory_space<vmem>> -> memref<64xi32, #tpu.memory_space<vmem>>
        %dma_wait3A_192 = arith.constant 0 : i32
        %dma_wait3A_193 = arith.constant 0 : i32
        %dma_wait3A_194 = tpu.memref_slice %arg12[%dma_wait3A_192, %dma_wait3A_193] : memref<10240x128xf32, #tpu.memory_space<vmem_shared>> -> memref<10240x128xf32, #tpu.memory_space<vmem_shared>>
        tpu.wait_indirect_dma semaphore(%run_scoped3A_182 : memref<!tpu.dma_semaphore, #tpu.memory_space<semaphore_mem>>) src(%arg9 : memref<64x128xf32, #tpu.memory_space<vmem>>) dst(%dma_wait3A_194 : memref<10240x128xf32, #tpu.memory_space<vmem_shared>>)
        tpu.yield
      }) : () -> ()
      %add3A_133 = arith.constant 1 : i32
      %add3A_134 = arith.addi %scan3A_101, %add3A_133 : i32
      %lt3A_135 = arith.constant 20 : i32
      %lt3A_136 = arith.cmpi slt, %add3A_134, %lt3A_135 : i32
      %convert_element_type3A_137 = arith.extui %lt3A_136 : i1 to i32
      %cond3A_138 = arith.constant 0 : i32
      %cond3A_139 = arith.cmpi ne, %convert_element_type3A_137, %cond3A_138 : i32
      scf.if %cond3A_139 {
        %add3A_182 = arith.constant 1 : i32
        %add3A_183 = arith.addi %scan3A_101, %add3A_182 : i32
        %mul3A_184 = arith.constant 2 : i32
        %mul3A_185 = arith.muli %mul3A_184, %add3A_183 : i32
        %add3A_186 = arith.constant 0 : i32
        %add3A_187 = arith.addi %mul3A_185, %add3A_186 : i32
        %dma_start3A_188 = arith.constant 64 : i32
        %dma_start3A_189 = tpu.memref_slice %arg6[%add3A_187, %dma_start3A_188] : memref<40x128xi32, #tpu.memory_space<vmem>> -> memref<1x64xi32, #tpu.memory_space<vmem>>
        %dma_start3A_190 = tpu.memref_squeeze %dma_start3A_189 : memref<1x64xi32, #tpu.memory_space<vmem>> -> memref<64xi32, #tpu.memory_space<vmem>>
        %dma_start3A_191 = arith.constant 0 : i32
        %dma_start3A_192 = arith.constant 0 : i32
        %dma_start3A_193 = tpu.memref_slice %arg2[%dma_start3A_191, %dma_start3A_192] : memref<10000x128xf32, #tpu.memory_space<hbm>> -> memref<10000x128xf32, #tpu.memory_space<hbm>>
        tpu.enqueue_indirect_dma source(%dma_start3A_193 : memref<10000x128xf32, #tpu.memory_space<hbm>>) target(%arg9 : memref<64x128xf32, #tpu.memory_space<vmem>>) offsets(%dma_start3A_190 : memref<64xi32, #tpu.memory_space<vmem>>) semaphore(%arg14 : memref<!tpu.dma_semaphore, #tpu.memory_space<semaphore_mem>>)
      } else {
      }
      %mul3A_140 = arith.constant 2 : i32
      %mul3A_141 = arith.muli %mul3A_140, %scan3A_101 : i32
      %add3A_142 = arith.constant 1 : i32
      %add3A_143 = arith.addi %mul3A_141, %add3A_142 : i32
      %dma_wait3A_144 = arith.constant 0 : i32
      %dma_wait3A_145 = tpu.memref_slice %arg6[%add3A_143, %dma_wait3A_144] : memref<40x128xi32, #tpu.memory_space<vmem>> -> memref<1x64xi32, #tpu.memory_space<vmem>>
      %dma_wait3A_146 = tpu.memref_squeeze %dma_wait3A_145 : memref<1x64xi32, #tpu.memory_space<vmem>> -> memref<64xi32, #tpu.memory_space<vmem>>
      %dma_wait3A_147 = arith.constant 0 : i32
      %dma_wait3A_148 = arith.constant 0 : i32
      %dma_wait3A_149 = tpu.memref_slice %arg2[%dma_wait3A_147, %dma_wait3A_148] : memref<10000x128xf32, #tpu.memory_space<hbm>> -> memref<10000x128xf32, #tpu.memory_space<hbm>>
      tpu.wait_indirect_dma semaphore(%arg15 : memref<!tpu.dma_semaphore, #tpu.memory_space<semaphore_mem>>) src(%dma_wait3A_149 : memref<10000x128xf32, #tpu.memory_space<hbm>>) dst(%arg10 : memref<64x128xf32, #tpu.memory_space<vmem>>)
      %mul3A_150 = arith.constant 2 : i32
      %mul3A_151 = arith.muli %mul3A_150, %scan3A_101 : i32
      %add3A_152 = arith.constant 1 : i32
      %add3A_153 = arith.addi %mul3A_151, %add3A_152 : i32
      "tpu.region"() ({
        %run_scoped3A_182 = tpu.sem_alloc : memref<!tpu.dma_semaphore, #tpu.memory_space<semaphore_mem>>
        %dma_start3A_183 = arith.constant 0 : i32
        %dma_start3A_184 = tpu.memref_slice %arg7[%add3A_153, %dma_start3A_183] : memref<40x128xi32, #tpu.memory_space<vmem>> -> memref<1x64xi32, #tpu.memory_space<vmem>>
        %dma_start3A_185 = tpu.memref_squeeze %dma_start3A_184 : memref<1x64xi32, #tpu.memory_space<vmem>> -> memref<64xi32, #tpu.memory_space<vmem>>
        %dma_start3A_186 = arith.constant 0 : i32
        %dma_start3A_187 = arith.constant 0 : i32
        %dma_start3A_188 = tpu.memref_slice %arg12[%dma_start3A_186, %dma_start3A_187] : memref<10240x128xf32, #tpu.memory_space<vmem_shared>> -> memref<10240x128xf32, #tpu.memory_space<vmem_shared>>
        tpu.enqueue_indirect_dma source(%arg10 : memref<64x128xf32, #tpu.memory_space<vmem>>) target(%dma_start3A_188 : memref<10240x128xf32, #tpu.memory_space<vmem_shared>>) offsets(%dma_start3A_185 : memref<64xi32, #tpu.memory_space<vmem>>) semaphore(%run_scoped3A_182 : memref<!tpu.dma_semaphore, #tpu.memory_space<semaphore_mem>>) {add = true}
        %dma_wait3A_189 = arith.constant 0 : i32
        %dma_wait3A_190 = tpu.memref_slice %arg7[%add3A_153, %dma_wait3A_189] : memref<40x128xi32, #tpu.memory_space<vmem>> -> memref<1x64xi32, #tpu.memory_space<vmem>>
        %dma_wait3A_191 = tpu.memref_squeeze %dma_wait3A_190 : memref<1x64xi32, #tpu.memory_space<vmem>> -> memref<64xi32, #tpu.memory_space<vmem>>
        %dma_wait3A_192 = arith.constant 0 : i32
        %dma_wait3A_193 = arith.constant 0 : i32
        %dma_wait3A_194 = tpu.memref_slice %arg12[%dma_wait3A_192, %dma_wait3A_193] : memref<10240x128xf32, #tpu.memory_space<vmem_shared>> -> memref<10240x128xf32, #tpu.memory_space<vmem_shared>>
        tpu.wait_indirect_dma semaphore(%run_scoped3A_182 : memref<!tpu.dma_semaphore, #tpu.memory_space<semaphore_mem>>) src(%arg10 : memref<64x128xf32, #tpu.memory_space<vmem>>) dst(%dma_wait3A_194 : memref<10240x128xf32, #tpu.memory_space<vmem_shared>>)
        tpu.yield
      }) : () -> ()
      %add3A_154 = arith.constant 1 : i32
      %add3A_155 = arith.addi %scan3A_101, %add3A_154 : i32
      %lt3A_156 = arith.constant 20 : i32
      %lt3A_157 = arith.cmpi slt, %add3A_155, %lt3A_156 : i32
      %convert_element_type3A_158 = arith.extui %lt3A_157 : i1 to i32
      %cond3A_159 = arith.constant 0 : i32
      %cond3A_160 = arith.cmpi ne, %convert_element_type3A_158, %cond3A_159 : i32
      scf.if %cond3A_160 {
        %add3A_182 = arith.constant 1 : i32
        %add3A_183 = arith.addi %scan3A_101, %add3A_182 : i32
        %mul3A_184 = arith.constant 2 : i32
        %mul3A_185 = arith.muli %mul3A_184, %add3A_183 : i32
        %add3A_186 = arith.constant 1 : i32
        %add3A_187 = arith.addi %mul3A_185, %add3A_186 : i32
        %dma_start3A_188 = arith.constant 0 : i32
        %dma_start3A_189 = tpu.memref_slice %arg6[%add3A_187, %dma_start3A_188] : memref<40x128xi32, #tpu.memory_space<vmem>> -> memref<1x64xi32, #tpu.memory_space<vmem>>
        %dma_start3A_190 = tpu.memref_squeeze %dma_start3A_189 : memref<1x64xi32, #tpu.memory_space<vmem>> -> memref<64xi32, #tpu.memory_space<vmem>>
        %dma_start3A_191 = arith.constant 0 : i32
        %dma_start3A_192 = arith.constant 0 : i32
        %dma_start3A_193 = tpu.memref_slice %arg2[%dma_start3A_191, %dma_start3A_192] : memref<10000x128xf32, #tpu.memory_space<hbm>> -> memref<10000x128xf32, #tpu.memory_space<hbm>>
        tpu.enqueue_indirect_dma source(%dma_start3A_193 : memref<10000x128xf32, #tpu.memory_space<hbm>>) target(%arg10 : memref<64x128xf32, #tpu.memory_space<vmem>>) offsets(%dma_start3A_190 : memref<64xi32, #tpu.memory_space<vmem>>) semaphore(%arg15 : memref<!tpu.dma_semaphore, #tpu.memory_space<semaphore_mem>>)
      } else {
      }
      %mul3A_161 = arith.constant 2 : i32
      %mul3A_162 = arith.muli %mul3A_161, %scan3A_101 : i32
      %add3A_163 = arith.constant 1 : i32
      %add3A_164 = arith.addi %mul3A_162, %add3A_163 : i32
      %dma_wait3A_165 = arith.constant 64 : i32
      %dma_wait3A_166 = tpu.memref_slice %arg6[%add3A_164, %dma_wait3A_165] : memref<40x128xi32, #tpu.memory_space<vmem>> -> memref<1x64xi32, #tpu.memory_space<vmem>>
      %dma_wait3A_167 = tpu.memref_squeeze %dma_wait3A_166 : memref<1x64xi32, #tpu.memory_space<vmem>> -> memref<64xi32, #tpu.memory_space<vmem>>
      %dma_wait3A_168 = arith.constant 0 : i32
      %dma_wait3A_169 = arith.constant 0 : i32
      %dma_wait3A_170 = tpu.memref_slice %arg2[%dma_wait3A_168, %dma_wait3A_169] : memref<10000x128xf32, #tpu.memory_space<hbm>> -> memref<10000x128xf32, #tpu.memory_space<hbm>>
      tpu.wait_indirect_dma semaphore(%arg16 : memref<!tpu.dma_semaphore, #tpu.memory_space<semaphore_mem>>) src(%dma_wait3A_170 : memref<10000x128xf32, #tpu.memory_space<hbm>>) dst(%arg11 : memref<64x128xf32, #tpu.memory_space<vmem>>)
      %mul3A_171 = arith.constant 2 : i32
      %mul3A_172 = arith.muli %mul3A_171, %scan3A_101 : i32
      %add3A_173 = arith.constant 1 : i32
      %add3A_174 = arith.addi %mul3A_172, %add3A_173 : i32
      "tpu.region"() ({
        %run_scoped3A_182 = tpu.sem_alloc : memref<!tpu.dma_semaphore, #tpu.memory_space<semaphore_mem>>
        %dma_start3A_183 = arith.constant 64 : i32
        %dma_start3A_184 = tpu.memref_slice %arg7[%add3A_174, %dma_start3A_183] : memref<40x128xi32, #tpu.memory_space<vmem>> -> memref<1x64xi32, #tpu.memory_space<vmem>>
        %dma_start3A_185 = tpu.memref_squeeze %dma_start3A_184 : memref<1x64xi32, #tpu.memory_space<vmem>> -> memref<64xi32, #tpu.memory_space<vmem>>
        %dma_start3A_186 = arith.constant 0 : i32
        %dma_start3A_187 = arith.constant 0 : i32
        %dma_start3A_188 = tpu.memref_slice %arg12[%dma_start3A_186, %dma_start3A_187] : memref<10240x128xf32, #tpu.memory_space<vmem_shared>> -> memref<10240x128xf32, #tpu.memory_space<vmem_shared>>
        tpu.enqueue_indirect_dma source(%arg11 : memref<64x128xf32, #tpu.memory_space<vmem>>) target(%dma_start3A_188 : memref<10240x128xf32, #tpu.memory_space<vmem_shared>>) offsets(%dma_start3A_185 : memref<64xi32, #tpu.memory_space<vmem>>) semaphore(%run_scoped3A_182 : memref<!tpu.dma_semaphore, #tpu.memory_space<semaphore_mem>>) {add = true}
        %dma_wait3A_189 = arith.constant 64 : i32
        %dma_wait3A_190 = tpu.memref_slice %arg7[%add3A_174, %dma_wait3A_189] : memref<40x128xi32, #tpu.memory_space<vmem>> -> memref<1x64xi32, #tpu.memory_space<vmem>>
        %dma_wait3A_191 = tpu.memref_squeeze %dma_wait3A_190 : memref<1x64xi32, #tpu.memory_space<vmem>> -> memref<64xi32, #tpu.memory_space<vmem>>
        %dma_wait3A_192 = arith.constant 0 : i32
        %dma_wait3A_193 = arith.constant 0 : i32
        %dma_wait3A_194 = tpu.memref_slice %arg12[%dma_wait3A_192, %dma_wait3A_193] : memref<10240x128xf32, #tpu.memory_space<vmem_shared>> -> memref<10240x128xf32, #tpu.memory_space<vmem_shared>>
        tpu.wait_indirect_dma semaphore(%run_scoped3A_182 : memref<!tpu.dma_semaphore, #tpu.memory_space<semaphore_mem>>) src(%arg11 : memref<64x128xf32, #tpu.memory_space<vmem>>) dst(%dma_wait3A_194 : memref<10240x128xf32, #tpu.memory_space<vmem_shared>>)
        tpu.yield
      }) : () -> ()
      %add3A_175 = arith.constant 1 : i32
      %add3A_176 = arith.addi %scan3A_101, %add3A_175 : i32
      %lt3A_177 = arith.constant 20 : i32
      %lt3A_178 = arith.cmpi slt, %add3A_176, %lt3A_177 : i32
      %convert_element_type3A_179 = arith.extui %lt3A_178 : i1 to i32
      %cond3A_180 = arith.constant 0 : i32
      %cond3A_181 = arith.cmpi ne, %convert_element_type3A_179, %cond3A_180 : i32
      scf.if %cond3A_181 {
        %add3A_182 = arith.constant 1 : i32
        %add3A_183 = arith.addi %scan3A_101, %add3A_182 : i32
        %mul3A_184 = arith.constant 2 : i32
        %mul3A_185 = arith.muli %mul3A_184, %add3A_183 : i32
        %add3A_186 = arith.constant 1 : i32
        %add3A_187 = arith.addi %mul3A_185, %add3A_186 : i32
        %dma_start3A_188 = arith.constant 64 : i32
        %dma_start3A_189 = tpu.memref_slice %arg6[%add3A_187, %dma_start3A_188] : memref<40x128xi32, #tpu.memory_space<vmem>> -> memref<1x64xi32, #tpu.memory_space<vmem>>
        %dma_start3A_190 = tpu.memref_squeeze %dma_start3A_189 : memref<1x64xi32, #tpu.memory_space<vmem>> -> memref<64xi32, #tpu.memory_space<vmem>>
        %dma_start3A_191 = arith.constant 0 : i32
        %dma_start3A_192 = arith.constant 0 : i32
        %dma_start3A_193 = tpu.memref_slice %arg2[%dma_start3A_191, %dma_start3A_192] : memref<10000x128xf32, #tpu.memory_space<hbm>> -> memref<10000x128xf32, #tpu.memory_space<hbm>>
        tpu.enqueue_indirect_dma source(%dma_start3A_193 : memref<10000x128xf32, #tpu.memory_space<hbm>>) target(%arg11 : memref<64x128xf32, #tpu.memory_space<vmem>>) offsets(%dma_start3A_190 : memref<64xi32, #tpu.memory_space<vmem>>) semaphore(%arg16 : memref<!tpu.dma_semaphore, #tpu.memory_space<semaphore_mem>>)
      } else {
      }
    }
    %scan3A_89 = arith.constant 20 : i32
    %barrier3A_90 = arith.constant 0 : index
    tpu.barrier barrier_id(%barrier3A_90)
    %add3A_91 = arith.constant 0 : i32
    %add3A_92 = arith.addi %mul3A_2, %add3A_91 : i32
    "tpu.region"() ({
      %run_scoped3A_101 = tpu.sem_alloc : memref<!tpu.dma_semaphore, #tpu.memory_space<semaphore_mem>>
      %dma_start3A_102 = arith.constant 0 : i32
      %dma_start3A_103 = tpu.memref_slice %arg5[%arg0, %add3A_92, %dma_start3A_102] : memref<2x10240x128xf32, #tpu.memory_space<hbm>> -> memref<1x128x128xf32, #tpu.memory_space<hbm>>
      %dma_start3A_104 = tpu.memref_squeeze %dma_start3A_103 : memref<1x128x128xf32, #tpu.memory_space<hbm>> -> memref<128x128xf32, #tpu.memory_space<hbm>>
      %dma_start3A_105 = arith.constant 0 : i32
      %dma_start3A_106 = tpu.memref_slice %arg12[%add3A_92, %dma_start3A_105] : memref<10240x128xf32, #tpu.memory_space<vmem_shared>> -> memref<128x128xf32, #tpu.memory_space<vmem_shared>>
      tpu.enqueue_dma source(%dma_start3A_106 : memref<128x128xf32, #tpu.memory_space<vmem_shared>>) target(%dma_start3A_104 : memref<128x128xf32, #tpu.memory_space<hbm>>) target_semaphore(%run_scoped3A_101 : memref<!tpu.dma_semaphore, #tpu.memory_space<semaphore_mem>>)
      %dma_wait3A = arith.constant 0 : i32
      %dma_wait3A_107 = tpu.memref_slice %arg5[%arg0, %add3A_92, %dma_wait3A] : memref<2x10240x128xf32, #tpu.memory_space<hbm>> -> memref<1x128x128xf32, #tpu.memory_space<hbm>>
      %dma_wait3A_108 = tpu.memref_squeeze %dma_wait3A_107 : memref<1x128x128xf32, #tpu.memory_space<hbm>> -> memref<128x128xf32, #tpu.memory_space<hbm>>
      %dma_wait3A_109 = arith.constant 0 : i32
      %dma_wait3A_110 = tpu.memref_slice %arg12[%add3A_92, %dma_wait3A_109] : memref<10240x128xf32, #tpu.memory_space<vmem_shared>> -> memref<128x128xf32, #tpu.memory_space<vmem_shared>>
      tpu.wait_dma2 semaphore(%run_scoped3A_101 : memref<!tpu.dma_semaphore, #tpu.memory_space<semaphore_mem>>) src(%dma_wait3A_110 : memref<128x128xf32, #tpu.memory_space<vmem_shared>>) dst(%dma_wait3A_108 : memref<128x128xf32, #tpu.memory_space<hbm>>)
      tpu.yield
    }) : () -> ()
    %add3A_93 = arith.constant 128 : i32
    %add3A_94 = arith.addi %mul3A_2, %add3A_93 : i32
    "tpu.region"() ({
      %run_scoped3A_101 = tpu.sem_alloc : memref<!tpu.dma_semaphore, #tpu.memory_space<semaphore_mem>>
      %dma_start3A_102 = arith.constant 0 : i32
      %dma_start3A_103 = tpu.memref_slice %arg5[%arg0, %add3A_94, %dma_start3A_102] : memref<2x10240x128xf32, #tpu.memory_space<hbm>> -> memref<1x128x128xf32, #tpu.memory_space<hbm>>
      %dma_start3A_104 = tpu.memref_squeeze %dma_start3A_103 : memref<1x128x128xf32, #tpu.memory_space<hbm>> -> memref<128x128xf32, #tpu.memory_space<hbm>>
      %dma_start3A_105 = arith.constant 0 : i32
      %dma_start3A_106 = tpu.memref_slice %arg12[%add3A_94, %dma_start3A_105] : memref<10240x128xf32, #tpu.memory_space<vmem_shared>> -> memref<128x128xf32, #tpu.memory_space<vmem_shared>>
      tpu.enqueue_dma source(%dma_start3A_106 : memref<128x128xf32, #tpu.memory_space<vmem_shared>>) target(%dma_start3A_104 : memref<128x128xf32, #tpu.memory_space<hbm>>) target_semaphore(%run_scoped3A_101 : memref<!tpu.dma_semaphore, #tpu.memory_space<semaphore_mem>>)
      %dma_wait3A = arith.constant 0 : i32
      %dma_wait3A_107 = tpu.memref_slice %arg5[%arg0, %add3A_94, %dma_wait3A] : memref<2x10240x128xf32, #tpu.memory_space<hbm>> -> memref<1x128x128xf32, #tpu.memory_space<hbm>>
      %dma_wait3A_108 = tpu.memref_squeeze %dma_wait3A_107 : memref<1x128x128xf32, #tpu.memory_space<hbm>> -> memref<128x128xf32, #tpu.memory_space<hbm>>
      %dma_wait3A_109 = arith.constant 0 : i32
      %dma_wait3A_110 = tpu.memref_slice %arg12[%add3A_94, %dma_wait3A_109] : memref<10240x128xf32, #tpu.memory_space<vmem_shared>> -> memref<128x128xf32, #tpu.memory_space<vmem_shared>>
      tpu.wait_dma2 semaphore(%run_scoped3A_101 : memref<!tpu.dma_semaphore, #tpu.memory_space<semaphore_mem>>) src(%dma_wait3A_110 : memref<128x128xf32, #tpu.memory_space<vmem_shared>>) dst(%dma_wait3A_108 : memref<128x128xf32, #tpu.memory_space<hbm>>)
      tpu.yield
    }) : () -> ()
    %add3A_95 = arith.constant 256 : i32
    %add3A_96 = arith.addi %mul3A_2, %add3A_95 : i32
    "tpu.region"() ({
      %run_scoped3A_101 = tpu.sem_alloc : memref<!tpu.dma_semaphore, #tpu.memory_space<semaphore_mem>>
      %dma_start3A_102 = arith.constant 0 : i32
      %dma_start3A_103 = tpu.memref_slice %arg5[%arg0, %add3A_96, %dma_start3A_102] : memref<2x10240x128xf32, #tpu.memory_space<hbm>> -> memref<1x128x128xf32, #tpu.memory_space<hbm>>
      %dma_start3A_104 = tpu.memref_squeeze %dma_start3A_103 : memref<1x128x128xf32, #tpu.memory_space<hbm>> -> memref<128x128xf32, #tpu.memory_space<hbm>>
      %dma_start3A_105 = arith.constant 0 : i32
      %dma_start3A_106 = tpu.memref_slice %arg12[%add3A_96, %dma_start3A_105] : memref<10240x128xf32, #tpu.memory_space<vmem_shared>> -> memref<128x128xf32, #tpu.memory_space<vmem_shared>>
      tpu.enqueue_dma source(%dma_start3A_106 : memref<128x128xf32, #tpu.memory_space<vmem_shared>>) target(%dma_start3A_104 : memref<128x128xf32, #tpu.memory_space<hbm>>) target_semaphore(%run_scoped3A_101 : memref<!tpu.dma_semaphore, #tpu.memory_space<semaphore_mem>>)
      %dma_wait3A = arith.constant 0 : i32
      %dma_wait3A_107 = tpu.memref_slice %arg5[%arg0, %add3A_96, %dma_wait3A] : memref<2x10240x128xf32, #tpu.memory_space<hbm>> -> memref<1x128x128xf32, #tpu.memory_space<hbm>>
      %dma_wait3A_108 = tpu.memref_squeeze %dma_wait3A_107 : memref<1x128x128xf32, #tpu.memory_space<hbm>> -> memref<128x128xf32, #tpu.memory_space<hbm>>
      %dma_wait3A_109 = arith.constant 0 : i32
      %dma_wait3A_110 = tpu.memref_slice %arg12[%add3A_96, %dma_wait3A_109] : memref<10240x128xf32, #tpu.memory_space<vmem_shared>> -> memref<128x128xf32, #tpu.memory_space<vmem_shared>>
      tpu.wait_dma2 semaphore(%run_scoped3A_101 : memref<!tpu.dma_semaphore, #tpu.memory_space<semaphore_mem>>) src(%dma_wait3A_110 : memref<128x128xf32, #tpu.memory_space<vmem_shared>>) dst(%dma_wait3A_108 : memref<128x128xf32, #tpu.memory_space<hbm>>)
      tpu.yield
    }) : () -> ()
    %add3A_97 = arith.constant 384 : i32
    %add3A_98 = arith.addi %mul3A_2, %add3A_97 : i32
    "tpu.region"() ({
      %run_scoped3A_101 = tpu.sem_alloc : memref<!tpu.dma_semaphore, #tpu.memory_space<semaphore_mem>>
      %dma_start3A_102 = arith.constant 0 : i32
      %dma_start3A_103 = tpu.memref_slice %arg5[%arg0, %add3A_98, %dma_start3A_102] : memref<2x10240x128xf32, #tpu.memory_space<hbm>> -> memref<1x128x128xf32, #tpu.memory_space<hbm>>
      %dma_start3A_104 = tpu.memref_squeeze %dma_start3A_103 : memref<1x128x128xf32, #tpu.memory_space<hbm>> -> memref<128x128xf32, #tpu.memory_space<hbm>>
      %dma_start3A_105 = arith.constant 0 : i32
      %dma_start3A_106 = tpu.memref_slice %arg12[%add3A_98, %dma_start3A_105] : memref<10240x128xf32, #tpu.memory_space<vmem_shared>> -> memref<128x128xf32, #tpu.memory_space<vmem_shared>>
      tpu.enqueue_dma source(%dma_start3A_106 : memref<128x128xf32, #tpu.memory_space<vmem_shared>>) target(%dma_start3A_104 : memref<128x128xf32, #tpu.memory_space<hbm>>) target_semaphore(%run_scoped3A_101 : memref<!tpu.dma_semaphore, #tpu.memory_space<semaphore_mem>>)
      %dma_wait3A = arith.constant 0 : i32
      %dma_wait3A_107 = tpu.memref_slice %arg5[%arg0, %add3A_98, %dma_wait3A] : memref<2x10240x128xf32, #tpu.memory_space<hbm>> -> memref<1x128x128xf32, #tpu.memory_space<hbm>>
      %dma_wait3A_108 = tpu.memref_squeeze %dma_wait3A_107 : memref<1x128x128xf32, #tpu.memory_space<hbm>> -> memref<128x128xf32, #tpu.memory_space<hbm>>
      %dma_wait3A_109 = arith.constant 0 : i32
      %dma_wait3A_110 = tpu.memref_slice %arg12[%add3A_98, %dma_wait3A_109] : memref<10240x128xf32, #tpu.memory_space<vmem_shared>> -> memref<128x128xf32, #tpu.memory_space<vmem_shared>>
      tpu.wait_dma2 semaphore(%run_scoped3A_101 : memref<!tpu.dma_semaphore, #tpu.memory_space<semaphore_mem>>) src(%dma_wait3A_110 : memref<128x128xf32, #tpu.memory_space<vmem_shared>>) dst(%dma_wait3A_108 : memref<128x128xf32, #tpu.memory_space<hbm>>)
      tpu.yield
    }) : () -> ()
    %add3A_99 = arith.constant 512 : i32
    %add3A_100 = arith.addi %mul3A_2, %add3A_99 : i32
    "tpu.region"() ({
      %run_scoped3A_101 = tpu.sem_alloc : memref<!tpu.dma_semaphore, #tpu.memory_space<semaphore_mem>>
      %dma_start3A_102 = arith.constant 0 : i32
      %dma_start3A_103 = tpu.memref_slice %arg5[%arg0, %add3A_100, %dma_start3A_102] : memref<2x10240x128xf32, #tpu.memory_space<hbm>> -> memref<1x128x128xf32, #tpu.memory_space<hbm>>
      %dma_start3A_104 = tpu.memref_squeeze %dma_start3A_103 : memref<1x128x128xf32, #tpu.memory_space<hbm>> -> memref<128x128xf32, #tpu.memory_space<hbm>>
      %dma_start3A_105 = arith.constant 0 : i32
      %dma_start3A_106 = tpu.memref_slice %arg12[%add3A_100, %dma_start3A_105] : memref<10240x128xf32, #tpu.memory_space<vmem_shared>> -> memref<128x128xf32, #tpu.memory_space<vmem_shared>>
      tpu.enqueue_dma source(%dma_start3A_106 : memref<128x128xf32, #tpu.memory_space<vmem_shared>>) target(%dma_start3A_104 : memref<128x128xf32, #tpu.memory_space<hbm>>) target_semaphore(%run_scoped3A_101 : memref<!tpu.dma_semaphore, #tpu.memory_space<semaphore_mem>>)
      %dma_wait3A = arith.constant 0 : i32
      %dma_wait3A_107 = tpu.memref_slice %arg5[%arg0, %add3A_100, %dma_wait3A] : memref<2x10240x128xf32, #tpu.memory_space<hbm>> -> memref<1x128x128xf32, #tpu.memory_space<hbm>>
      %dma_wait3A_108 = tpu.memref_squeeze %dma_wait3A_107 : memref<1x128x128xf32, #tpu.memory_space<hbm>> -> memref<128x128xf32, #tpu.memory_space<hbm>>
      %dma_wait3A_109 = arith.constant 0 : i32
      %dma_wait3A_110 = tpu.memref_slice %arg12[%add3A_100, %dma_wait3A_109] : memref<10240x128xf32, #tpu.memory_space<vmem_shared>> -> memref<128x128xf32, #tpu.memory_space<vmem_shared>>
      tpu.wait_dma2 semaphore(%run_scoped3A_101 : memref<!tpu.dma_semaphore, #tpu.memory_space<semaphore_mem>>) src(%dma_wait3A_110 : memref<128x128xf32, #tpu.memory_space<vmem_shared>>) dst(%dma_wait3A_108 : memref<128x128xf32, #tpu.memory_space<hbm>>)
      tpu.yield
    }) : () -> ()
    return
  }
}

module attributes {stable_mosaic.version = 14 : i64} {
  func.func @_tc1a_body(%arg0: i32, %arg1: memref<2048x128xf32, #tpu.memory_space<vmem>>, %arg2: memref<128x128xf32, #tpu.memory_space<vmem>>, %arg3: memref<2048x128xf32, #tpu.memory_space<vmem>>) attributes {dimension_semantics = [#tpu.dimension_semantics<arbitrary>], iteration_bounds = array<i64: 5>, scalar_prefetch = 0 : i64, scratch_operands = 0 : i64, tpu.core_type = #tpu.core_type<tc>, window_params = [{transform_indices = @transform_0, window_bounds = array<i64: 2048, 128>}, {pipeline_mode = #tpu.pipeline_mode<synchronous>, transform_indices = @transform_1, window_bounds = array<i64: 128, 128>}, {transform_indices = @transform_2, window_bounds = array<i64: 2048, 128>}]} {
    %get3A = arith.constant 0 : index
    %get3A_0 = arith.constant 0 : index
    %get3A_1 = vector.load %arg1[%get3A, %get3A_0] : memref<2048x128xf32, #tpu.memory_space<vmem>>, vector<2048x128xf32>
    %get3A_2 = arith.constant 0 : index
    %get3A_3 = arith.constant 0 : index
    %get3A_4 = vector.load %arg2[%get3A_2, %get3A_3] : memref<128x128xf32, #tpu.memory_space<vmem>>, vector<128x128xf32>
    %dot_general3A = arith.constant dense<0.000000e+00> : vector<2048x128xf32>
    %dot_general3A_5 = tpu.matmul %get3A_1, %get3A_4, %dot_general3A {dimension_numbers = #tpu.dot_dimension_numbers<[1], [0], [0], [1], [0, 0, 1, 1], [], []>, transpose_lhs_hint = false} : vector<2048x128xf32>, vector<128x128xf32>, vector<2048x128xf32> -> vector<2048x128xf32>
    %swap3A = arith.constant 0 : index
    %swap3A_6 = arith.constant 0 : index
    %swap3A_7 = vector.load %arg3[%swap3A, %swap3A_6] : memref<2048x128xf32, #tpu.memory_space<vmem>>, vector<2048x128xf32>
    tpu.vector_store %arg3[%swap3A, %swap3A_6], %dot_general3A_5 {strides = array<i32>} : memref<2048x128xf32, #tpu.memory_space<vmem>>, vector<2048x128xf32>,
    return
  }
  func.func @transform_0(%arg0: i32) -> (i32, i32) {
    %c0_i32 = arith.constant 0 : i32
    %c0_i32_0 = arith.constant 0 : i32
    return %arg0, %c0_i32 : i32, i32
  }
  func.func @transform_1(%arg0: i32) -> (i32, i32) {
    %c0_i32 = arith.constant 0 : i32
    %c0_i32_0 = arith.constant 0 : i32
    %c0_i32_1 = arith.constant 0 : i32
    return %c0_i32, %c0_i32_0 : i32, i32
  }
  func.func @transform_2(%arg0: i32) -> (i32, i32) {
    %c0_i32 = arith.constant 0 : i32
    %c0_i32_0 = arith.constant 0 : i32
    return %arg0, %c0_i32 : i32, i32
  }
}

module attributes {stable_mosaic.version = 14 : i64} {
  func.func @_tc1b_body(%arg0: i32, %arg1: memref<2048x128xf32, #tpu.memory_space<vmem>>, %arg2: memref<2x10240xf32, #tpu.memory_space<vmem>>, %arg3: memref<2048x1xf32, #tpu.memory_space<vmem>>, %arg4: memref<2048x128xf32, #tpu.memory_space<vmem>>) attributes {dimension_semantics = [#tpu.dimension_semantics<arbitrary>], iteration_bounds = array<i64: 5>, scalar_prefetch = 0 : i64, scratch_operands = 0 : i64, tpu.core_type = #tpu.core_type<tc>, window_params = [{transform_indices = @transform_0, window_bounds = array<i64: 2048, 128>}, {pipeline_mode = #tpu.pipeline_mode<synchronous>, transform_indices = @transform_1, window_bounds = array<i64: 2, 10240>}, {transform_indices = @transform_2, window_bounds = array<i64: 2048, 1>}, {transform_indices = @transform_3, window_bounds = array<i64: 2048, 128>}]} {
    %mul3A = arith.constant 2048 : i32
    %mul3A_0 = arith.muli %arg0, %mul3A : i32
    %get3A = arith.constant 0 : index
    %get3A_1 = arith.index_cast %mul3A_0 : i32 to index
    %get3A_2 = vector.load %arg2[%get3A, %get3A_1] : memref<2x10240xf32, #tpu.memory_space<vmem>>, vector<1x2048xf32>
    %get3A_3 = vector.shape_cast %get3A_2 : vector<1x2048xf32> to vector<2048xf32>
    %mul3A_4 = arith.constant 2048 : i32
    %mul3A_5 = arith.muli %arg0, %mul3A_4 : i32
    %get3A_6 = arith.constant 1 : index
    %get3A_7 = arith.index_cast %mul3A_5 : i32 to index
    %get3A_8 = vector.load %arg2[%get3A_6, %get3A_7] : memref<2x10240xf32, #tpu.memory_space<vmem>>, vector<1x2048xf32>
    %get3A_9 = vector.shape_cast %get3A_8 : vector<1x2048xf32> to vector<2048xf32>
    %add3A = arith.addf %get3A_3, %get3A_9 : vector<2048xf32>
    %add3A_10 = arith.constant 1.000000e+00 : f32
    %add3A_11 = vector.broadcast %add3A_10 : f32 to vector<2048xf32>
    %add3A_12 = arith.addf %add3A, %add3A_11 : vector<2048xf32>
    %rsqrt3A = math.rsqrt %add3A_12 : vector<2048xf32>
    %broadcast_in_dim3A = vector.shape_cast %rsqrt3A : vector<2048xf32> to vector<2048x1xf32>
    %swap3A = arith.constant 0 : index
    %swap3A_13 = arith.constant 0 : index
    %swap3A_14 = vector.load %arg3[%swap3A, %swap3A_13] : memref<2048x1xf32, #tpu.memory_space<vmem>>, vector<2048x1xf32>
    tpu.vector_store %arg3[%swap3A, %swap3A_13], %broadcast_in_dim3A {strides = array<i32>} : memref<2048x1xf32, #tpu.memory_space<vmem>>, vector<2048x1xf32>,
    %get3A_15 = arith.constant 0 : index
    %get3A_16 = arith.constant 0 : index
    %get3A_17 = vector.load %arg1[%get3A_15, %get3A_16] : memref<2048x128xf32, #tpu.memory_space<vmem>>, vector<2048x128xf32>
    %mul3A_18 = vector.broadcast %broadcast_in_dim3A : vector<2048x1xf32> to vector<2048x128xf32>
    %mul3A_19 = arith.mulf %get3A_17, %mul3A_18 : vector<2048x128xf32>
    %swap3A_20 = arith.constant 0 : index
    %swap3A_21 = arith.constant 0 : index
    %swap3A_22 = vector.load %arg4[%swap3A_20, %swap3A_21] : memref<2048x128xf32, #tpu.memory_space<vmem>>, vector<2048x128xf32>
    tpu.vector_store %arg4[%swap3A_20, %swap3A_21], %mul3A_19 {strides = array<i32>} : memref<2048x128xf32, #tpu.memory_space<vmem>>, vector<2048x128xf32>,
    return
  }
  func.func @transform_0(%arg0: i32) -> (i32, i32) {
    %c0_i32 = arith.constant 0 : i32
    %c0_i32_0 = arith.constant 0 : i32
    return %arg0, %c0_i32 : i32, i32
  }
  func.func @transform_1(%arg0: i32) -> (i32, i32) {
    %c0_i32 = arith.constant 0 : i32
    %c0_i32_0 = arith.constant 0 : i32
    %c0_i32_1 = arith.constant 0 : i32
    return %c0_i32, %c0_i32_0 : i32, i32
  }
  func.func @transform_2(%arg0: i32) -> (i32, i32) {
    %c0_i32 = arith.constant 0 : i32
    %c0_i32_0 = arith.constant 0 : i32
    return %arg0, %c0_i32 : i32, i32
  }
  func.func @transform_3(%arg0: i32) -> (i32, i32) {
    %c0_i32 = arith.constant 0 : i32
    %c0_i32_0 = arith.constant 0 : i32
    return %arg0, %c0_i32 : i32, i32
  }
}

module attributes {stable_mosaic.version = 14 : i64} {
  func.func @_tc2_body(%arg0: i32, %arg1: memref<2x2048x128xf32, #tpu.memory_space<vmem>>, %arg2: memref<2048x128xf32, #tpu.memory_space<vmem>>, %arg3: memref<2048x1xf32, #tpu.memory_space<vmem>>, %arg4: memref<1x128xf32, #tpu.memory_space<vmem>>, %arg5: memref<128x128xf32, #tpu.memory_space<vmem>>, %arg6: memref<2048x128xf32, #tpu.memory_space<vmem>>) attributes {dimension_semantics = [#tpu.dimension_semantics<arbitrary>], iteration_bounds = array<i64: 5>, scalar_prefetch = 0 : i64, scratch_operands = 0 : i64, tpu.core_type = #tpu.core_type<tc>, window_params = [{transform_indices = @transform_0, window_bounds = array<i64: 2, 2048, 128>}, {transform_indices = @transform_1, window_bounds = array<i64: 2048, 128>}, {transform_indices = @transform_2, window_bounds = array<i64: 2048, 1>}, {pipeline_mode = #tpu.pipeline_mode<synchronous>, transform_indices = @transform_3, window_bounds = array<i64: 1, 128>}, {pipeline_mode = #tpu.pipeline_mode<synchronous>, transform_indices = @transform_4, window_bounds = array<i64: 128, 128>}, {transform_indices = @transform_5, window_bounds = array<i64: 2048, 128>}]} {
    %get3A = arith.constant 0 : index
    %get3A_0 = arith.constant 0 : index
    %get3A_1 = arith.constant 0 : index
    %get3A_2 = vector.load %arg1[%get3A, %get3A_0, %get3A_1] : memref<2x2048x128xf32, #tpu.memory_space<vmem>>, vector<1x2048x128xf32>
    %get3A_3 = vector.shape_cast %get3A_2 : vector<1x2048x128xf32> to vector<2048x128xf32>
    %get3A_4 = arith.constant 1 : index
    %get3A_5 = arith.constant 0 : index
    %get3A_6 = arith.constant 0 : index
    %get3A_7 = vector.load %arg1[%get3A_4, %get3A_5, %get3A_6] : memref<2x2048x128xf32, #tpu.memory_space<vmem>>, vector<1x2048x128xf32>
    %get3A_8 = vector.shape_cast %get3A_7 : vector<1x2048x128xf32> to vector<2048x128xf32>
    %add3A = arith.addf %get3A_3, %get3A_8 : vector<2048x128xf32>
    %get3A_9 = arith.constant 0 : index
    %get3A_10 = arith.constant 0 : index
    %get3A_11 = vector.load %arg2[%get3A_9, %get3A_10] : memref<2048x128xf32, #tpu.memory_space<vmem>>, vector<2048x128xf32>
    %add3A_12 = arith.addf %add3A, %get3A_11 : vector<2048x128xf32>
    %get3A_13 = arith.constant 0 : index
    %get3A_14 = arith.constant 0 : index
    %get3A_15 = vector.load %arg3[%get3A_13, %get3A_14] : memref<2048x1xf32, #tpu.memory_space<vmem>>, vector<2048x1xf32>
    %mul3A = vector.broadcast %get3A_15 : vector<2048x1xf32> to vector<2048x128xf32>
    %mul3A_16 = arith.mulf %mul3A, %add3A_12 : vector<2048x128xf32>
    %get3A_17 = arith.constant 0 : index
    %get3A_18 = arith.constant 0 : index
    %get3A_19 = vector.load %arg4[%get3A_17, %get3A_18] : memref<1x128xf32, #tpu.memory_space<vmem>>, vector<1x128xf32>
    %add3A_20 = vector.broadcast %get3A_19 : vector<1x128xf32> to vector<2048x128xf32>
    %add3A_21 = arith.addf %mul3A_16, %add3A_20 : vector<2048x128xf32>
    %max3A = arith.constant 0.000000e+00 : f32
    %max3A_22 = vector.broadcast %max3A : f32 to vector<2048x128xf32>
    %max3A_23 = arith.maximumf %add3A_21, %max3A_22 : vector<2048x128xf32>
    %get3A_24 = arith.constant 0 : index
    %get3A_25 = arith.constant 0 : index
    %get3A_26 = vector.load %arg5[%get3A_24, %get3A_25] : memref<128x128xf32, #tpu.memory_space<vmem>>, vector<128x128xf32>
    %dot_general3A = arith.constant dense<0.000000e+00> : vector<2048x128xf32>
    %dot_general3A_27 = tpu.matmul %max3A_23, %get3A_26, %dot_general3A {dimension_numbers = #tpu.dot_dimension_numbers<[1], [0], [0], [1], [0, 0, 1, 1], [], []>, transpose_lhs_hint = false} : vector<2048x128xf32>, vector<128x128xf32>, vector<2048x128xf32> -> vector<2048x128xf32>
    %get3A_28 = arith.constant 0 : index
    %get3A_29 = arith.constant 0 : index
    %get3A_30 = vector.load %arg3[%get3A_28, %get3A_29] : memref<2048x1xf32, #tpu.memory_space<vmem>>, vector<2048x1xf32>
    %mul3A_31 = vector.broadcast %get3A_30 : vector<2048x1xf32> to vector<2048x128xf32>
    %mul3A_32 = arith.mulf %dot_general3A_27, %mul3A_31 : vector<2048x128xf32>
    %swap3A = arith.constant 0 : index
    %swap3A_33 = arith.constant 0 : index
    %swap3A_34 = vector.load %arg6[%swap3A, %swap3A_33] : memref<2048x128xf32, #tpu.memory_space<vmem>>, vector<2048x128xf32>
    tpu.vector_store %arg6[%swap3A, %swap3A_33], %mul3A_32 {strides = array<i32>} : memref<2048x128xf32, #tpu.memory_space<vmem>>, vector<2048x128xf32>,
    return
  }
  func.func @transform_0(%arg0: i32) -> (i32, i32, i32) {
    %c0_i32 = arith.constant 0 : i32
    %c0_i32_0 = arith.constant 0 : i32
    %c0_i32_1 = arith.constant 0 : i32
    return %c0_i32, %arg0, %c0_i32_0 : i32, i32, i32
  }
  func.func @transform_1(%arg0: i32) -> (i32, i32) {
    %c0_i32 = arith.constant 0 : i32
    %c0_i32_0 = arith.constant 0 : i32
    return %arg0, %c0_i32 : i32, i32
  }
  func.func @transform_2(%arg0: i32) -> (i32, i32) {
    %c0_i32 = arith.constant 0 : i32
    %c0_i32_0 = arith.constant 0 : i32
    return %arg0, %c0_i32 : i32, i32
  }
  func.func @transform_3(%arg0: i32) -> (i32, i32) {
    %c0_i32 = arith.constant 0 : i32
    %c0_i32_0 = arith.constant 0 : i32
    %c0_i32_1 = arith.constant 0 : i32
    return %c0_i32, %c0_i32_0 : i32, i32
  }
  func.func @transform_4(%arg0: i32) -> (i32, i32) {
    %c0_i32 = arith.constant 0 : i32
    %c0_i32_0 = arith.constant 0 : i32
    %c0_i32_1 = arith.constant 0 : i32
    return %c0_i32, %c0_i32_0 : i32, i32
  }
  func.func @transform_5(%arg0: i32) -> (i32, i32) {
    %c0_i32 = arith.constant 0 : i32
    %c0_i32_0 = arith.constant 0 : i32
    return %arg0, %c0_i32 : i32, i32
  }
}

module attributes {stable_mosaic.version = 14 : i64} {
  func.func @_tc3_body(%arg0: i32, %arg1: memref<2x2048x128xf32, #tpu.memory_space<vmem>>, %arg2: memref<2048x128xf32, #tpu.memory_space<vmem>>, %arg3: memref<2048x1xf32, #tpu.memory_space<vmem>>, %arg4: memref<1x64xf32, #tpu.memory_space<vmem>>, %arg5: memref<2048x64xf32, #tpu.memory_space<vmem>>) attributes {dimension_semantics = [#tpu.dimension_semantics<arbitrary>], iteration_bounds = array<i64: 5>, scalar_prefetch = 0 : i64, scratch_operands = 0 : i64, tpu.core_type = #tpu.core_type<tc>, window_params = [{transform_indices = @transform_0, window_bounds = array<i64: 2, 2048, 128>}, {transform_indices = @transform_1, window_bounds = array<i64: 2048, 128>}, {transform_indices = @transform_2, window_bounds = array<i64: 2048, 1>}, {pipeline_mode = #tpu.pipeline_mode<synchronous>, transform_indices = @transform_3, window_bounds = array<i64: 1, 64>}, {transform_indices = @transform_4, window_bounds = array<i64: 2048, 64>}]} {
    %get3A = arith.constant 0 : index
    %get3A_0 = arith.constant 0 : index
    %get3A_1 = vector.load %arg3[%get3A, %get3A_0] : memref<2048x1xf32, #tpu.memory_space<vmem>>, vector<2048x1xf32>
    %get3A_2 = arith.constant 0 : index
    %get3A_3 = arith.constant 0 : index
    %get3A_4 = arith.constant 0 : index
    %get3A_5 = vector.load %arg1[%get3A_2, %get3A_3, %get3A_4] : memref<2x2048x128xf32, #tpu.memory_space<vmem>>, vector<1x2048x64xf32>
    %get3A_6 = vector.shape_cast %get3A_5 : vector<1x2048x64xf32> to vector<2048x64xf32>
    %get3A_7 = arith.constant 1 : index
    %get3A_8 = arith.constant 0 : index
    %get3A_9 = arith.constant 0 : index
    %get3A_10 = vector.load %arg1[%get3A_7, %get3A_8, %get3A_9] : memref<2x2048x128xf32, #tpu.memory_space<vmem>>, vector<1x2048x64xf32>
    %get3A_11 = vector.shape_cast %get3A_10 : vector<1x2048x64xf32> to vector<2048x64xf32>
    %add3A = arith.addf %get3A_6, %get3A_11 : vector<2048x64xf32>
    %get3A_12 = arith.constant 0 : index
    %get3A_13 = arith.constant 0 : index
    %get3A_14 = vector.load %arg2[%get3A_12, %get3A_13] : memref<2048x128xf32, #tpu.memory_space<vmem>>, vector<2048x64xf32>
    %add3A_15 = arith.addf %add3A, %get3A_14 : vector<2048x64xf32>
    %mul3A = vector.broadcast %get3A_1 : vector<2048x1xf32> to vector<2048x64xf32>
    %mul3A_16 = arith.mulf %mul3A, %add3A_15 : vector<2048x64xf32>
    %get3A_17 = arith.constant 0 : index
    %get3A_18 = arith.constant 0 : index
    %get3A_19 = vector.load %arg4[%get3A_17, %get3A_18] : memref<1x64xf32, #tpu.memory_space<vmem>>, vector<1x64xf32>
    %add3A_20 = vector.broadcast %get3A_19 : vector<1x64xf32> to vector<2048x64xf32>
    %add3A_21 = arith.addf %mul3A_16, %add3A_20 : vector<2048x64xf32>
    %swap3A = arith.constant 0 : index
    %swap3A_22 = arith.constant 0 : index
    %swap3A_23 = vector.load %arg5[%swap3A, %swap3A_22] : memref<2048x64xf32, #tpu.memory_space<vmem>>, vector<2048x64xf32>
    tpu.vector_store %arg5[%swap3A, %swap3A_22], %add3A_21 {strides = array<i32>} : memref<2048x64xf32, #tpu.memory_space<vmem>>, vector<2048x64xf32>,
    return
  }
  func.func @transform_0(%arg0: i32) -> (i32, i32, i32) {
    %c0_i32 = arith.constant 0 : i32
    %c0_i32_0 = arith.constant 0 : i32
    %c0_i32_1 = arith.constant 0 : i32
    return %c0_i32, %arg0, %c0_i32_0 : i32, i32, i32
  }
  func.func @transform_1(%arg0: i32) -> (i32, i32) {
    %c0_i32 = arith.constant 0 : i32
    %c0_i32_0 = arith.constant 0 : i32
    return %arg0, %c0_i32 : i32, i32
  }
  func.func @transform_2(%arg0: i32) -> (i32, i32) {
    %c0_i32 = arith.constant 0 : i32
    %c0_i32_0 = arith.constant 0 : i32
    return %arg0, %c0_i32 : i32, i32
  }
  func.func @transform_3(%arg0: i32) -> (i32, i32) {
    %c0_i32 = arith.constant 0 : i32
    %c0_i32_0 = arith.constant 0 : i32
    %c0_i32_1 = arith.constant 0 : i32
    return %c0_i32, %c0_i32_0 : i32, i32
  }
  func.func @transform_4(%arg0: i32) -> (i32, i32) {
    %c0_i32 = arith.constant 0 : i32
    %c0_i32_0 = arith.constant 0 : i32
    return %arg0, %c0_i32 : i32, i32
  }
}

</mosaic_0001>

<sc_bundles>
// kernel: kernel.12.cloned.1.call-start
scs
__scs_entry_jumppad:
0x0: {  	(pc) =	sbr.rel $0x88, $3  }
0x1: {  	(tag) =	ssettag $0x0;
	lr =	simm.s32 $0x1  }
0x2: {  	[smem:$0x3F9B] =	sst lr;
	_ =	strace $0xD0000000  }
0x3: {  	_ = 	snop  }
0x4: {  	_ = 	snop  }
0x5: {  	_ = 	snop  }
0x6: {  	_ = 	snop  }
0x7: {  	_ = 	snop  }
__scs_overlays_trampoline_lowered:
0x8: {  	[smem:$0x3FAA] =	sst s0  }
0x9: {  	[smem:$0x3FAB] =	sst s1  }
0xa: {  	[smem:$0x3FAC] =	sst s2  }
0xb: {  	[smem:$0x3FAD] =	sst s3  }
0xc: {  	[smem:$0x3FAE] =	sst s4  }
0xd: {  	[smem:$0x3FAF] =	sst s5  }
0xe: {  	[smem:$0x3FB0] =	sst s6  }
0xf: {  	[smem:$0x3FB1] =	sst s7  }
0x10: {  	[smem:$0x3FB2] =	sst s8  }
0x11: {  	[smem:$0x3FB3] =	sst s9;
	s0 =	simm.s32 @!p0 $0x0  }
0x12: {  	s1 =	sld [smem:$0x3F99];
	s0 =	simm.s32 @p0 $0x1  }
0x13: {  	[smem:$0x3FB4] =	sst s0;
	s0 =	simm.s32 @!p1 $0x0  }
0x14: {  	s2 =	sld [smem:$0x3F98];
	s0 =	simm.s32 @p1 $0x1  }
0x15: {  	[smem:$0x3FB5] =	sst s0;
	s0 =	simm.s32 @!p2 $0x0  }
0x16: {  	s3 =	sld [smem:$0x3FDB];
	s0 =	simm.s32 @p2 $0x1  }
0x17: {  	s4 =	simm.s32 $0x1BF5;
	[smem:$0x3FB7] =	sst s0  }
0x18: {  	s0 =	sld [smem:$0x3F9A];
	_ =	swait.ge [sflag:s4], $0x0  }
0x19: {  	s7 =	sld [smem:$0x3F9B]  }
0x1a: {  	s8 =	sadd.s32 $0xFFFFE003, lr  }
0x1b: {  	s9 =	sadd.s32 $0xFFFFFEF7, lr;
	s5 =	simm.s32 $0xFFFFFFFF;
	p2 =	slt.u32 s8, $0xFFFFF086  }
0x1c: {  	p1 =	slt.u32 s9, $0xF7A;
	s5 =	simm.s32 @!p2 $0x0  }
0x1d: {  	s5 =	simm.s32 @p1 $0x1;
	p0 =	seq.s32 s7, s2  }
0x1e: {  	s7 =	smul.u32 @!p0 $0xF7A, s2;
	p2 =	seq.s32 @!p0 s5, $0x0  }
0x1f: {  	s9 =	smul.u32 $0xF7A, s1;
	s8 =	simm.s32 @!p0 $0x1BF5;
	p2 =	por !p2, p0  }
0x20: {  	[sflag:s8] =	ssyncset.s32 @!p0 $0xFFFFF086;
	s6 =	sadd.s32 @!p0 s3, s7;
	s7 =	simm.s32 @!p0 $0x108  }
0x21: {  	s3 =	sadd.s32 s3, s9;
	s6 =	sadd.s32 @!p0 $0x88, s6;
	s7 =	simm.s32 @p2 $0x1082  }
0x22: {  	[simem:s7], [sflag:s8] =	dma.local @!p0 [hbm:s6], $0xF7A  }
0x23: {  	s9 =	sor.u32 $0xD0000000, s2;
	s6 =	simm.s32 $0x108;
	_ =	swait.ge @!p0 [sflag:s8], $0x0  }
0x24: {  	s3 =	sadd.s32 $0x88, s3;
	s6 =	simm.s32 @!p1 $0x1082;
	[sflag:s4] =	ssyncset.s32 $0xFFFFF086  }
0x25: {  	[simem:s6], [sflag:s4] =	dma.local [hbm:s3], $0xF7A  }
0x26: {  	[smem:$0x3F9B] =	sst s1;
	(tag) =	ssettag s2;
	_ =	strace s9  }
0x27: {  	s1 =	sld [smem:$0x3FAB]  }
0x28: {  	s2 =	sld [smem:$0x3FAC]  }
0x29: {  	s4 =	sld [smem:$0x3FAE]  }
0x2a: {  	p0 =	seq.s32 s5, $0x0;
	s5 =	sld [smem:$0x3FAF]  }
0x2b: {  	s6 =	sld [smem:$0x3FB0]  }
0x2c: {  	s7 =	sld [smem:$0x3FB1]  }
0x2d: {  	s3 =	simm.s32 $0x108;
	s8 =	sld [smem:$0x3FB2]  }
0x2e: {  	s3 =	simm.s32 @!p0 $0x1082;
	s9 =	sld [smem:$0x3FB3]  }
0x2f: {  	lr =	sadd.s32 s0, s3;
	s0 =	sld [smem:$0x3FAA]  }
0x30: {  	s3 =	sld [smem:$0x3FAD]  }
0x31: {  	[smem:$0x3FB6] =	sst s10  }
0x32: {  	s10 =	sld [smem:$0x3FB4];
	_ =	sdelay $0x3  }
0x33: {  	p0 =	seq.s32 s10, $0x1;
	s10 =	sld [smem:$0x3FB6];
	_ =	sdelay $0x3  }
0x34: {  	[smem:$0x3FB6] =	sst s10  }
0x35: {  	s10 =	sld [smem:$0x3FB5];
	_ =	sdelay $0x3  }
0x36: {  	p1 =	seq.s32 s10, $0x1;
	s10 =	sld [smem:$0x3FB6];
	_ =	sdelay $0x3  }
0x37: {  	[smem:$0x3FB6] =	sst s10  }
0x38: {  	s10 =	sld [smem:$0x3FB7]  }
0x39: {  	_ = 	snop;
	(pc) =	sbr.ind lr, $3  }
0x3a: {  	_ = 	snop  }
0x3b: {  	_ = 	snop  }
0x3c: {  	p2 =	seq.s32 s10, $0x1;
	s10 =	sld [smem:$0x3FB6]  }
0x3d: {  	_ =	shalt  }
0x3e: {  	_ =	shalt  }
0x3f: {  	_ =	shalt  }
0x40: {  	_ =	shalt  }
0x41: {  	_ =	shalt  }
0x42: {  	_ =	shalt  }
0x43: {  	_ =	shalt  }
0x44: {  	_ =	shalt  }
0x45: {  	_ =	shalt  }
0x46: {  	_ =	shalt  }
0x47: {  	_ =	shalt  }
0x48: {  	_ =	shalt  }
0x49: {  	_ =	shalt  }
0x4a: {  	_ =	shalt  }
0x4b: {  	_ =	shalt  }
0x4c: {  	_ =	shalt  }
0x4d: {  	_ =	shalt  }
0x4e: {  	_ =	shalt  }
0x4f: {  	_ =	shalt  }
0x50: {  	_ =	shalt  }
0x51: {  	_ =	shalt  }
0x52: {  	_ =	shalt  }
0x53: {  	_ =	shalt  }
0x54: {  	_ =	shalt  }
0x55: {  	_ =	shalt  }
0x56: {  	_ =	shalt  }
0x57: {  	_ =	shalt  }
0x58: {  	_ =	shalt  }
0x59: {  	_ =	shalt  }
0x5a: {  	_ =	shalt  }
0x5b: {  	_ =	shalt  }
0x5c: {  	_ =	shalt  }
0x5d: {  	_ =	shalt  }
0x5e: {  	_ =	shalt  }
0x5f: {  	_ =	shalt  }
0x60: {  	_ =	shalt  }
0x61: {  	_ =	shalt  }
0x62: {  	_ =	shalt  }
0x63: {  	_ =	shalt  }
0x64: {  	_ =	shalt  }
0x65: {  	_ =	shalt  }
0x66: {  	_ =	shalt  }
0x67: {  	_ =	shalt  }
0x68: {  	_ =	shalt  }
0x69: {  	_ =	shalt  }
0x6a: {  	_ =	shalt  }
0x6b: {  	_ =	shalt  }
0x6c: {  	_ =	shalt  }
0x6d: {  	_ =	shalt  }
0x6e: {  	_ =	shalt  }
0x6f: {  	_ =	shalt  }
0x70: {  	_ =	shalt  }
0x71: {  	_ =	shalt  }
0x72: {  	_ =	shalt  }
0x73: {  	_ =	shalt  }
0x74: {  	_ =	shalt  }
0x75: {  	_ =	shalt  }
0x76: {  	_ =	shalt  }
0x77: {  	_ =	shalt  }
0x78: {  	_ =	shalt  }
0x79: {  	_ =	shalt  }
0x7a: {  	_ =	shalt  }
0x7b: {  	_ =	shalt  }
0x7c: {  	_ =	shalt  }
0x7d: {  	_ =	shalt  }
0x7e: {  	_ =	shalt  }
0x7f: {  	_ =	shalt  }
0x80: {  	_ =	shalt  }
0x81: {  	_ =	shalt  }
0x82: {  	_ =	shalt  }
0x83: {  	_ =	shalt  }
0x84: {  	_ =	shalt  }
0x85: {  	_ =	shalt  }
0x86: {  	_ =	shalt  }
0x87: {  	_ =	shalt  }
.Lfunc_end0:
.L_simem_size_0:
called_computation.1_lowered:
.L_overlay_start_0:
0x88: {  	s2 =	sld [smem:$0x3FD9]  }
0x89: {  	s3 =	sld [smem:$0x3FFE];
	_ =	sdelay $0x1  }
0x8a: {  	s1 =	srdreg.scid  }
0x8b: {  	s0 =	sand.u32 $0x1, s1  }
0x8c: {  	s17 =	sshll.u32 s0, $0xA;
	s2 =	sadd.s32 s3, s2  }
0x8d: {  	s2 =	sadd.s32 s2, s17  }
0x8e: {  	[smem:$0x3FC2] =	sst s2  }
0x8f: {  	_ = 	snop  }
0x90: {  	s2 =	sld [smem:$0x3FD0];
	(tm) =	ssettm $0x1  }
0x91: {  	s18 =	sld [smem:$0x3FFB];
	_ =	sdelay $0x3  }
0x92: {  	_ =	strace s18  }
0x93: {  	s3 =	sld [smem:$0x3FFC];
	_ =	sdelay $0x3  }
0x94: {  	_ =	strace s3  }
0x95: {  	s3 =	sld [smem:$0x3FFD];
	_ =	sdelay $0x3  }
0x96: {  	_ =	strace s3  }
0x97: {  	_ =	strace $0x8FFFFFFF  }
0x98: {  	s19 =	sld [smem:$0x3FDB];
	_ =	sdelay $0x1  }
0x99: {  	s4 =	simm.s32 $_scs_section_size  }
0x9a: {  	s5 =	simm.s32 $_size__tile_overlayer_lowered;
	s6 =	simm.s32 $_tile_overlayer_lowered  }
0x9b: {  	s22 =	simm.s32 $0x1BFF;
	s21 =	sshll.u32 s6, $0x1;
	s3 =	sadd.s32 s4, s19  }
0x9c: {  	s7 =	simm.s32 $0x0;
	s20 =	sshll.u32 s5, $0x1;
	s5 =	sadd.s32 s21, s3  }
0x9d: {  	[timem:s7], [sflag:s22] =	dma.local [hbm:s5], s20  }
0x9e: {  	_ =	swait.ge [sflag:s22], s20  }
0x9f: {  	s4 =	ssub.s32 $0x0, s20;
	[sflag:s22] =	ssyncset.done $0x0  }
0xa0: {  	[sflag:s22] =	ssyncadd.s32 s4;
	_ =	sdelay $0x1  }
0xa1: {  	s23 =	simm.s32 $0x1B8B  }
0xa2: {  	_ =	swait.ge [sflag:s23], $0x1  }
0xa3: {  	[sflag:s23] =	ssyncset.done $0x0  }
0xa4: {  	s25 =	simm.s32 $0x1B8E;
	s24 =	sld [smem:$0x3FFE];
	[sflag:s23] =	ssyncadd.s32 $0xFFFFFFFF  }
0xa5: {  	s26 =	simm.s32 $execute0_lowered;
	[smem:$0x3FD2] =	sst s25  }
0xa6: {  	s5 =	sshll.u32 s26, $0x1;
	_ =	strace $0x80000049;
	[dreg:$0x1] =	wrdreg $0xFFFFFFFF  }
0xa7: {  	s28 =	simm.s32 $_size_execute0_lowered;
	s3 =	sadd.s32 s3, s5;
	[dreg:$0x0] =	wrdreg $0x0  }
0xa8: {  	s5 =	sshll.u32 s28, $0x1;
	[dreg:$0x2] =	wrdreg s3  }
0xa9: {  	[dreg:$0x3] =	wrdreg s5  }
0xaa: {  	[dreg:$0x4] =	wrdreg $0xC0  }
0xab: {  	_ =	task [dreg:s7], $0x5FFFF  }
0xac: {  	[dreg:$0x1] =	wrdreg $0xFFFFFFFF  }
0xad: {  	[dreg:$0x0] =	wrdreg $0x60  }
0xae: {  	[dreg:$0x2] =	wrdreg s24  }
0xaf: {  	[dreg:$0x3] =	wrdreg s2  }
0xb0: {  	[dreg:$0x4] =	wrdreg $0xA8000  }
0xb1: {  	[dreg:$0x5] =	wrdreg $0x9  }
0xb2: {  	_ =	task.clear_ibuf [dreg:s7], $0x6FFFF;
	_ =	strace $0x90000049  }
0xb3: {  	s29 =	simm.s32 $0x9;
	_ =	strace $0x8000004B  }
0xb4: {  	_ =	swait.ge [sflag:s29], $0x1  }
0xb5: {  	[sflag:s29] =	ssyncadd.s32 $0xFFFFFFFF  }
0xb6: {  	_ =	strace $0x9000004B  }
0xb7: {  	_ =	sfence  }
0xb8: {  	s30 =	sld [smem:$0x0];
	_ =	sdelay $0x2  }
0xb9: {  	s31 =	sshll.u32 s1, $0xD;
	s1 =	sshrl.u32 s1, $0x2  }
0xba: {  	s3 =	sand.u32 $0x4000, s31;
	s1 =	sadd.s32 s1, s30  }
0xbb: {  	s0 =	sor.u32 s3, s0;
	s1 =	sshll.u32 s1, $0x11  }
0xbc: {  	s0 =	sor.u32 s1, s0  }
0xbd: {  	s0 =	sadd.s32 $0x8F2B, s0  }
0xbe: {  	[sflag:s0] =	ssyncadd.remote.s32 $0x1  }
0xbf: {  	_ =	sfence.sel $0xFFFF  }
0xc0: {  	[dreg:$0x0] =	wrdreg $0xFFFFFFFF;
	(pc) =	sbr.abs _section_cstart, $3  }
0xc1: {  	[dreg:$0x1] =	wrdreg $0xFFFFFFFF  }
0xc2: {  	_ =	task.clear_ibuf [dreg:s7], $0x2FFFF;
	_ =	strace $0x9FFFFFFF  }
0xc3: {  	(tm) =	ssettm $0x7FFFFFFF  }
tec
execute0_lowered:
.L_overlay_start_1:
0x0: {  	(tag) =	ssettag $0x1  }
0x1: {  	s0 =	rddreg [dreg:$0x0]  }
0x2: {  	s2 =	rddreg [dreg:$0x1]  }
0x3: {  	s1 =	srdreg.scid;
	s11 =	stileid.u32  }
0x4: {  	s3 =	rddreg [dreg:$0x2];
	s4 =	simm.s32 $0x0;
	s28 =	simm.s32 $0x80  }
0x5: {  	s29 =	simm.s32 $0x6800;
	s30 =	simm.s32 $0xC0;
	s31 =	simm.s32 $0x8800  }
0x6: {  	s1 =	sand.u32 $0x1, s1;
	s5 =	sshll.u32 s11, $0x1;
	s7 =	smul.u32 $0x50000, s11  }
0x7: {  	[smem:$0x7FF] =	sst s4;
	s10 =	smul.u32 $0x14000, s11;
	s5 =	sor.u32 s1, s5  }
0x8: {  	_ =	strace $0x8000004A;
	s8 =	ssub.s32 $0x2, s1;
	s1 =	smul.u32 $0x140000, s1  }
0x9: {  	s6 =	smul.u32 $0x2800, s5;
	s5 =	sadd.s32 $0x17000, s0;
	s9 =	sshrl.u32 s8, $0x1  }
0xa: {  	s7 =	sshrl.u32 s7, $0x2;
	s15 =	sadd.s32 $0x8000, s10;
	s17 =	sadd.s32 $0xC000, s10  }
0xb: {  	s18 =	sadd.s32 $0x10000, s10;
	s8 =	ssub.s32 s8, s9;
	s7 =	sadd.s32 s7, s3  }
0xc: {  	s9 =	sshll.u32 s11, $0x6;
	s11 =	sadd.s32 $0x4000, s10;
	s16 =	sadd.s32 s15, s3  }
0xd: {  	s13 =	sadd.s32 s17, s3;
	s14 =	sadd.s32 s18, s3;
	[dreg:$0x4] =	wrdreg s7  }
0xe: {  	s10 =	sadd.s32 s10, s1;
	s24 =	sadd.s32 s1, s15;
	[dreg:$0x6] =	wrdreg s16  }
0xf: {  	s25 =	sadd.s32 s1, s17;
	s6 =	sshrl.u32 s6, $0x3;
	[dreg:$0x7] =	wrdreg s13  }
0x10: {  	s7 =	sor.u32 $0x1C05, s9;
	s12 =	sadd.s32 s11, s3;
	[dreg:$0x8] =	wrdreg s14  }
0x11: {  	s9 =	sadd.s32 s1, s11;
	s22 =	sshrl.u32 s10, $0x3;
	s1 =	sadd.s32 s1, s18  }
0x12: {  	s26 =	sshrl.u32 s25, $0x3;
	s25 =	simm.s32 $0x2800;
	s10 =	simm.s32 $0x2740  }
0x13: {  	s11 =	simm.s32 $0x2780;
	s13 =	simm.s32 $0x0;
	s6 =	sadd.s32 s6, s0  }
0x14: {  	s0 =	sadd.s32 $0x3E200, s0;
	[dreg:$0x5] =	wrdreg s12;
	s19 =	sadd.s32 $0x3000, s6  }
0x15: {  	s9 =	sshrl.u32 s9, $0x3;
	s20 =	sadd.s32 $0xD000, s6;
	[dreg:$0x9] =	wrdreg s19  }
0x16: {  	s1 =	sshrl.u32 s1, $0x3;
	s21 =	sadd.s32 $0x3280, s6;
	[dreg:$0xa] =	wrdreg s20  }
0x17: {  	s12 =	simm.s32 $0x27C0;
	s6 =	sadd.s32 $0xD280, s6;
	[dreg:$0xb] =	wrdreg s21  }
0x18: {  	s23 =	sadd.s32 s0, s9;
	s9 =	simm.s32 $0x2700;
	[dreg:$0xc] =	wrdreg s6  }
0x19: {  	s6 =	sadd.s32 s0, s22;
	[dreg:$0xe] =	wrdreg s23;
	s21 =	smax.u32 s8, $0x1  }
0x1a: {  	s22 =	simm.s32 $0x5;
	[dreg:$0xd] =	wrdreg s6;
	s6 =	sshrl.u32 s24, $0x3  }
0x1b: {  	s8 =	simm.s32 $0x4;
	s24 =	simm.s32 $0x40;
	s6 =	sadd.s32 s0, s6  }
0x1c: {  	[dreg:$0xf] =	wrdreg s6;
	s6 =	sadd.s32 s0, s26;
	s0 =	sadd.s32 s0, s1  }
0x1d: {  	s26 =	simm.s32 $0x4800;
	s1 =	simm.s32 $0x1;
	[dreg:$0x10] =	wrdreg s6  }
0x1e: {  	[dreg:$0x11] =	wrdreg s0;
	s0 =	simm.s32 $0x2;
	s6 =	simm.s32 $0x3  }
.LBB2_1:
0x1f: {  	s14 =	rddreg [dreg:$0x4]  }
0x20: {  	s14 =	sshrl.u32 s14, $0x3  }
0x21: {  	[spmem:s14], [sflag:s7] =	dma.local [hbm:s2], $0x800  }
0x22: {  	_ =	swait.ge [sflag:s22], $0x800  }
0x23: {  	[sflag:s22] =	ssyncset.done $0x0;
	s15 =	rddreg [dreg:$0x5]  }
0x24: {  	[sflag:s22] =	ssyncadd.s32 $0xFFFFF800;
	s15 =	sshrl.u32 s15, $0x3  }
0x25: {  	[spmem:s15], [sflag:s7] =	dma.local [hbm:s2], $0x800  }
0x26: {  	_ =	swait.ge [sflag:s22], $0x800  }
0x27: {  	[sflag:s22] =	ssyncset.done $0x0;
	s16 =	rddreg [dreg:$0x6]  }
0x28: {  	[sflag:s22] =	ssyncadd.s32 $0xFFFFF800;
	s16 =	sshrl.u32 s16, $0x3  }
0x29: {  	[spmem:s16], [sflag:s7] =	dma.local [hbm:s2], $0x800  }
0x2a: {  	_ =	swait.ge [sflag:s22], $0x800  }
0x2b: {  	[sflag:s22] =	ssyncset.done $0x0;
	s17 =	rddreg [dreg:$0x7]  }
0x2c: {  	[sflag:s22] =	ssyncadd.s32 $0xFFFFF800;
	s17 =	sshrl.u32 s17, $0x3  }
0x2d: {  	[spmem:s17], [sflag:s7] =	dma.local [hbm:s2], $0x800  }
0x2e: {  	_ =	swait.ge [sflag:s22], $0x800  }
0x2f: {  	[sflag:s22] =	ssyncset.done $0x0;
	s18 =	rddreg [dreg:$0x8]  }
0x30: {  	[sflag:s22] =	ssyncadd.s32 $0xFFFFF800;
	s18 =	sshrl.u32 s18, $0x3  }
0x31: {  	[spmem:s18], [sflag:s7] =	dma.local [hbm:s2], $0x800  }
0x32: {  	_ =	swait.ge [sflag:s22], $0x800  }
0x33: {  	[sflag:s22] =	ssyncset.done $0x0  }
0x34: {  	s19 =	rddreg [dreg:$0x9];
	[sflag:s22] =	ssyncadd.s32 $0xFFFFF800  }
0x35: {  	[tilespmem:s4], [sflag:$0x5] =	stream.linear.gather [hbm4b:s19+s4], $0x1400, $0x38;
	[tilespmem:$0x1E800] =	vst v63  }
0x36: {  	_ =	swait.ge [sflag:s22], $0x1400  }
0x37: {  	[sflag:s22] =	ssyncset.done $0x0  }
0x38: {  	s20 =	simm.s32 $0x1400;
	s23 =	rddreg [dreg:$0xa];
	[sflag:s22] =	ssyncadd.s32 $0xFFFFEC00  }
0x39: {  	[tilespmem:s20], [sflag:$0x5] =	stream.linear.gather [hbm4b:s23+s4], $0x1400, $0x38;
	[tilespmem:$0x1E800] =	vst v63  }
0x3a: {  	_ =	swait.ge [sflag:s22], $0x1400  }
0x3b: {  	[sflag:s22] =	ssyncset.done $0x0  }
0x3c: {  	[sflag:s22] =	ssyncadd.s32 $0xFFFFEC00  }
0x3d: {  	[tilespmem:s25], [sflag:$0x1] =	stream.indirect.gather [hbm4b:s5+s24], $0x80, s4, s24, $0xb8;
	[tilespmem:$0x1E800] =	vst v63  }
0x3e: {  	_ = 	snop  }
0x3f: {  	[tilespmem:s26], [sflag:$0x2] =	stream.indirect.gather [hbm4b:s5+s24], $0x80, s24, s24, $0xb8;
	[tilespmem:$0x1E800] =	vst v63  }
0x40: {  	_ = 	snop  }
0x41: {  	[tilespmem:s29], [sflag:$0x3] =	stream.indirect.gather [hbm4b:s5+s24], $0x80, s28, s24, $0xb8;
	[tilespmem:$0x1E800] =	vst v63  }
0x42: {  	_ = 	snop  }
0x43: {  	[tilespmem:s31], [sflag:$0x4] =	stream.indirect.gather [hbm4b:s5+s24], $0x80, s30, s24, $0xb8;
	[tilespmem:$0x1E800] =	vst v63  }
0x44: {  	[bflag:$0x0] =	sbarrier.arrive $0xFFFF  }
0x45: {  	_ =	swait.ge [sflag:s1], $0x2000  }
0x46: {  	[sflag:s1] =	ssyncset.done $0x0  }
0x47: {  	s23 =	simm.s32 $0x1400;
	[sflag:s1] =	ssyncadd.s32 $0xFFFFE000  }
0x48: {  	[spmem:s3] =	stream.indirect.scatter.add.f32 [tilespmem:s25], [sflag:$0x5], $0x80, s23, s24, $0xb8;
	[tilespmem:$0x1E800] =	vst v63  }
0x49: {  	_ =	swait.ge [sflag:s22], $0x2000  }
0x4a: {  	[sflag:s22] =	ssyncset.done $0x0  }
0x4b: {  	s20 =	simm.s32 $0x100;
	[sflag:s22] =	ssyncadd.s32 $0xFFFFE000  }
0x4c: {  	[tilespmem:s25], [sflag:$0x1] =	stream.indirect.gather [hbm4b:s5+s24], $0x80, s20, s24, $0xb8;
	[tilespmem:$0x1E800] =	vst v63  }
0x4d: {  	_ =	swait.ge [sflag:s0], $0x2000  }
0x4e: {  	[sflag:s0] =	ssyncset.done $0x0  }
0x4f: {  	s23 =	simm.s32 $0x1440;
	[sflag:s0] =	ssyncadd.s32 $0xFFFFE000  }
0x50: {  	[spmem:s3] =	stream.indirect.scatter.add.f32 [tilespmem:s26], [sflag:$0x5], $0x80, s23, s24, $0xb8;
	[tilespmem:$0x1E800] =	vst v63  }
0x51: {  	_ =	swait.ge [sflag:s22], $0x2000  }
0x52: {  	[sflag:s22] =	ssyncset.done $0x0  }
0x53: {  	s20 =	simm.s32 $0x140;
	[sflag:s22] =	ssyncadd.s32 $0xFFFFE000  }
0x54: {  	[tilespmem:s26], [sflag:$0x2] =	stream.indirect.gather [hbm4b:s5+s24], $0x80, s20, s24, $0xb8;
	[tilespmem:$0x1E800] =	vst v63  }
0x55: {  	_ =	swait.ge [sflag:s6], $0x2000  }
0x56: {  	[sflag:s6] =	ssyncset.done $0x0  }
0x57: {  	s23 =	simm.s32 $0x1480;
	[sflag:s6] =	ssyncadd.s32 $0xFFFFE000  }
0x58: {  	[spmem:s3] =	stream.indirect.scatter.add.f32 [tilespmem:s29], [sflag:$0x5], $0x80, s23, s24, $0xb8;
	[tilespmem:$0x1E800] =	vst v63  }
0x59: {  	_ =	swait.ge [sflag:s22], $0x2000  }
0x5a: {  	[sflag:s22] =	ssyncset.done $0x0  }
0x5b: {  	s20 =	simm.s32 $0x180;
	[sflag:s22] =	ssyncadd.s32 $0xFFFFE000  }
0x5c: {  	[tilespmem:s29], [sflag:$0x3] =	stream.indirect.gather [hbm4b:s5+s24], $0x80, s20, s24, $0xb8;
	[tilespmem:$0x1E800] =	vst v63  }
0x5d: {  	_ =	swait.ge [sflag:s8], $0x2000  }
0x5e: {  	[sflag:s8] =	ssyncset.done $0x0  }
0x5f: {  	s23 =	simm.s32 $0x14C0;
	[sflag:s8] =	ssyncadd.s32 $0xFFFFE000  }
0x60: {  	[spmem:s3] =	stream.indirect.scatter.add.f32 [tilespmem:s31], [sflag:$0x5], $0x80, s23, s24, $0xb8;
	[tilespmem:$0x1E800] =	vst v63  }
0x61: {  	_ =	swait.ge [sflag:s22], $0x2000  }
0x62: {  	[sflag:s22] =	ssyncset.done $0x0  }
0x63: {  	s19 =	simm.s32 $0x1C0;
	s23 =	simm.s32 $0x400;
	[sflag:s22] =	ssyncadd.s32 $0xFFFFE000  }
.LBB2_2:
0x64: {  	[tilespmem:s31], [sflag:$0x4] =	stream.indirect.gather [hbm4b:s5+s24], $0x80, s19, s24, $0xb8;
	[tilespmem:$0x1E800] =	vst v63  }
0x65: {  	s19 =	smov.u32 s23  }
0x66: {  	p0 =	sne.s32 s23, $0x4800;
	s23 =	sadd.s32 $0x400, s23;
	_ =	swait.ge [sflag:s1], $0x2000  }
0x67: {  	s19 =	sshra.s32 s19, $0x2;
	[sflag:s1] =	ssyncset.done $0x0  }
0x68: {  	s20 =	sadd.s32 $0x1400, s19;
	[sflag:s1] =	ssyncadd.s32 $0xFFFFE000  }
0x69: {  	[spmem:s3] =	stream.indirect.scatter.add.f32 [tilespmem:s25], [sflag:$0x5], $0x80, s20, s24, $0xb8;
	[tilespmem:$0x1E800] =	vst v63  }
0x6a: {  	_ =	swait.ge [sflag:s22], $0x2000  }
0x6b: {  	[sflag:s22] =	ssyncset.done $0x0  }
0x6c: {  	s20 =	sadd.s32 $0x100, s19;
	[sflag:s22] =	ssyncadd.s32 $0xFFFFE000  }
0x6d: {  	[tilespmem:s25], [sflag:$0x1] =	stream.indirect.gather [hbm4b:s5+s24], $0x80, s20, s24, $0xb8;
	[tilespmem:$0x1E800] =	vst v63  }
0x6e: {  	_ =	swait.ge [sflag:s0], $0x2000  }
0x6f: {  	[sflag:s0] =	ssyncset.done $0x0  }
0x70: {  	s20 =	sadd.s32 $0x1440, s19;
	[sflag:s0] =	ssyncadd.s32 $0xFFFFE000  }
0x71: {  	[spmem:s3] =	stream.indirect.scatter.add.f32 [tilespmem:s26], [sflag:$0x5], $0x80, s20, s24, $0xb8;
	[tilespmem:$0x1E800] =	vst v63  }
0x72: {  	_ =	swait.ge [sflag:s22], $0x2000  }
0x73: {  	[sflag:s22] =	ssyncset.done $0x0  }
0x74: {  	s20 =	sadd.s32 $0x140, s19;
	[sflag:s22] =	ssyncadd.s32 $0xFFFFE000  }
0x75: {  	[tilespmem:s26], [sflag:$0x2] =	stream.indirect.gather [hbm4b:s5+s24], $0x80, s20, s24, $0xb8;
	[tilespmem:$0x1E800] =	vst v63  }
0x76: {  	_ =	swait.ge [sflag:s6], $0x2000  }
0x77: {  	[sflag:s6] =	ssyncset.done $0x0  }
0x78: {  	s20 =	sadd.s32 $0x1480, s19;
	[sflag:s6] =	ssyncadd.s32 $0xFFFFE000  }
0x79: {  	[spmem:s3] =	stream.indirect.scatter.add.f32 [tilespmem:s29], [sflag:$0x5], $0x80, s20, s24, $0xb8;
	[tilespmem:$0x1E800] =	vst v63  }
0x7a: {  	_ =	swait.ge [sflag:s22], $0x2000  }
0x7b: {  	[sflag:s22] =	ssyncset.done $0x0  }
0x7c: {  	s20 =	sadd.s32 $0x180, s19;
	[sflag:s22] =	ssyncadd.s32 $0xFFFFE000  }
0x7d: {  	[tilespmem:s29], [sflag:$0x3] =	stream.indirect.gather [hbm4b:s5+s24], $0x80, s20, s24, $0xb8;
	[tilespmem:$0x1E800] =	vst v63  }
0x7e: {  	_ =	swait.ge [sflag:s8], $0x2000  }
0x7f: {  	[sflag:s8] =	ssyncset.done $0x0  }
.Ltmp0:
0x80: {  	s20 =	sadd.s32 $0x14C0, s19;
	[sflag:s8] =	ssyncadd.s32 $0xFFFFE000;
	(pc) =	sbr.rel @p0 .LBB2_2-.Ltmp0, $4  }
0x81: {  	[spmem:s3] =	stream.indirect.scatter.add.f32 [tilespmem:s31], [sflag:$0x5], $0x80, s20, s24, $0xb8;
	[tilespmem:$0x1E800] =	vst v63  }
0x82: {  	_ =	swait.ge [sflag:s22], $0x2000  }
0x83: {  	[sflag:s22] =	ssyncset.done $0x0  }
0x84: {  	s19 =	sadd.s32 $0x1C0, s19;
	[sflag:s22] =	ssyncadd.s32 $0xFFFFE000  }
0x85: {  	[tilespmem:s31], [sflag:$0x4] =	stream.indirect.gather [hbm4b:s5+s24], $0x80, s19, s24, $0xb8;
	[tilespmem:$0x1E800] =	vst v63  }
0x86: {  	_ =	swait.ge [sflag:s1], $0x2000  }
0x87: {  	[sflag:s1] =	ssyncset.done $0x0  }
0x88: {  	[sflag:s1] =	ssyncadd.s32 $0xFFFFE000  }
0x89: {  	[spmem:s3] =	stream.indirect.scatter.add.f32 [tilespmem:s25], [sflag:$0x5], $0x80, s9, s24, $0xb8;
	[tilespmem:$0x1E800] =	vst v63  }
0x8a: {  	_ =	swait.ge [sflag:s22], $0x2000  }
0x8b: {  	[sflag:s22] =	ssyncset.done $0x0  }
0x8c: {  	[sflag:s22] =	ssyncadd.s32 $0xFFFFE000  }
0x8d: {  	_ =	swait.ge [sflag:s0], $0x2000  }
0x8e: {  	[sflag:s0] =	ssyncset.done $0x0  }
0x8f: {  	[sflag:s0] =	ssyncadd.s32 $0xFFFFE000  }
0x90: {  	[spmem:s3] =	stream.indirect.scatter.add.f32 [tilespmem:s26], [sflag:$0x5], $0x80, s10, s24, $0xb8;
	[tilespmem:$0x1E800] =	vst v63  }
0x91: {  	_ =	swait.ge [sflag:s22], $0x2000  }
0x92: {  	[sflag:s22] =	ssyncset.done $0x0  }
0x93: {  	[sflag:s22] =	ssyncadd.s32 $0xFFFFE000  }
0x94: {  	_ =	swait.ge [sflag:s6], $0x2000  }
0x95: {  	[sflag:s6] =	ssyncset.done $0x0  }
0x96: {  	[sflag:s6] =	ssyncadd.s32 $0xFFFFE000  }
0x97: {  	[spmem:s3] =	stream.indirect.scatter.add.f32 [tilespmem:s29], [sflag:$0x5], $0x80, s11, s24, $0xb8;
	[tilespmem:$0x1E800] =	vst v63  }
0x98: {  	_ =	swait.ge [sflag:s22], $0x2000  }
0x99: {  	[sflag:s22] =	ssyncset.done $0x0  }
0x9a: {  	[sflag:s22] =	ssyncadd.s32 $0xFFFFE000  }
0x9b: {  	_ =	swait.ge [sflag:s8], $0x2000  }
0x9c: {  	[sflag:s8] =	ssyncset.done $0x0  }
0x9d: {  	[sflag:s8] =	ssyncadd.s32 $0xFFFFE000  }
0x9e: {  	[spmem:s3] =	stream.indirect.scatter.add.f32 [tilespmem:s31], [sflag:$0x5], $0x80, s12, s24, $0xb8;
	[tilespmem:$0x1E800] =	vst v63  }
0x9f: {  	_ =	swait.ge [sflag:s22], $0x2000  }
0xa0: {  	[sflag:s22] =	ssyncset.done $0x0  }
0xa1: {  	s19 =	simm.s32 $0x0;
	s20 =	rddreg [dreg:$0xb];
	[sflag:s22] =	ssyncadd.s32 $0xFFFFE000  }
0xa2: {  	[tilespmem:s19], [sflag:$0x5] =	stream.linear.gather [hbm4b:s20+s19], $0x1400, $0x38;
	[tilespmem:$0x1E800] =	vst v63  }
0xa3: {  	_ =	swait.ge [sflag:s22], $0x1400  }
0xa4: {  	[sflag:s22] =	ssyncset.done $0x0  }
0xa5: {  	s23 =	simm.s32 $0x1400;
	s20 =	rddreg [dreg:$0xc];
	[sflag:s22] =	ssyncadd.s32 $0xFFFFEC00  }
0xa6: {  	[tilespmem:s23], [sflag:$0x5] =	stream.linear.gather [hbm4b:s20+s19], $0x1400, $0x38;
	[tilespmem:$0x1E800] =	vst v63  }
0xa7: {  	_ =	swait.ge [sflag:s22], $0x1400  }
0xa8: {  	[sflag:s22] =	ssyncset.done $0x0  }
0xa9: {  	[sflag:s22] =	ssyncadd.s32 $0xFFFFEC00  }
0xaa: {  	[tilespmem:s25], [sflag:$0x1] =	stream.indirect.gather [hbm4b:s5+s24], $0x80, s19, s24, $0xb8;
	[tilespmem:$0x1E800] =	vst v63  }
0xab: {  	_ = 	snop  }
0xac: {  	[tilespmem:s26], [sflag:$0x2] =	stream.indirect.gather [hbm4b:s5+s24], $0x80, s24, s24, $0xb8;
	[tilespmem:$0x1E800] =	vst v63  }
0xad: {  	_ = 	snop  }
0xae: {  	[tilespmem:s29], [sflag:$0x3] =	stream.indirect.gather [hbm4b:s5+s24], $0x80, s28, s24, $0xb8;
	[tilespmem:$0x1E800] =	vst v63  }
0xaf: {  	_ = 	snop  }
0xb0: {  	[tilespmem:s31], [sflag:$0x4] =	stream.indirect.gather [hbm4b:s5+s24], $0x80, s30, s24, $0xb8;
	[tilespmem:$0x1E800] =	vst v63  }
0xb1: {  	_ =	swait.ge [sflag:s1], $0x2000  }
0xb2: {  	[sflag:s1] =	ssyncset.done $0x0  }
0xb3: {  	s23 =	simm.s32 $0x1400;
	[sflag:s1] =	ssyncadd.s32 $0xFFFFE000  }
0xb4: {  	[spmem:s3] =	stream.indirect.scatter.add.f32 [tilespmem:s25], [sflag:$0x5], $0x80, s23, s24, $0xb8;
	[tilespmem:$0x1E800] =	vst v63  }
0xb5: {  	_ =	swait.ge [sflag:s22], $0x2000  }
0xb6: {  	[sflag:s22] =	ssyncset.done $0x0  }
0xb7: {  	s20 =	simm.s32 $0x100;
	[sflag:s22] =	ssyncadd.s32 $0xFFFFE000  }
0xb8: {  	[tilespmem:s25], [sflag:$0x1] =	stream.indirect.gather [hbm4b:s5+s24], $0x80, s20, s24, $0xb8;
	[tilespmem:$0x1E800] =	vst v63  }
0xb9: {  	_ =	swait.ge [sflag:s0], $0x2000  }
0xba: {  	[sflag:s0] =	ssyncset.done $0x0  }
0xbb: {  	s23 =	simm.s32 $0x1440;
	[sflag:s0] =	ssyncadd.s32 $0xFFFFE000  }
0xbc: {  	[spmem:s3] =	stream.indirect.scatter.add.f32 [tilespmem:s26], [sflag:$0x5], $0x80, s23, s24, $0xb8;
	[tilespmem:$0x1E800] =	vst v63  }
0xbd: {  	_ =	swait.ge [sflag:s22], $0x2000  }
0xbe: {  	[sflag:s22] =	ssyncset.done $0x0  }
0xbf: {  	s20 =	simm.s32 $0x140;
	[sflag:s22] =	ssyncadd.s32 $0xFFFFE000  }
0xc0: {  	[tilespmem:s26], [sflag:$0x2] =	stream.indirect.gather [hbm4b:s5+s24], $0x80, s20, s24, $0xb8;
	[tilespmem:$0x1E800] =	vst v63  }
0xc1: {  	_ =	swait.ge [sflag:s6], $0x2000  }
0xc2: {  	[sflag:s6] =	ssyncset.done $0x0  }
0xc3: {  	s23 =	simm.s32 $0x1480;
	[sflag:s6] =	ssyncadd.s32 $0xFFFFE000  }
0xc4: {  	[spmem:s3] =	stream.indirect.scatter.add.f32 [tilespmem:s29], [sflag:$0x5], $0x80, s23, s24, $0xb8;
	[tilespmem:$0x1E800] =	vst v63  }
0xc5: {  	_ =	swait.ge [sflag:s22], $0x2000  }
0xc6: {  	[sflag:s22] =	ssyncset.done $0x0  }
0xc7: {  	s20 =	simm.s32 $0x180;
	[sflag:s22] =	ssyncadd.s32 $0xFFFFE000  }
0xc8: {  	[tilespmem:s29], [sflag:$0x3] =	stream.indirect.gather [hbm4b:s5+s24], $0x80, s20, s24, $0xb8;
	[tilespmem:$0x1E800] =	vst v63  }
0xc9: {  	_ =	swait.ge [sflag:s8], $0x2000  }
0xca: {  	[sflag:s8] =	ssyncset.done $0x0  }
0xcb: {  	s23 =	simm.s32 $0x14C0;
	[sflag:s8] =	ssyncadd.s32 $0xFFFFE000  }
0xcc: {  	[spmem:s3] =	stream.indirect.scatter.add.f32 [tilespmem:s31], [sflag:$0x5], $0x80, s23, s24, $0xb8;
	[tilespmem:$0x1E800] =	vst v63  }
0xcd: {  	_ =	swait.ge [sflag:s22], $0x2000  }
0xce: {  	[sflag:s22] =	ssyncset.done $0x0  }
0xcf: {  	s19 =	simm.s32 $0x1C0;
	s23 =	simm.s32 $0x400;
	[sflag:s22] =	ssyncadd.s32 $0xFFFFE000  }
.LBB2_4:
0xd0: {  	[tilespmem:s31], [sflag:$0x4] =	stream.indirect.gather [hbm4b:s5+s24], $0x80, s19, s24, $0xb8;
	[tilespmem:$0x1E800] =	vst v63  }
0xd1: {  	s19 =	smov.u32 s23  }
0xd2: {  	p0 =	sne.s32 s23, $0x4800;
	s23 =	sadd.s32 $0x400, s23;
	_ =	swait.ge [sflag:s1], $0x2000  }
0xd3: {  	s19 =	sshra.s32 s19, $0x2;
	[sflag:s1] =	ssyncset.done $0x0  }
0xd4: {  	s20 =	sadd.s32 $0x1400, s19;
	[sflag:s1] =	ssyncadd.s32 $0xFFFFE000  }
0xd5: {  	[spmem:s3] =	stream.indirect.scatter.add.f32 [tilespmem:s25], [sflag:$0x5], $0x80, s20, s24, $0xb8;
	[tilespmem:$0x1E800] =	vst v63  }
0xd6: {  	_ =	swait.ge [sflag:s22], $0x2000  }
0xd7: {  	[sflag:s22] =	ssyncset.done $0x0  }
0xd8: {  	s20 =	sadd.s32 $0x100, s19;
	[sflag:s22] =	ssyncadd.s32 $0xFFFFE000  }
0xd9: {  	[tilespmem:s25], [sflag:$0x1] =	stream.indirect.gather [hbm4b:s5+s24], $0x80, s20, s24, $0xb8;
	[tilespmem:$0x1E800] =	vst v63  }
0xda: {  	_ =	swait.ge [sflag:s0], $0x2000  }
0xdb: {  	[sflag:s0] =	ssyncset.done $0x0  }
0xdc: {  	s20 =	sadd.s32 $0x1440, s19;
	[sflag:s0] =	ssyncadd.s32 $0xFFFFE000  }
0xdd: {  	[spmem:s3] =	stream.indirect.scatter.add.f32 [tilespmem:s26], [sflag:$0x5], $0x80, s20, s24, $0xb8;
	[tilespmem:$0x1E800] =	vst v63  }
0xde: {  	_ =	swait.ge [sflag:s22], $0x2000  }
0xdf: {  	[sflag:s22] =	ssyncset.done $0x0  }
0xe0: {  	s20 =	sadd.s32 $0x140, s19;
	[sflag:s22] =	ssyncadd.s32 $0xFFFFE000  }
0xe1: {  	[tilespmem:s26], [sflag:$0x2] =	stream.indirect.gather [hbm4b:s5+s24], $0x80, s20, s24, $0xb8;
	[tilespmem:$0x1E800] =	vst v63  }
0xe2: {  	_ =	swait.ge [sflag:s6], $0x2000  }
0xe3: {  	[sflag:s6] =	ssyncset.done $0x0  }
0xe4: {  	s20 =	sadd.s32 $0x1480, s19;
	[sflag:s6] =	ssyncadd.s32 $0xFFFFE000  }
0xe5: {  	[spmem:s3] =	stream.indirect.scatter.add.f32 [tilespmem:s29], [sflag:$0x5], $0x80, s20, s24, $0xb8;
	[tilespmem:$0x1E800] =	vst v63  }
0xe6: {  	_ =	swait.ge [sflag:s22], $0x2000  }
0xe7: {  	[sflag:s22] =	ssyncset.done $0x0  }
0xe8: {  	s20 =	sadd.s32 $0x180, s19;
	[sflag:s22] =	ssyncadd.s32 $0xFFFFE000  }
0xe9: {  	[tilespmem:s29], [sflag:$0x3] =	stream.indirect.gather [hbm4b:s5+s24], $0x80, s20, s24, $0xb8;
	[tilespmem:$0x1E800] =	vst v63  }
0xea: {  	_ =	swait.ge [sflag:s8], $0x2000  }
0xeb: {  	[sflag:s8] =	ssyncset.done $0x0  }
.Ltmp1:
0xec: {  	s20 =	sadd.s32 $0x14C0, s19;
	[sflag:s8] =	ssyncadd.s32 $0xFFFFE000;
	(pc) =	sbr.rel @p0 .LBB2_4-.Ltmp1, $4  }
0xed: {  	[spmem:s3] =	stream.indirect.scatter.add.f32 [tilespmem:s31], [sflag:$0x5], $0x80, s20, s24, $0xb8;
	[tilespmem:$0x1E800] =	vst v63  }
0xee: {  	_ =	swait.ge [sflag:s22], $0x2000  }
0xef: {  	[sflag:s22] =	ssyncset.done $0x0  }
0xf0: {  	s19 =	sadd.s32 $0x1C0, s19;
	[sflag:s22] =	ssyncadd.s32 $0xFFFFE000  }
0xf1: {  	[tilespmem:s31], [sflag:$0x4] =	stream.indirect.gather [hbm4b:s5+s24], $0x80, s19, s24, $0xb8;
	[tilespmem:$0x1E800] =	vst v63  }
0xf2: {  	_ =	swait.ge [sflag:s1], $0x2000  }
0xf3: {  	[sflag:s1] =	ssyncset.done $0x0  }
0xf4: {  	[sflag:s1] =	ssyncadd.s32 $0xFFFFE000  }
0xf5: {  	[spmem:s3] =	stream.indirect.scatter.add.f32 [tilespmem:s25], [sflag:$0x5], $0x80, s9, s24, $0xb8;
	[tilespmem:$0x1E800] =	vst v63  }
0xf6: {  	_ =	swait.ge [sflag:s22], $0x2000  }
0xf7: {  	[sflag:s22] =	ssyncset.done $0x0  }
0xf8: {  	[sflag:s22] =	ssyncadd.s32 $0xFFFFE000  }
0xf9: {  	_ =	swait.ge [sflag:s0], $0x2000  }
0xfa: {  	[sflag:s0] =	ssyncset.done $0x0  }
0xfb: {  	[sflag:s0] =	ssyncadd.s32 $0xFFFFE000  }
0xfc: {  	[spmem:s3] =	stream.indirect.scatter.add.f32 [tilespmem:s26], [sflag:$0x5], $0x80, s10, s24, $0xb8;
	[tilespmem:$0x1E800] =	vst v63  }
0xfd: {  	_ =	swait.ge [sflag:s22], $0x2000  }
0xfe: {  	[sflag:s22] =	ssyncset.done $0x0  }
0xff: {  	[sflag:s22] =	ssyncadd.s32 $0xFFFFE000  }
0x100: {  	_ =	swait.ge [sflag:s6], $0x2000  }
0x101: {  	[sflag:s6] =	ssyncset.done $0x0  }
0x102: {  	[sflag:s6] =	ssyncadd.s32 $0xFFFFE000  }
0x103: {  	[spmem:s3] =	stream.indirect.scatter.add.f32 [tilespmem:s29], [sflag:$0x5], $0x80, s11, s24, $0xb8;
	[tilespmem:$0x1E800] =	vst v63  }
0x104: {  	_ =	swait.ge [sflag:s22], $0x2000  }
0x105: {  	[sflag:s22] =	ssyncset.done $0x0  }
0x106: {  	[sflag:s22] =	ssyncadd.s32 $0xFFFFE000  }
0x107: {  	_ =	swait.ge [sflag:s8], $0x2000  }
0x108: {  	[sflag:s8] =	ssyncset.done $0x0  }
0x109: {  	[sflag:s8] =	ssyncadd.s32 $0xFFFFE000  }
0x10a: {  	[spmem:s3] =	stream.indirect.scatter.add.f32 [tilespmem:s31], [sflag:$0x5], $0x80, s12, s24, $0xb8;
	[tilespmem:$0x1E800] =	vst v63  }
0x10b: {  	_ =	swait.ge [sflag:s22], $0x2000  }
0x10c: {  	[sflag:s22] =	ssyncset.done $0x0  }
0x10d: {  	[sflag:s22] =	ssyncadd.s32 $0xFFFFE000  }
0x10e: {  	[bflag:$0x0] =	sbarrier.arrive $0xFFFF  }
0x10f: {  	s20 =	rddreg [dreg:$0xd]  }
0x110: {  	[hbm:s20], [sflag:s7] =	dma.local [spmem:s14], $0x800  }
0x111: {  	_ =	swait.ge [sflag:s22], $0x800  }
0x112: {  	[sflag:s22] =	ssyncset.done $0x0  }
0x113: {  	s23 =	rddreg [dreg:$0xe];
	[sflag:s22] =	ssyncadd.s32 $0xFFFFF800  }
0x114: {  	[hbm:s23], [sflag:s7] =	dma.local [spmem:s15], $0x800  }
0x115: {  	_ =	swait.ge [sflag:s22], $0x800  }
0x116: {  	[sflag:s22] =	ssyncset.done $0x0  }
0x117: {  	s19 =	rddreg [dreg:$0xf];
	[sflag:s22] =	ssyncadd.s32 $0xFFFFF800  }
0x118: {  	[hbm:s19], [sflag:s7] =	dma.local [spmem:s16], $0x800  }
0x119: {  	_ =	swait.ge [sflag:s22], $0x800  }
0x11a: {  	[sflag:s22] =	ssyncset.done $0x0  }
0x11b: {  	s20 =	rddreg [dreg:$0x10];
	[sflag:s22] =	ssyncadd.s32 $0xFFFFF800  }
0x11c: {  	[hbm:s20], [sflag:s7] =	dma.local [spmem:s17], $0x800  }
0x11d: {  	s13 =	sadd.s32 $0x1, s13;
	_ =	swait.ge [sflag:s22], $0x800  }
0x11e: {  	p0 =	sne.s32 s13, s21;
	[sflag:s22] =	ssyncset.done $0x0  }
.Ltmp2:
0x11f: {  	s23 =	rddreg [dreg:$0x11];
	[sflag:s22] =	ssyncadd.s32 $0xFFFFF800;
	(pc) =	sbr.rel @p0 .LBB2_1-.Ltmp2, $4  }
0x120: {  	[hbm:s23], [sflag:s7] =	dma.local [spmem:s18], $0x800  }
0x121: {  	_ =	swait.ge [sflag:s22], $0x800  }
0x122: {  	[sflag:s22] =	ssyncset.done $0x0  }
0x123: {  	[sflag:s22] =	ssyncadd.s32 $0xFFFFF800  }
0x124: {  	_ =	sfence.sel $0x180000  }
0x125: {  	[bflag:$0x0] =	sbarrier.arrive $0xFFFF  }
0x126: {  	_ =	strace $0x9000004A  }
0x127: {  	s0 =	stileid.u32;
	[bflag:$0x2] =	sbarrier.arrive $0xFFFF  }
0x128: {  	p0 =	sne.s32 s0, $0x0;
	s0 =	rddreg [dreg:$0x3]  }
0x129: {  	s0 =	sadd.s32 @!p0 $0x100000, s0  }
0x12a: {  	[sflag:s0] =	ssyncadd.tile.s32 @!p0 $0x1;
	_ =	shalt  }
.Lfunc_end2:
_tile_overlayer_lowered:
.L_overlay_start_2:
0x12b: {  	(tag) =	ssettag $0x2  }
0x12c: {  	s0 =	rddreg [dreg:$0x0];
	s2 =	stileid.u32  }
0x12d: {  	s1 =	rddreg [dreg:$0x1];
	p0 =	sne.s32 s2, $0x0  }
0x12e: {  	s3 =	rddreg [dreg:$0x2];
	[bflag:$0x3] =	sbarrier.arrive $0xFFFF;
	s2 =	simm.s32 @!p0 $0x1C05  }
0x12f: {  	[timem:s3], [sflag:s2] =	dma.local @!p0 [hbm:s0], s1  }
0x130: {  	s0 =	simm.s32 @!p0 $0x5  }
0x131: {  	_ =	swait.ge @!p0 [sflag:s0], s1  }
0x132: {  	s1 =	ssub.s32 @!p0 $0x0, s1;
	[sflag:s0] =	ssyncset.done @!p0 $0x0  }
0x133: {  	[sflag:s0] =	ssyncadd.s32 @!p0 s1  }
0x134: {  	[bflag:$0x3] =	sbarrier.arrive $0xFFFF  }
0x135: {  	_ =	shalt  }

// kernel: kernel.15.cloned.1.call-start
scs
__scs_entry_jumppad:
0x0: {  	(pc) =	sbr.rel $0x88, $3  }
0x1: {  	(tag) =	ssettag $0x0;
	lr =	simm.s32 $0x1  }
0x2: {  	[smem:$0x3F9B] =	sst lr;
	_ =	strace $0xD0000000  }
0x3: {  	_ = 	snop  }
0x4: {  	_ = 	snop  }
0x5: {  	_ = 	snop  }
0x6: {  	_ = 	snop  }
0x7: {  	_ = 	snop  }
__scs_overlays_trampoline_lowered:
0x8: {  	[smem:$0x3FAA] =	sst s0  }
0x9: {  	[smem:$0x3FAB] =	sst s1  }
0xa: {  	[smem:$0x3FAC] =	sst s2  }
0xb: {  	[smem:$0x3FAD] =	sst s3  }
0xc: {  	[smem:$0x3FAE] =	sst s4  }
0xd: {  	[smem:$0x3FAF] =	sst s5  }
0xe: {  	[smem:$0x3FB0] =	sst s6  }
0xf: {  	[smem:$0x3FB1] =	sst s7  }
0x10: {  	[smem:$0x3FB2] =	sst s8  }
0x11: {  	[smem:$0x3FB3] =	sst s9;
	s0 =	simm.s32 @!p0 $0x0  }
0x12: {  	s1 =	sld [smem:$0x3F99];
	s0 =	simm.s32 @p0 $0x1  }
0x13: {  	[smem:$0x3FB4] =	sst s0;
	s0 =	simm.s32 @!p1 $0x0  }
0x14: {  	s2 =	sld [smem:$0x3F98];
	s0 =	simm.s32 @p1 $0x1  }
0x15: {  	[smem:$0x3FB5] =	sst s0;
	s0 =	simm.s32 @!p2 $0x0  }
0x16: {  	s3 =	sld [smem:$0x3FDB];
	s0 =	simm.s32 @p2 $0x1  }
0x17: {  	s4 =	simm.s32 $0x1BF5;
	[smem:$0x3FB7] =	sst s0  }
0x18: {  	s0 =	sld [smem:$0x3F9A];
	_ =	swait.ge [sflag:s4], $0x0  }
0x19: {  	s7 =	sld [smem:$0x3F9B]  }
0x1a: {  	s8 =	sadd.s32 $0xFFFFE003, lr  }
0x1b: {  	s9 =	sadd.s32 $0xFFFFFEF7, lr;
	s5 =	simm.s32 $0xFFFFFFFF;
	p2 =	slt.u32 s8, $0xFFFFF086  }
0x1c: {  	p1 =	slt.u32 s9, $0xF7A;
	s5 =	simm.s32 @!p2 $0x0  }
0x1d: {  	s5 =	simm.s32 @p1 $0x1;
	p0 =	seq.s32 s7, s2  }
0x1e: {  	s7 =	smul.u32 @!p0 $0xF7A, s2;
	p2 =	seq.s32 @!p0 s5, $0x0  }
0x1f: {  	s9 =	smul.u32 $0xF7A, s1;
	s8 =	simm.s32 @!p0 $0x1BF5;
	p2 =	por !p2, p0  }
0x20: {  	[sflag:s8] =	ssyncset.s32 @!p0 $0xFFFFF086;
	s6 =	sadd.s32 @!p0 s3, s7;
	s7 =	simm.s32 @!p0 $0x108  }
0x21: {  	s3 =	sadd.s32 s3, s9;
	s6 =	sadd.s32 @!p0 $0x88, s6;
	s7 =	simm.s32 @p2 $0x1082  }
0x22: {  	[simem:s7], [sflag:s8] =	dma.local @!p0 [hbm:s6], $0xF7A  }
0x23: {  	s9 =	sor.u32 $0xD0000000, s2;
	s6 =	simm.s32 $0x108;
	_ =	swait.ge @!p0 [sflag:s8], $0x0  }
0x24: {  	s3 =	sadd.s32 $0x88, s3;
	s6 =	simm.s32 @!p1 $0x1082;
	[sflag:s4] =	ssyncset.s32 $0xFFFFF086  }
0x25: {  	[simem:s6], [sflag:s4] =	dma.local [hbm:s3], $0xF7A  }
0x26: {  	[smem:$0x3F9B] =	sst s1;
	(tag) =	ssettag s2;
	_ =	strace s9  }
0x27: {  	s1 =	sld [smem:$0x3FAB]  }
0x28: {  	s2 =	sld [smem:$0x3FAC]  }
0x29: {  	s4 =	sld [smem:$0x3FAE]  }
0x2a: {  	p0 =	seq.s32 s5, $0x0;
	s5 =	sld [smem:$0x3FAF]  }
0x2b: {  	s6 =	sld [smem:$0x3FB0]  }
0x2c: {  	s7 =	sld [smem:$0x3FB1]  }
0x2d: {  	s3 =	simm.s32 $0x108;
	s8 =	sld [smem:$0x3FB2]  }
0x2e: {  	s3 =	simm.s32 @!p0 $0x1082;
	s9 =	sld [smem:$0x3FB3]  }
0x2f: {  	lr =	sadd.s32 s0, s3;
	s0 =	sld [smem:$0x3FAA]  }
0x30: {  	s3 =	sld [smem:$0x3FAD]  }
0x31: {  	[smem:$0x3FB6] =	sst s10  }
0x32: {  	s10 =	sld [smem:$0x3FB4];
	_ =	sdelay $0x3  }
0x33: {  	p0 =	seq.s32 s10, $0x1;
	s10 =	sld [smem:$0x3FB6];
	_ =	sdelay $0x3  }
0x34: {  	[smem:$0x3FB6] =	sst s10  }
0x35: {  	s10 =	sld [smem:$0x3FB5];
	_ =	sdelay $0x3  }
0x36: {  	p1 =	seq.s32 s10, $0x1;
	s10 =	sld [smem:$0x3FB6];
	_ =	sdelay $0x3  }
0x37: {  	[smem:$0x3FB6] =	sst s10  }
0x38: {  	s10 =	sld [smem:$0x3FB7]  }
0x39: {  	_ = 	snop;
	(pc) =	sbr.ind lr, $3  }
0x3a: {  	_ = 	snop  }
0x3b: {  	_ = 	snop  }
0x3c: {  	p2 =	seq.s32 s10, $0x1;
	s10 =	sld [smem:$0x3FB6]  }
0x3d: {  	_ =	shalt  }
0x3e: {  	_ =	shalt  }
0x3f: {  	_ =	shalt  }
0x40: {  	_ =	shalt  }
0x41: {  	_ =	shalt  }
0x42: {  	_ =	shalt  }
0x43: {  	_ =	shalt  }
0x44: {  	_ =	shalt  }
0x45: {  	_ =	shalt  }
0x46: {  	_ =	shalt  }
0x47: {  	_ =	shalt  }
0x48: {  	_ =	shalt  }
0x49: {  	_ =	shalt  }
0x4a: {  	_ =	shalt  }
0x4b: {  	_ =	shalt  }
0x4c: {  	_ =	shalt  }
0x4d: {  	_ =	shalt  }
0x4e: {  	_ =	shalt  }
0x4f: {  	_ =	shalt  }
0x50: {  	_ =	shalt  }
0x51: {  	_ =	shalt  }
0x52: {  	_ =	shalt  }
0x53: {  	_ =	shalt  }
0x54: {  	_ =	shalt  }
0x55: {  	_ =	shalt  }
0x56: {  	_ =	shalt  }
0x57: {  	_ =	shalt  }
0x58: {  	_ =	shalt  }
0x59: {  	_ =	shalt  }
0x5a: {  	_ =	shalt  }
0x5b: {  	_ =	shalt  }
0x5c: {  	_ =	shalt  }
0x5d: {  	_ =	shalt  }
0x5e: {  	_ =	shalt  }
0x5f: {  	_ =	shalt  }
0x60: {  	_ =	shalt  }
0x61: {  	_ =	shalt  }
0x62: {  	_ =	shalt  }
0x63: {  	_ =	shalt  }
0x64: {  	_ =	shalt  }
0x65: {  	_ =	shalt  }
0x66: {  	_ =	shalt  }
0x67: {  	_ =	shalt  }
0x68: {  	_ =	shalt  }
0x69: {  	_ =	shalt  }
0x6a: {  	_ =	shalt  }
0x6b: {  	_ =	shalt  }
0x6c: {  	_ =	shalt  }
0x6d: {  	_ =	shalt  }
0x6e: {  	_ =	shalt  }
0x6f: {  	_ =	shalt  }
0x70: {  	_ =	shalt  }
0x71: {  	_ =	shalt  }
0x72: {  	_ =	shalt  }
0x73: {  	_ =	shalt  }
0x74: {  	_ =	shalt  }
0x75: {  	_ =	shalt  }
0x76: {  	_ =	shalt  }
0x77: {  	_ =	shalt  }
0x78: {  	_ =	shalt  }
0x79: {  	_ =	shalt  }
0x7a: {  	_ =	shalt  }
0x7b: {  	_ =	shalt  }
0x7c: {  	_ =	shalt  }
0x7d: {  	_ =	shalt  }
0x7e: {  	_ =	shalt  }
0x7f: {  	_ =	shalt  }
0x80: {  	_ =	shalt  }
0x81: {  	_ =	shalt  }
0x82: {  	_ =	shalt  }
0x83: {  	_ =	shalt  }
0x84: {  	_ =	shalt  }
0x85: {  	_ =	shalt  }
0x86: {  	_ =	shalt  }
0x87: {  	_ =	shalt  }
.Lfunc_end0:
.L_simem_size_0:
called_computation.2_lowered:
.L_overlay_start_0:
0x88: {  	s2 =	sld [smem:$0x3FD9]  }
0x89: {  	s3 =	sld [smem:$0x3FFE];
	_ =	sdelay $0x1  }
0x8a: {  	s1 =	srdreg.scid  }
0x8b: {  	s0 =	sand.u32 $0x1, s1  }
0x8c: {  	s17 =	sshll.u32 s0, $0xA;
	s2 =	sadd.s32 s3, s2  }
0x8d: {  	s2 =	sadd.s32 s2, s17  }
0x8e: {  	[smem:$0x3FC2] =	sst s2  }
0x8f: {  	_ = 	snop  }
0x90: {  	s2 =	sld [smem:$0x3FD0];
	(tm) =	ssettm $0x1  }
0x91: {  	s18 =	sld [smem:$0x3FFB];
	_ =	sdelay $0x3  }
0x92: {  	_ =	strace s18  }
0x93: {  	s3 =	sld [smem:$0x3FFC];
	_ =	sdelay $0x3  }
0x94: {  	_ =	strace s3  }
0x95: {  	s3 =	sld [smem:$0x3FFD];
	_ =	sdelay $0x3  }
0x96: {  	_ =	strace s3  }
0x97: {  	_ =	strace $0x8FFFFFFF  }
0x98: {  	s19 =	sld [smem:$0x3FDB];
	_ =	sdelay $0x1  }
0x99: {  	s4 =	simm.s32 $_scs_section_size  }
0x9a: {  	s5 =	simm.s32 $_size__tile_overlayer_lowered;
	s6 =	simm.s32 $_tile_overlayer_lowered  }
0x9b: {  	s22 =	simm.s32 $0x1BFF;
	s21 =	sshll.u32 s6, $0x1;
	s3 =	sadd.s32 s4, s19  }
0x9c: {  	s7 =	simm.s32 $0x0;
	s20 =	sshll.u32 s5, $0x1;
	s5 =	sadd.s32 s21, s3  }
0x9d: {  	[timem:s7], [sflag:s22] =	dma.local [hbm:s5], s20  }
0x9e: {  	_ =	swait.ge [sflag:s22], s20  }
0x9f: {  	s4 =	ssub.s32 $0x0, s20;
	[sflag:s22] =	ssyncset.done $0x0  }
0xa0: {  	[sflag:s22] =	ssyncadd.s32 s4;
	_ =	sdelay $0x1  }
0xa1: {  	s23 =	simm.s32 $0x1B8B  }
0xa2: {  	_ =	swait.ge [sflag:s23], $0x1  }
0xa3: {  	[sflag:s23] =	ssyncset.done $0x0  }
0xa4: {  	s25 =	simm.s32 $0x1B8E;
	s24 =	sld [smem:$0x3FFE];
	[sflag:s23] =	ssyncadd.s32 $0xFFFFFFFF  }
0xa5: {  	s26 =	simm.s32 $execute0_lowered;
	[smem:$0x3FD2] =	sst s25  }
0xa6: {  	s5 =	sshll.u32 s26, $0x1;
	_ =	strace $0x8000004C;
	[dreg:$0x1] =	wrdreg $0xFFFFFFFF  }
0xa7: {  	s28 =	simm.s32 $_size_execute0_lowered;
	s3 =	sadd.s32 s3, s5;
	[dreg:$0x0] =	wrdreg $0x0  }
0xa8: {  	s5 =	sshll.u32 s28, $0x1;
	[dreg:$0x2] =	wrdreg s3  }
0xa9: {  	[dreg:$0x3] =	wrdreg s5  }
0xaa: {  	[dreg:$0x4] =	wrdreg $0xC0  }
0xab: {  	_ =	task [dreg:s7], $0x5FFFF  }
0xac: {  	[dreg:$0x1] =	wrdreg $0xFFFFFFFF  }
0xad: {  	[dreg:$0x0] =	wrdreg $0x60  }
0xae: {  	[dreg:$0x2] =	wrdreg s24  }
0xaf: {  	[dreg:$0x3] =	wrdreg s2  }
0xb0: {  	[dreg:$0x4] =	wrdreg $0xA8000  }
0xb1: {  	[dreg:$0x5] =	wrdreg $0x9  }
0xb2: {  	_ =	task.clear_ibuf [dreg:s7], $0x6FFFF;
	_ =	strace $0x9000004C  }
0xb3: {  	s29 =	simm.s32 $0x9;
	_ =	strace $0x8000004E  }
0xb4: {  	_ =	swait.ge [sflag:s29], $0x1  }
0xb5: {  	[sflag:s29] =	ssyncadd.s32 $0xFFFFFFFF  }
0xb6: {  	_ =	strace $0x9000004E  }
0xb7: {  	_ =	sfence  }
0xb8: {  	s30 =	sld [smem:$0x0];
	_ =	sdelay $0x2  }
0xb9: {  	s31 =	sshll.u32 s1, $0xD;
	s1 =	sshrl.u32 s1, $0x2  }
0xba: {  	s3 =	sand.u32 $0x4000, s31;
	s1 =	sadd.s32 s1, s30  }
0xbb: {  	s0 =	sor.u32 s3, s0;
	s1 =	sshll.u32 s1, $0x11  }
0xbc: {  	s0 =	sor.u32 s1, s0  }
0xbd: {  	s0 =	sadd.s32 $0x8F2B, s0  }
0xbe: {  	[sflag:s0] =	ssyncadd.remote.s32 $0x1  }
0xbf: {  	_ =	sfence.sel $0xFFFF  }
0xc0: {  	[dreg:$0x0] =	wrdreg $0xFFFFFFFF;
	(pc) =	sbr.abs _section_cstart, $3  }
0xc1: {  	[dreg:$0x1] =	wrdreg $0xFFFFFFFF  }
0xc2: {  	_ =	task.clear_ibuf [dreg:s7], $0x2FFFF;
	_ =	strace $0x9FFFFFFF  }
0xc3: {  	(tm) =	ssettm $0x7FFFFFFF  }
tec
execute0_lowered:
.L_overlay_start_1:
0x0: {  	(tag) =	ssettag $0x1  }
0x1: {  	s0 =	rddreg [dreg:$0x0]  }
0x2: {  	s2 =	rddreg [dreg:$0x1]  }
0x3: {  	s1 =	srdreg.scid;
	s11 =	stileid.u32  }
0x4: {  	s3 =	rddreg [dreg:$0x2];
	s4 =	simm.s32 $0x0;
	s28 =	simm.s32 $0x80  }
0x5: {  	s29 =	simm.s32 $0x6800;
	s30 =	simm.s32 $0xC0;
	s31 =	simm.s32 $0x8800  }
0x6: {  	s1 =	sand.u32 $0x1, s1;
	s5 =	sshll.u32 s11, $0x1;
	s7 =	smul.u32 $0x50000, s11  }
0x7: {  	[smem:$0x7FF] =	sst s4;
	s10 =	smul.u32 $0x14000, s11;
	s5 =	sor.u32 s1, s5  }
0x8: {  	_ =	strace $0x8000004D;
	s8 =	ssub.s32 $0x2, s1;
	s1 =	smul.u32 $0x140000, s1  }
0x9: {  	s6 =	smul.u32 $0x2800, s5;
	s5 =	sadd.s32 $0x17000, s0;
	s9 =	sshrl.u32 s8, $0x1  }
0xa: {  	s7 =	sshrl.u32 s7, $0x2;
	s15 =	sadd.s32 $0x8000, s10;
	s17 =	sadd.s32 $0xC000, s10  }
0xb: {  	s18 =	sadd.s32 $0x10000, s10;
	s8 =	ssub.s32 s8, s9;
	s7 =	sadd.s32 s7, s3  }
0xc: {  	s9 =	sshll.u32 s11, $0x6;
	s11 =	sadd.s32 $0x4000, s10;
	s16 =	sadd.s32 s15, s3  }
0xd: {  	s13 =	sadd.s32 s17, s3;
	s14 =	sadd.s32 s18, s3;
	[dreg:$0x4] =	wrdreg s7  }
0xe: {  	s10 =	sadd.s32 s10, s1;
	s24 =	sadd.s32 s1, s15;
	[dreg:$0x6] =	wrdreg s16  }
0xf: {  	s25 =	sadd.s32 s1, s17;
	s6 =	sshrl.u32 s6, $0x3;
	[dreg:$0x7] =	wrdreg s13  }
0x10: {  	s7 =	sor.u32 $0x1C05, s9;
	s12 =	sadd.s32 s11, s3;
	[dreg:$0x8] =	wrdreg s14  }
0x11: {  	s9 =	sadd.s32 s1, s11;
	s22 =	sshrl.u32 s10, $0x3;
	s1 =	sadd.s32 s1, s18  }
0x12: {  	s26 =	sshrl.u32 s25, $0x3;
	s25 =	simm.s32 $0x2800;
	s10 =	simm.s32 $0x2740  }
0x13: {  	s11 =	simm.s32 $0x2780;
	s13 =	simm.s32 $0x0;
	s6 =	sadd.s32 s6, s0  }
0x14: {  	s0 =	sadd.s32 $0x3F000, s0;
	[dreg:$0x5] =	wrdreg s12;
	s19 =	sadd.s32 $0x3000, s6  }
0x15: {  	s9 =	sshrl.u32 s9, $0x3;
	s20 =	sadd.s32 $0xD000, s6;
	[dreg:$0x9] =	wrdreg s19  }
0x16: {  	s1 =	sshrl.u32 s1, $0x3;
	s21 =	sadd.s32 $0x3280, s6;
	[dreg:$0xa] =	wrdreg s20  }
0x17: {  	s12 =	simm.s32 $0x27C0;
	s6 =	sadd.s32 $0xD280, s6;
	[dreg:$0xb] =	wrdreg s21  }
0x18: {  	s23 =	sadd.s32 s0, s9;
	s9 =	simm.s32 $0x2700;
	[dreg:$0xc] =	wrdreg s6  }
0x19: {  	s6 =	sadd.s32 s0, s22;
	[dreg:$0xe] =	wrdreg s23;
	s21 =	smax.u32 s8, $0x1  }
0x1a: {  	s22 =	simm.s32 $0x5;
	[dreg:$0xd] =	wrdreg s6;
	s6 =	sshrl.u32 s24, $0x3  }
0x1b: {  	s8 =	simm.s32 $0x4;
	s24 =	simm.s32 $0x40;
	s6 =	sadd.s32 s0, s6  }
0x1c: {  	[dreg:$0xf] =	wrdreg s6;
	s6 =	sadd.s32 s0, s26;
	s0 =	sadd.s32 s0, s1  }
0x1d: {  	s26 =	simm.s32 $0x4800;
	s1 =	simm.s32 $0x1;
	[dreg:$0x10] =	wrdreg s6  }
0x1e: {  	[dreg:$0x11] =	wrdreg s0;
	s0 =	simm.s32 $0x2;
	s6 =	simm.s32 $0x3  }
.LBB2_1:
0x1f: {  	s14 =	rddreg [dreg:$0x4]  }
0x20: {  	s14 =	sshrl.u32 s14, $0x3  }
0x21: {  	[spmem:s14], [sflag:s7] =	dma.local [hbm:s2], $0x800  }
0x22: {  	_ =	swait.ge [sflag:s22], $0x800  }
0x23: {  	[sflag:s22] =	ssyncset.done $0x0;
	s15 =	rddreg [dreg:$0x5]  }
0x24: {  	[sflag:s22] =	ssyncadd.s32 $0xFFFFF800;
	s15 =	sshrl.u32 s15, $0x3  }
0x25: {  	[spmem:s15], [sflag:s7] =	dma.local [hbm:s2], $0x800  }
0x26: {  	_ =	swait.ge [sflag:s22], $0x800  }
0x27: {  	[sflag:s22] =	ssyncset.done $0x0;
	s16 =	rddreg [dreg:$0x6]  }
0x28: {  	[sflag:s22] =	ssyncadd.s32 $0xFFFFF800;
	s16 =	sshrl.u32 s16, $0x3  }
0x29: {  	[spmem:s16], [sflag:s7] =	dma.local [hbm:s2], $0x800  }
0x2a: {  	_ =	swait.ge [sflag:s22], $0x800  }
0x2b: {  	[sflag:s22] =	ssyncset.done $0x0;
	s17 =	rddreg [dreg:$0x7]  }
0x2c: {  	[sflag:s22] =	ssyncadd.s32 $0xFFFFF800;
	s17 =	sshrl.u32 s17, $0x3  }
0x2d: {  	[spmem:s17], [sflag:s7] =	dma.local [hbm:s2], $0x800  }
0x2e: {  	_ =	swait.ge [sflag:s22], $0x800  }
0x2f: {  	[sflag:s22] =	ssyncset.done $0x0;
	s18 =	rddreg [dreg:$0x8]  }
0x30: {  	[sflag:s22] =	ssyncadd.s32 $0xFFFFF800;
	s18 =	sshrl.u32 s18, $0x3  }
0x31: {  	[spmem:s18], [sflag:s7] =	dma.local [hbm:s2], $0x800  }
0x32: {  	_ =	swait.ge [sflag:s22], $0x800  }
0x33: {  	[sflag:s22] =	ssyncset.done $0x0  }
0x34: {  	s19 =	rddreg [dreg:$0x9];
	[sflag:s22] =	ssyncadd.s32 $0xFFFFF800  }
0x35: {  	[tilespmem:s4], [sflag:$0x5] =	stream.linear.gather [hbm4b:s19+s4], $0x1400, $0x38;
	[tilespmem:$0x1E800] =	vst v63  }
0x36: {  	_ =	swait.ge [sflag:s22], $0x1400  }
0x37: {  	[sflag:s22] =	ssyncset.done $0x0  }
0x38: {  	s20 =	simm.s32 $0x1400;
	s23 =	rddreg [dreg:$0xa];
	[sflag:s22] =	ssyncadd.s32 $0xFFFFEC00  }
0x39: {  	[tilespmem:s20], [sflag:$0x5] =	stream.linear.gather [hbm4b:s23+s4], $0x1400, $0x38;
	[tilespmem:$0x1E800] =	vst v63  }
0x3a: {  	_ =	swait.ge [sflag:s22], $0x1400  }
0x3b: {  	[sflag:s22] =	ssyncset.done $0x0  }
0x3c: {  	[sflag:s22] =	ssyncadd.s32 $0xFFFFEC00  }
0x3d: {  	[tilespmem:s25], [sflag:$0x1] =	stream.indirect.gather [hbm4b:s5+s24], $0x80, s4, s24, $0xb8;
	[tilespmem:$0x1E800] =	vst v63  }
0x3e: {  	_ = 	snop  }
0x3f: {  	[tilespmem:s26], [sflag:$0x2] =	stream.indirect.gather [hbm4b:s5+s24], $0x80, s24, s24, $0xb8;
	[tilespmem:$0x1E800] =	vst v63  }
0x40: {  	_ = 	snop  }
0x41: {  	[tilespmem:s29], [sflag:$0x3] =	stream.indirect.gather [hbm4b:s5+s24], $0x80, s28, s24, $0xb8;
	[tilespmem:$0x1E800] =	vst v63  }
0x42: {  	_ = 	snop  }
0x43: {  	[tilespmem:s31], [sflag:$0x4] =	stream.indirect.gather [hbm4b:s5+s24], $0x80, s30, s24, $0xb8;
	[tilespmem:$0x1E800] =	vst v63  }
0x44: {  	[bflag:$0x0] =	sbarrier.arrive $0xFFFF  }
0x45: {  	_ =	swait.ge [sflag:s1], $0x2000  }
0x46: {  	[sflag:s1] =	ssyncset.done $0x0  }
0x47: {  	s23 =	simm.s32 $0x1400;
	[sflag:s1] =	ssyncadd.s32 $0xFFFFE000  }
0x48: {  	[spmem:s3] =	stream.indirect.scatter.add.f32 [tilespmem:s25], [sflag:$0x5], $0x80, s23, s24, $0xb8;
	[tilespmem:$0x1E800] =	vst v63  }
0x49: {  	_ =	swait.ge [sflag:s22], $0x2000  }
0x4a: {  	[sflag:s22] =	ssyncset.done $0x0  }
0x4b: {  	s20 =	simm.s32 $0x100;
	[sflag:s22] =	ssyncadd.s32 $0xFFFFE000  }
0x4c: {  	[tilespmem:s25], [sflag:$0x1] =	stream.indirect.gather [hbm4b:s5+s24], $0x80, s20, s24, $0xb8;
	[tilespmem:$0x1E800] =	vst v63  }
0x4d: {  	_ =	swait.ge [sflag:s0], $0x2000  }
0x4e: {  	[sflag:s0] =	ssyncset.done $0x0  }
0x4f: {  	s23 =	simm.s32 $0x1440;
	[sflag:s0] =	ssyncadd.s32 $0xFFFFE000  }
0x50: {  	[spmem:s3] =	stream.indirect.scatter.add.f32 [tilespmem:s26], [sflag:$0x5], $0x80, s23, s24, $0xb8;
	[tilespmem:$0x1E800] =	vst v63  }
0x51: {  	_ =	swait.ge [sflag:s22], $0x2000  }
0x52: {  	[sflag:s22] =	ssyncset.done $0x0  }
0x53: {  	s20 =	simm.s32 $0x140;
	[sflag:s22] =	ssyncadd.s32 $0xFFFFE000  }
0x54: {  	[tilespmem:s26], [sflag:$0x2] =	stream.indirect.gather [hbm4b:s5+s24], $0x80, s20, s24, $0xb8;
	[tilespmem:$0x1E800] =	vst v63  }
0x55: {  	_ =	swait.ge [sflag:s6], $0x2000  }
0x56: {  	[sflag:s6] =	ssyncset.done $0x0  }
0x57: {  	s23 =	simm.s32 $0x1480;
	[sflag:s6] =	ssyncadd.s32 $0xFFFFE000  }
0x58: {  	[spmem:s3] =	stream.indirect.scatter.add.f32 [tilespmem:s29], [sflag:$0x5], $0x80, s23, s24, $0xb8;
	[tilespmem:$0x1E800] =	vst v63  }
0x59: {  	_ =	swait.ge [sflag:s22], $0x2000  }
0x5a: {  	[sflag:s22] =	ssyncset.done $0x0  }
0x5b: {  	s20 =	simm.s32 $0x180;
	[sflag:s22] =	ssyncadd.s32 $0xFFFFE000  }
0x5c: {  	[tilespmem:s29], [sflag:$0x3] =	stream.indirect.gather [hbm4b:s5+s24], $0x80, s20, s24, $0xb8;
	[tilespmem:$0x1E800] =	vst v63  }
0x5d: {  	_ =	swait.ge [sflag:s8], $0x2000  }
0x5e: {  	[sflag:s8] =	ssyncset.done $0x0  }
0x5f: {  	s23 =	simm.s32 $0x14C0;
	[sflag:s8] =	ssyncadd.s32 $0xFFFFE000  }
0x60: {  	[spmem:s3] =	stream.indirect.scatter.add.f32 [tilespmem:s31], [sflag:$0x5], $0x80, s23, s24, $0xb8;
	[tilespmem:$0x1E800] =	vst v63  }
0x61: {  	_ =	swait.ge [sflag:s22], $0x2000  }
0x62: {  	[sflag:s22] =	ssyncset.done $0x0  }
0x63: {  	s19 =	simm.s32 $0x1C0;
	s23 =	simm.s32 $0x400;
	[sflag:s22] =	ssyncadd.s32 $0xFFFFE000  }
.LBB2_2:
0x64: {  	[tilespmem:s31], [sflag:$0x4] =	stream.indirect.gather [hbm4b:s5+s24], $0x80, s19, s24, $0xb8;
	[tilespmem:$0x1E800] =	vst v63  }
0x65: {  	s19 =	smov.u32 s23  }
0x66: {  	p0 =	sne.s32 s23, $0x4800;
	s23 =	sadd.s32 $0x400, s23;
	_ =	swait.ge [sflag:s1], $0x2000  }
0x67: {  	s19 =	sshra.s32 s19, $0x2;
	[sflag:s1] =	ssyncset.done $0x0  }
0x68: {  	s20 =	sadd.s32 $0x1400, s19;
	[sflag:s1] =	ssyncadd.s32 $0xFFFFE000  }
0x69: {  	[spmem:s3] =	stream.indirect.scatter.add.f32 [tilespmem:s25], [sflag:$0x5], $0x80, s20, s24, $0xb8;
	[tilespmem:$0x1E800] =	vst v63  }
0x6a: {  	_ =	swait.ge [sflag:s22], $0x2000  }
0x6b: {  	[sflag:s22] =	ssyncset.done $0x0  }
0x6c: {  	s20 =	sadd.s32 $0x100, s19;
	[sflag:s22] =	ssyncadd.s32 $0xFFFFE000  }
0x6d: {  	[tilespmem:s25], [sflag:$0x1] =	stream.indirect.gather [hbm4b:s5+s24], $0x80, s20, s24, $0xb8;
	[tilespmem:$0x1E800] =	vst v63  }
0x6e: {  	_ =	swait.ge [sflag:s0], $0x2000  }
0x6f: {  	[sflag:s0] =	ssyncset.done $0x0  }
0x70: {  	s20 =	sadd.s32 $0x1440, s19;
	[sflag:s0] =	ssyncadd.s32 $0xFFFFE000  }
0x71: {  	[spmem:s3] =	stream.indirect.scatter.add.f32 [tilespmem:s26], [sflag:$0x5], $0x80, s20, s24, $0xb8;
	[tilespmem:$0x1E800] =	vst v63  }
0x72: {  	_ =	swait.ge [sflag:s22], $0x2000  }
0x73: {  	[sflag:s22] =	ssyncset.done $0x0  }
0x74: {  	s20 =	sadd.s32 $0x140, s19;
	[sflag:s22] =	ssyncadd.s32 $0xFFFFE000  }
0x75: {  	[tilespmem:s26], [sflag:$0x2] =	stream.indirect.gather [hbm4b:s5+s24], $0x80, s20, s24, $0xb8;
	[tilespmem:$0x1E800] =	vst v63  }
0x76: {  	_ =	swait.ge [sflag:s6], $0x2000  }
0x77: {  	[sflag:s6] =	ssyncset.done $0x0  }
0x78: {  	s20 =	sadd.s32 $0x1480, s19;
	[sflag:s6] =	ssyncadd.s32 $0xFFFFE000  }
0x79: {  	[spmem:s3] =	stream.indirect.scatter.add.f32 [tilespmem:s29], [sflag:$0x5], $0x80, s20, s24, $0xb8;
	[tilespmem:$0x1E800] =	vst v63  }
0x7a: {  	_ =	swait.ge [sflag:s22], $0x2000  }
0x7b: {  	[sflag:s22] =	ssyncset.done $0x0  }
0x7c: {  	s20 =	sadd.s32 $0x180, s19;
	[sflag:s22] =	ssyncadd.s32 $0xFFFFE000  }
0x7d: {  	[tilespmem:s29], [sflag:$0x3] =	stream.indirect.gather [hbm4b:s5+s24], $0x80, s20, s24, $0xb8;
	[tilespmem:$0x1E800] =	vst v63  }
0x7e: {  	_ =	swait.ge [sflag:s8], $0x2000  }
0x7f: {  	[sflag:s8] =	ssyncset.done $0x0  }
.Ltmp0:
0x80: {  	s20 =	sadd.s32 $0x14C0, s19;
	[sflag:s8] =	ssyncadd.s32 $0xFFFFE000;
	(pc) =	sbr.rel @p0 .LBB2_2-.Ltmp0, $4  }
0x81: {  	[spmem:s3] =	stream.indirect.scatter.add.f32 [tilespmem:s31], [sflag:$0x5], $0x80, s20, s24, $0xb8;
	[tilespmem:$0x1E800] =	vst v63  }
0x82: {  	_ =	swait.ge [sflag:s22], $0x2000  }
0x83: {  	[sflag:s22] =	ssyncset.done $0x0  }
0x84: {  	s19 =	sadd.s32 $0x1C0, s19;
	[sflag:s22] =	ssyncadd.s32 $0xFFFFE000  }
0x85: {  	[tilespmem:s31], [sflag:$0x4] =	stream.indirect.gather [hbm4b:s5+s24], $0x80, s19, s24, $0xb8;
	[tilespmem:$0x1E800] =	vst v63  }
0x86: {  	_ =	swait.ge [sflag:s1], $0x2000  }
0x87: {  	[sflag:s1] =	ssyncset.done $0x0  }
0x88: {  	[sflag:s1] =	ssyncadd.s32 $0xFFFFE000  }
0x89: {  	[spmem:s3] =	stream.indirect.scatter.add.f32 [tilespmem:s25], [sflag:$0x5], $0x80, s9, s24, $0xb8;
	[tilespmem:$0x1E800] =	vst v63  }
0x8a: {  	_ =	swait.ge [sflag:s22], $0x2000  }
0x8b: {  	[sflag:s22] =	ssyncset.done $0x0  }
0x8c: {  	[sflag:s22] =	ssyncadd.s32 $0xFFFFE000  }
0x8d: {  	_ =	swait.ge [sflag:s0], $0x2000  }
0x8e: {  	[sflag:s0] =	ssyncset.done $0x0  }
0x8f: {  	[sflag:s0] =	ssyncadd.s32 $0xFFFFE000  }
0x90: {  	[spmem:s3] =	stream.indirect.scatter.add.f32 [tilespmem:s26], [sflag:$0x5], $0x80, s10, s24, $0xb8;
	[tilespmem:$0x1E800] =	vst v63  }
0x91: {  	_ =	swait.ge [sflag:s22], $0x2000  }
0x92: {  	[sflag:s22] =	ssyncset.done $0x0  }
0x93: {  	[sflag:s22] =	ssyncadd.s32 $0xFFFFE000  }
0x94: {  	_ =	swait.ge [sflag:s6], $0x2000  }
0x95: {  	[sflag:s6] =	ssyncset.done $0x0  }
0x96: {  	[sflag:s6] =	ssyncadd.s32 $0xFFFFE000  }
0x97: {  	[spmem:s3] =	stream.indirect.scatter.add.f32 [tilespmem:s29], [sflag:$0x5], $0x80, s11, s24, $0xb8;
	[tilespmem:$0x1E800] =	vst v63  }
0x98: {  	_ =	swait.ge [sflag:s22], $0x2000  }
0x99: {  	[sflag:s22] =	ssyncset.done $0x0  }
0x9a: {  	[sflag:s22] =	ssyncadd.s32 $0xFFFFE000  }
0x9b: {  	_ =	swait.ge [sflag:s8], $0x2000  }
0x9c: {  	[sflag:s8] =	ssyncset.done $0x0  }
0x9d: {  	[sflag:s8] =	ssyncadd.s32 $0xFFFFE000  }
0x9e: {  	[spmem:s3] =	stream.indirect.scatter.add.f32 [tilespmem:s31], [sflag:$0x5], $0x80, s12, s24, $0xb8;
	[tilespmem:$0x1E800] =	vst v63  }
0x9f: {  	_ =	swait.ge [sflag:s22], $0x2000  }
0xa0: {  	[sflag:s22] =	ssyncset.done $0x0  }
0xa1: {  	s19 =	simm.s32 $0x0;
	s20 =	rddreg [dreg:$0xb];
	[sflag:s22] =	ssyncadd.s32 $0xFFFFE000  }
0xa2: {  	[tilespmem:s19], [sflag:$0x5] =	stream.linear.gather [hbm4b:s20+s19], $0x1400, $0x38;
	[tilespmem:$0x1E800] =	vst v63  }
0xa3: {  	_ =	swait.ge [sflag:s22], $0x1400  }
0xa4: {  	[sflag:s22] =	ssyncset.done $0x0  }
0xa5: {  	s23 =	simm.s32 $0x1400;
	s20 =	rddreg [dreg:$0xc];
	[sflag:s22] =	ssyncadd.s32 $0xFFFFEC00  }
0xa6: {  	[tilespmem:s23], [sflag:$0x5] =	stream.linear.gather [hbm4b:s20+s19], $0x1400, $0x38;
	[tilespmem:$0x1E800] =	vst v63  }
0xa7: {  	_ =	swait.ge [sflag:s22], $0x1400  }
0xa8: {  	[sflag:s22] =	ssyncset.done $0x0  }
0xa9: {  	[sflag:s22] =	ssyncadd.s32 $0xFFFFEC00  }
0xaa: {  	[tilespmem:s25], [sflag:$0x1] =	stream.indirect.gather [hbm4b:s5+s24], $0x80, s19, s24, $0xb8;
	[tilespmem:$0x1E800] =	vst v63  }
0xab: {  	_ = 	snop  }
0xac: {  	[tilespmem:s26], [sflag:$0x2] =	stream.indirect.gather [hbm4b:s5+s24], $0x80, s24, s24, $0xb8;
	[tilespmem:$0x1E800] =	vst v63  }
0xad: {  	_ = 	snop  }
0xae: {  	[tilespmem:s29], [sflag:$0x3] =	stream.indirect.gather [hbm4b:s5+s24], $0x80, s28, s24, $0xb8;
	[tilespmem:$0x1E800] =	vst v63  }
0xaf: {  	_ = 	snop  }
0xb0: {  	[tilespmem:s31], [sflag:$0x4] =	stream.indirect.gather [hbm4b:s5+s24], $0x80, s30, s24, $0xb8;
	[tilespmem:$0x1E800] =	vst v63  }
0xb1: {  	_ =	swait.ge [sflag:s1], $0x2000  }
0xb2: {  	[sflag:s1] =	ssyncset.done $0x0  }
0xb3: {  	s23 =	simm.s32 $0x1400;
	[sflag:s1] =	ssyncadd.s32 $0xFFFFE000  }
0xb4: {  	[spmem:s3] =	stream.indirect.scatter.add.f32 [tilespmem:s25], [sflag:$0x5], $0x80, s23, s24, $0xb8;
	[tilespmem:$0x1E800] =	vst v63  }
0xb5: {  	_ =	swait.ge [sflag:s22], $0x2000  }
0xb6: {  	[sflag:s22] =	ssyncset.done $0x0  }
0xb7: {  	s20 =	simm.s32 $0x100;
	[sflag:s22] =	ssyncadd.s32 $0xFFFFE000  }
0xb8: {  	[tilespmem:s25], [sflag:$0x1] =	stream.indirect.gather [hbm4b:s5+s24], $0x80, s20, s24, $0xb8;
	[tilespmem:$0x1E800] =	vst v63  }
0xb9: {  	_ =	swait.ge [sflag:s0], $0x2000  }
0xba: {  	[sflag:s0] =	ssyncset.done $0x0  }
0xbb: {  	s23 =	simm.s32 $0x1440;
	[sflag:s0] =	ssyncadd.s32 $0xFFFFE000  }
0xbc: {  	[spmem:s3] =	stream.indirect.scatter.add.f32 [tilespmem:s26], [sflag:$0x5], $0x80, s23, s24, $0xb8;
	[tilespmem:$0x1E800] =	vst v63  }
0xbd: {  	_ =	swait.ge [sflag:s22], $0x2000  }
0xbe: {  	[sflag:s22] =	ssyncset.done $0x0  }
0xbf: {  	s20 =	simm.s32 $0x140;
	[sflag:s22] =	ssyncadd.s32 $0xFFFFE000  }
0xc0: {  	[tilespmem:s26], [sflag:$0x2] =	stream.indirect.gather [hbm4b:s5+s24], $0x80, s20, s24, $0xb8;
	[tilespmem:$0x1E800] =	vst v63  }
0xc1: {  	_ =	swait.ge [sflag:s6], $0x2000  }
0xc2: {  	[sflag:s6] =	ssyncset.done $0x0  }
0xc3: {  	s23 =	simm.s32 $0x1480;
	[sflag:s6] =	ssyncadd.s32 $0xFFFFE000  }
0xc4: {  	[spmem:s3] =	stream.indirect.scatter.add.f32 [tilespmem:s29], [sflag:$0x5], $0x80, s23, s24, $0xb8;
	[tilespmem:$0x1E800] =	vst v63  }
0xc5: {  	_ =	swait.ge [sflag:s22], $0x2000  }
0xc6: {  	[sflag:s22] =	ssyncset.done $0x0  }
0xc7: {  	s20 =	simm.s32 $0x180;
	[sflag:s22] =	ssyncadd.s32 $0xFFFFE000  }
0xc8: {  	[tilespmem:s29], [sflag:$0x3] =	stream.indirect.gather [hbm4b:s5+s24], $0x80, s20, s24, $0xb8;
	[tilespmem:$0x1E800] =	vst v63  }
0xc9: {  	_ =	swait.ge [sflag:s8], $0x2000  }
0xca: {  	[sflag:s8] =	ssyncset.done $0x0  }
0xcb: {  	s23 =	simm.s32 $0x14C0;
	[sflag:s8] =	ssyncadd.s32 $0xFFFFE000  }
0xcc: {  	[spmem:s3] =	stream.indirect.scatter.add.f32 [tilespmem:s31], [sflag:$0x5], $0x80, s23, s24, $0xb8;
	[tilespmem:$0x1E800] =	vst v63  }
0xcd: {  	_ =	swait.ge [sflag:s22], $0x2000  }
0xce: {  	[sflag:s22] =	ssyncset.done $0x0  }
0xcf: {  	s19 =	simm.s32 $0x1C0;
	s23 =	simm.s32 $0x400;
	[sflag:s22] =	ssyncadd.s32 $0xFFFFE000  }
.LBB2_4:
0xd0: {  	[tilespmem:s31], [sflag:$0x4] =	stream.indirect.gather [hbm4b:s5+s24], $0x80, s19, s24, $0xb8;
	[tilespmem:$0x1E800] =	vst v63  }
0xd1: {  	s19 =	smov.u32 s23  }
0xd2: {  	p0 =	sne.s32 s23, $0x4800;
	s23 =	sadd.s32 $0x400, s23;
	_ =	swait.ge [sflag:s1], $0x2000  }
0xd3: {  	s19 =	sshra.s32 s19, $0x2;
	[sflag:s1] =	ssyncset.done $0x0  }
0xd4: {  	s20 =	sadd.s32 $0x1400, s19;
	[sflag:s1] =	ssyncadd.s32 $0xFFFFE000  }
0xd5: {  	[spmem:s3] =	stream.indirect.scatter.add.f32 [tilespmem:s25], [sflag:$0x5], $0x80, s20, s24, $0xb8;
	[tilespmem:$0x1E800] =	vst v63  }
0xd6: {  	_ =	swait.ge [sflag:s22], $0x2000  }
0xd7: {  	[sflag:s22] =	ssyncset.done $0x0  }
0xd8: {  	s20 =	sadd.s32 $0x100, s19;
	[sflag:s22] =	ssyncadd.s32 $0xFFFFE000  }
0xd9: {  	[tilespmem:s25], [sflag:$0x1] =	stream.indirect.gather [hbm4b:s5+s24], $0x80, s20, s24, $0xb8;
	[tilespmem:$0x1E800] =	vst v63  }
0xda: {  	_ =	swait.ge [sflag:s0], $0x2000  }
0xdb: {  	[sflag:s0] =	ssyncset.done $0x0  }
0xdc: {  	s20 =	sadd.s32 $0x1440, s19;
	[sflag:s0] =	ssyncadd.s32 $0xFFFFE000  }
0xdd: {  	[spmem:s3] =	stream.indirect.scatter.add.f32 [tilespmem:s26], [sflag:$0x5], $0x80, s20, s24, $0xb8;
	[tilespmem:$0x1E800] =	vst v63  }
0xde: {  	_ =	swait.ge [sflag:s22], $0x2000  }
0xdf: {  	[sflag:s22] =	ssyncset.done $0x0  }
0xe0: {  	s20 =	sadd.s32 $0x140, s19;
	[sflag:s22] =	ssyncadd.s32 $0xFFFFE000  }
0xe1: {  	[tilespmem:s26], [sflag:$0x2] =	stream.indirect.gather [hbm4b:s5+s24], $0x80, s20, s24, $0xb8;
	[tilespmem:$0x1E800] =	vst v63  }
0xe2: {  	_ =	swait.ge [sflag:s6], $0x2000  }
0xe3: {  	[sflag:s6] =	ssyncset.done $0x0  }
0xe4: {  	s20 =	sadd.s32 $0x1480, s19;
	[sflag:s6] =	ssyncadd.s32 $0xFFFFE000  }
0xe5: {  	[spmem:s3] =	stream.indirect.scatter.add.f32 [tilespmem:s29], [sflag:$0x5], $0x80, s20, s24, $0xb8;
	[tilespmem:$0x1E800] =	vst v63  }
0xe6: {  	_ =	swait.ge [sflag:s22], $0x2000  }
0xe7: {  	[sflag:s22] =	ssyncset.done $0x0  }
0xe8: {  	s20 =	sadd.s32 $0x180, s19;
	[sflag:s22] =	ssyncadd.s32 $0xFFFFE000  }
0xe9: {  	[tilespmem:s29], [sflag:$0x3] =	stream.indirect.gather [hbm4b:s5+s24], $0x80, s20, s24, $0xb8;
	[tilespmem:$0x1E800] =	vst v63  }
0xea: {  	_ =	swait.ge [sflag:s8], $0x2000  }
0xeb: {  	[sflag:s8] =	ssyncset.done $0x0  }
.Ltmp1:
0xec: {  	s20 =	sadd.s32 $0x14C0, s19;
	[sflag:s8] =	ssyncadd.s32 $0xFFFFE000;
	(pc) =	sbr.rel @p0 .LBB2_4-.Ltmp1, $4  }
0xed: {  	[spmem:s3] =	stream.indirect.scatter.add.f32 [tilespmem:s31], [sflag:$0x5], $0x80, s20, s24, $0xb8;
	[tilespmem:$0x1E800] =	vst v63  }
0xee: {  	_ =	swait.ge [sflag:s22], $0x2000  }
0xef: {  	[sflag:s22] =	ssyncset.done $0x0  }
0xf0: {  	s19 =	sadd.s32 $0x1C0, s19;
	[sflag:s22] =	ssyncadd.s32 $0xFFFFE000  }
0xf1: {  	[tilespmem:s31], [sflag:$0x4] =	stream.indirect.gather [hbm4b:s5+s24], $0x80, s19, s24, $0xb8;
	[tilespmem:$0x1E800] =	vst v63  }
0xf2: {  	_ =	swait.ge [sflag:s1], $0x2000  }
0xf3: {  	[sflag:s1] =	ssyncset.done $0x0  }
0xf4: {  	[sflag:s1] =	ssyncadd.s32 $0xFFFFE000  }
0xf5: {  	[spmem:s3] =	stream.indirect.scatter.add.f32 [tilespmem:s25], [sflag:$0x5], $0x80, s9, s24, $0xb8;
	[tilespmem:$0x1E800] =	vst v63  }
0xf6: {  	_ =	swait.ge [sflag:s22], $0x2000  }
0xf7: {  	[sflag:s22] =	ssyncset.done $0x0  }
0xf8: {  	[sflag:s22] =	ssyncadd.s32 $0xFFFFE000  }
0xf9: {  	_ =	swait.ge [sflag:s0], $0x2000  }
0xfa: {  	[sflag:s0] =	ssyncset.done $0x0  }
0xfb: {  	[sflag:s0] =	ssyncadd.s32 $0xFFFFE000  }
0xfc: {  	[spmem:s3] =	stream.indirect.scatter.add.f32 [tilespmem:s26], [sflag:$0x5], $0x80, s10, s24, $0xb8;
	[tilespmem:$0x1E800] =	vst v63  }
0xfd: {  	_ =	swait.ge [sflag:s22], $0x2000  }
0xfe: {  	[sflag:s22] =	ssyncset.done $0x0  }
0xff: {  	[sflag:s22] =	ssyncadd.s32 $0xFFFFE000  }
0x100: {  	_ =	swait.ge [sflag:s6], $0x2000  }
0x101: {  	[sflag:s6] =	ssyncset.done $0x0  }
0x102: {  	[sflag:s6] =	ssyncadd.s32 $0xFFFFE000  }
0x103: {  	[spmem:s3] =	stream.indirect.scatter.add.f32 [tilespmem:s29], [sflag:$0x5], $0x80, s11, s24, $0xb8;
	[tilespmem:$0x1E800] =	vst v63  }
0x104: {  	_ =	swait.ge [sflag:s22], $0x2000  }
0x105: {  	[sflag:s22] =	ssyncset.done $0x0  }
0x106: {  	[sflag:s22] =	ssyncadd.s32 $0xFFFFE000  }
0x107: {  	_ =	swait.ge [sflag:s8], $0x2000  }
0x108: {  	[sflag:s8] =	ssyncset.done $0x0  }
0x109: {  	[sflag:s8] =	ssyncadd.s32 $0xFFFFE000  }
0x10a: {  	[spmem:s3] =	stream.indirect.scatter.add.f32 [tilespmem:s31], [sflag:$0x5], $0x80, s12, s24, $0xb8;
	[tilespmem:$0x1E800] =	vst v63  }
0x10b: {  	_ =	swait.ge [sflag:s22], $0x2000  }
0x10c: {  	[sflag:s22] =	ssyncset.done $0x0  }
0x10d: {  	[sflag:s22] =	ssyncadd.s32 $0xFFFFE000  }
0x10e: {  	[bflag:$0x0] =	sbarrier.arrive $0xFFFF  }
0x10f: {  	s20 =	rddreg [dreg:$0xd]  }
0x110: {  	[hbm:s20], [sflag:s7] =	dma.local [spmem:s14], $0x800  }
0x111: {  	_ =	swait.ge [sflag:s22], $0x800  }
0x112: {  	[sflag:s22] =	ssyncset.done $0x0  }
0x113: {  	s23 =	rddreg [dreg:$0xe];
	[sflag:s22] =	ssyncadd.s32 $0xFFFFF800  }
0x114: {  	[hbm:s23], [sflag:s7] =	dma.local [spmem:s15], $0x800  }
0x115: {  	_ =	swait.ge [sflag:s22], $0x800  }
0x116: {  	[sflag:s22] =	ssyncset.done $0x0  }
0x117: {  	s19 =	rddreg [dreg:$0xf];
	[sflag:s22] =	ssyncadd.s32 $0xFFFFF800  }
0x118: {  	[hbm:s19], [sflag:s7] =	dma.local [spmem:s16], $0x800  }
0x119: {  	_ =	swait.ge [sflag:s22], $0x800  }
0x11a: {  	[sflag:s22] =	ssyncset.done $0x0  }
0x11b: {  	s20 =	rddreg [dreg:$0x10];
	[sflag:s22] =	ssyncadd.s32 $0xFFFFF800  }
0x11c: {  	[hbm:s20], [sflag:s7] =	dma.local [spmem:s17], $0x800  }
0x11d: {  	s13 =	sadd.s32 $0x1, s13;
	_ =	swait.ge [sflag:s22], $0x800  }
0x11e: {  	p0 =	sne.s32 s13, s21;
	[sflag:s22] =	ssyncset.done $0x0  }
.Ltmp2:
0x11f: {  	s23 =	rddreg [dreg:$0x11];
	[sflag:s22] =	ssyncadd.s32 $0xFFFFF800;
	(pc) =	sbr.rel @p0 .LBB2_1-.Ltmp2, $4  }
0x120: {  	[hbm:s23], [sflag:s7] =	dma.local [spmem:s18], $0x800  }
0x121: {  	_ =	swait.ge [sflag:s22], $0x800  }
0x122: {  	[sflag:s22] =	ssyncset.done $0x0  }
0x123: {  	[sflag:s22] =	ssyncadd.s32 $0xFFFFF800  }
0x124: {  	_ =	sfence.sel $0x180000  }
0x125: {  	[bflag:$0x0] =	sbarrier.arrive $0xFFFF  }
0x126: {  	_ =	strace $0x9000004D  }
0x127: {  	s0 =	stileid.u32;
	[bflag:$0x2] =	sbarrier.arrive $0xFFFF  }
0x128: {  	p0 =	sne.s32 s0, $0x0;
	s0 =	rddreg [dreg:$0x3]  }
0x129: {  	s0 =	sadd.s32 @!p0 $0x100000, s0  }
0x12a: {  	[sflag:s0] =	ssyncadd.tile.s32 @!p0 $0x1;
	_ =	shalt  }
.Lfunc_end2:
_tile_overlayer_lowered:
.L_overlay_start_2:
0x12b: {  	(tag) =	ssettag $0x2  }
0x12c: {  	s0 =	rddreg [dreg:$0x0];
	s2 =	stileid.u32  }
0x12d: {  	s1 =	rddreg [dreg:$0x1];
	p0 =	sne.s32 s2, $0x0  }
0x12e: {  	s3 =	rddreg [dreg:$0x2];
	[bflag:$0x3] =	sbarrier.arrive $0xFFFF;
	s2 =	simm.s32 @!p0 $0x1C05  }
0x12f: {  	[timem:s3], [sflag:s2] =	dma.local @!p0 [hbm:s0], s1  }
0x130: {  	s0 =	simm.s32 @!p0 $0x5  }
0x131: {  	_ =	swait.ge @!p0 [sflag:s0], s1  }
0x132: {  	s1 =	ssub.s32 @!p0 $0x0, s1;
	[sflag:s0] =	ssyncset.done @!p0 $0x0  }
0x133: {  	[sflag:s0] =	ssyncadd.s32 @!p0 s1  }
0x134: {  	[bflag:$0x3] =	sbarrier.arrive $0xFFFF  }
0x135: {  	_ =	shalt  }

// kernel: kernel.9.cloned.1.call-start
scs
__scs_entry_jumppad:
0x0: {  	(pc) =	sbr.rel $0x88, $3  }
0x1: {  	(tag) =	ssettag $0x0;
	lr =	simm.s32 $0x1  }
0x2: {  	[smem:$0x3F9B] =	sst lr;
	_ =	strace $0xD0000000  }
0x3: {  	_ = 	snop  }
0x4: {  	_ = 	snop  }
0x5: {  	_ = 	snop  }
0x6: {  	_ = 	snop  }
0x7: {  	_ = 	snop  }
__scs_overlays_trampoline_lowered:
0x8: {  	[smem:$0x3FAA] =	sst s0  }
0x9: {  	[smem:$0x3FAB] =	sst s1  }
0xa: {  	[smem:$0x3FAC] =	sst s2  }
0xb: {  	[smem:$0x3FAD] =	sst s3  }
0xc: {  	[smem:$0x3FAE] =	sst s4  }
0xd: {  	[smem:$0x3FAF] =	sst s5  }
0xe: {  	[smem:$0x3FB0] =	sst s6  }
0xf: {  	[smem:$0x3FB1] =	sst s7  }
0x10: {  	[smem:$0x3FB2] =	sst s8  }
0x11: {  	[smem:$0x3FB3] =	sst s9;
	s0 =	simm.s32 @!p0 $0x0  }
0x12: {  	s1 =	sld [smem:$0x3F99];
	s0 =	simm.s32 @p0 $0x1  }
0x13: {  	[smem:$0x3FB4] =	sst s0;
	s0 =	simm.s32 @!p1 $0x0  }
0x14: {  	s2 =	sld [smem:$0x3F98];
	s0 =	simm.s32 @p1 $0x1  }
0x15: {  	[smem:$0x3FB5] =	sst s0;
	s0 =	simm.s32 @!p2 $0x0  }
0x16: {  	s3 =	sld [smem:$0x3FDB];
	s0 =	simm.s32 @p2 $0x1  }
0x17: {  	s4 =	simm.s32 $0x1BF5;
	[smem:$0x3FB7] =	sst s0  }
0x18: {  	s0 =	sld [smem:$0x3F9A];
	_ =	swait.ge [sflag:s4], $0x0  }
0x19: {  	s7 =	sld [smem:$0x3F9B]  }
0x1a: {  	s8 =	sadd.s32 $0xFFFFE003, lr  }
0x1b: {  	s9 =	sadd.s32 $0xFFFFFEF7, lr;
	s5 =	simm.s32 $0xFFFFFFFF;
	p2 =	slt.u32 s8, $0xFFFFF086  }
0x1c: {  	p1 =	slt.u32 s9, $0xF7A;
	s5 =	simm.s32 @!p2 $0x0  }
0x1d: {  	s5 =	simm.s32 @p1 $0x1;
	p0 =	seq.s32 s7, s2  }
0x1e: {  	s7 =	smul.u32 @!p0 $0xF7A, s2;
	p2 =	seq.s32 @!p0 s5, $0x0  }
0x1f: {  	s9 =	smul.u32 $0xF7A, s1;
	s8 =	simm.s32 @!p0 $0x1BF5;
	p2 =	por !p2, p0  }
0x20: {  	[sflag:s8] =	ssyncset.s32 @!p0 $0xFFFFF086;
	s6 =	sadd.s32 @!p0 s3, s7;
	s7 =	simm.s32 @!p0 $0x108  }
0x21: {  	s3 =	sadd.s32 s3, s9;
	s6 =	sadd.s32 @!p0 $0x88, s6;
	s7 =	simm.s32 @p2 $0x1082  }
0x22: {  	[simem:s7], [sflag:s8] =	dma.local @!p0 [hbm:s6], $0xF7A  }
0x23: {  	s9 =	sor.u32 $0xD0000000, s2;
	s6 =	simm.s32 $0x108;
	_ =	swait.ge @!p0 [sflag:s8], $0x0  }
0x24: {  	s3 =	sadd.s32 $0x88, s3;
	s6 =	simm.s32 @!p1 $0x1082;
	[sflag:s4] =	ssyncset.s32 $0xFFFFF086  }
0x25: {  	[simem:s6], [sflag:s4] =	dma.local [hbm:s3], $0xF7A  }
0x26: {  	[smem:$0x3F9B] =	sst s1;
	(tag) =	ssettag s2;
	_ =	strace s9  }
0x27: {  	s1 =	sld [smem:$0x3FAB]  }
0x28: {  	s2 =	sld [smem:$0x3FAC]  }
0x29: {  	s4 =	sld [smem:$0x3FAE]  }
0x2a: {  	p0 =	seq.s32 s5, $0x0;
	s5 =	sld [smem:$0x3FAF]  }
0x2b: {  	s6 =	sld [smem:$0x3FB0]  }
0x2c: {  	s7 =	sld [smem:$0x3FB1]  }
0x2d: {  	s3 =	simm.s32 $0x108;
	s8 =	sld [smem:$0x3FB2]  }
0x2e: {  	s3 =	simm.s32 @!p0 $0x1082;
	s9 =	sld [smem:$0x3FB3]  }
0x2f: {  	lr =	sadd.s32 s0, s3;
	s0 =	sld [smem:$0x3FAA]  }
0x30: {  	s3 =	sld [smem:$0x3FAD]  }
0x31: {  	[smem:$0x3FB6] =	sst s10  }
0x32: {  	s10 =	sld [smem:$0x3FB4];
	_ =	sdelay $0x3  }
0x33: {  	p0 =	seq.s32 s10, $0x1;
	s10 =	sld [smem:$0x3FB6];
	_ =	sdelay $0x3  }
0x34: {  	[smem:$0x3FB6] =	sst s10  }
0x35: {  	s10 =	sld [smem:$0x3FB5];
	_ =	sdelay $0x3  }
0x36: {  	p1 =	seq.s32 s10, $0x1;
	s10 =	sld [smem:$0x3FB6];
	_ =	sdelay $0x3  }
0x37: {  	[smem:$0x3FB6] =	sst s10  }
0x38: {  	s10 =	sld [smem:$0x3FB7]  }
0x39: {  	_ = 	snop;
	(pc) =	sbr.ind lr, $3  }
0x3a: {  	_ = 	snop  }
0x3b: {  	_ = 	snop  }
0x3c: {  	p2 =	seq.s32 s10, $0x1;
	s10 =	sld [smem:$0x3FB6]  }
0x3d: {  	_ =	shalt  }
0x3e: {  	_ =	shalt  }
0x3f: {  	_ =	shalt  }
0x40: {  	_ =	shalt  }
0x41: {  	_ =	shalt  }
0x42: {  	_ =	shalt  }
0x43: {  	_ =	shalt  }
0x44: {  	_ =	shalt  }
0x45: {  	_ =	shalt  }
0x46: {  	_ =	shalt  }
0x47: {  	_ =	shalt  }
0x48: {  	_ =	shalt  }
0x49: {  	_ =	shalt  }
0x4a: {  	_ =	shalt  }
0x4b: {  	_ =	shalt  }
0x4c: {  	_ =	shalt  }
0x4d: {  	_ =	shalt  }
0x4e: {  	_ =	shalt  }
0x4f: {  	_ =	shalt  }
0x50: {  	_ =	shalt  }
0x51: {  	_ =	shalt  }
0x52: {  	_ =	shalt  }
0x53: {  	_ =	shalt  }
0x54: {  	_ =	shalt  }
0x55: {  	_ =	shalt  }
0x56: {  	_ =	shalt  }
0x57: {  	_ =	shalt  }
0x58: {  	_ =	shalt  }
0x59: {  	_ =	shalt  }
0x5a: {  	_ =	shalt  }
0x5b: {  	_ =	shalt  }
0x5c: {  	_ =	shalt  }
0x5d: {  	_ =	shalt  }
0x5e: {  	_ =	shalt  }
0x5f: {  	_ =	shalt  }
0x60: {  	_ =	shalt  }
0x61: {  	_ =	shalt  }
0x62: {  	_ =	shalt  }
0x63: {  	_ =	shalt  }
0x64: {  	_ =	shalt  }
0x65: {  	_ =	shalt  }
0x66: {  	_ =	shalt  }
0x67: {  	_ =	shalt  }
0x68: {  	_ =	shalt  }
0x69: {  	_ =	shalt  }
0x6a: {  	_ =	shalt  }
0x6b: {  	_ =	shalt  }
0x6c: {  	_ =	shalt  }
0x6d: {  	_ =	shalt  }
0x6e: {  	_ =	shalt  }
0x6f: {  	_ =	shalt  }
0x70: {  	_ =	shalt  }
0x71: {  	_ =	shalt  }
0x72: {  	_ =	shalt  }
0x73: {  	_ =	shalt  }
0x74: {  	_ =	shalt  }
0x75: {  	_ =	shalt  }
0x76: {  	_ =	shalt  }
0x77: {  	_ =	shalt  }
0x78: {  	_ =	shalt  }
0x79: {  	_ =	shalt  }
0x7a: {  	_ =	shalt  }
0x7b: {  	_ =	shalt  }
0x7c: {  	_ =	shalt  }
0x7d: {  	_ =	shalt  }
0x7e: {  	_ =	shalt  }
0x7f: {  	_ =	shalt  }
0x80: {  	_ =	shalt  }
0x81: {  	_ =	shalt  }
0x82: {  	_ =	shalt  }
0x83: {  	_ =	shalt  }
0x84: {  	_ =	shalt  }
0x85: {  	_ =	shalt  }
0x86: {  	_ =	shalt  }
0x87: {  	_ =	shalt  }
.Lfunc_end0:
.L_simem_size_0:
called_computation_lowered:
.L_overlay_start_0:
0x88: {  	s2 =	sld [smem:$0x3FD9]  }
0x89: {  	s3 =	sld [smem:$0x3FFE];
	_ =	sdelay $0x1  }
0x8a: {  	s1 =	srdreg.scid  }
0x8b: {  	s0 =	sand.u32 $0x1, s1  }
0x8c: {  	s17 =	sshll.u32 s0, $0xA;
	s2 =	sadd.s32 s3, s2  }
0x8d: {  	s2 =	sadd.s32 s2, s17  }
0x8e: {  	[smem:$0x3FC2] =	sst s2  }
0x8f: {  	_ = 	snop  }
0x90: {  	s2 =	sld [smem:$0x3FD0];
	(tm) =	ssettm $0x1  }
0x91: {  	s18 =	sld [smem:$0x3FFB];
	_ =	sdelay $0x3  }
0x92: {  	_ =	strace s18  }
0x93: {  	s3 =	sld [smem:$0x3FFC];
	_ =	sdelay $0x3  }
0x94: {  	_ =	strace s3  }
0x95: {  	s3 =	sld [smem:$0x3FFD];
	_ =	sdelay $0x3  }
0x96: {  	_ =	strace s3  }
0x97: {  	_ =	strace $0x8FFFFFFF  }
0x98: {  	s19 =	sld [smem:$0x3FDB];
	_ =	sdelay $0x1  }
0x99: {  	s4 =	simm.s32 $_scs_section_size  }
0x9a: {  	s5 =	simm.s32 $_size__tile_overlayer_lowered;
	s6 =	simm.s32 $_tile_overlayer_lowered  }
0x9b: {  	s22 =	simm.s32 $0x1BFF;
	s21 =	sshll.u32 s6, $0x1;
	s3 =	sadd.s32 s4, s19  }
0x9c: {  	s7 =	simm.s32 $0x0;
	s20 =	sshll.u32 s5, $0x1;
	s5 =	sadd.s32 s21, s3  }
0x9d: {  	[timem:s7], [sflag:s22] =	dma.local [hbm:s5], s20  }
0x9e: {  	_ =	swait.ge [sflag:s22], s20  }
0x9f: {  	s4 =	ssub.s32 $0x0, s20;
	[sflag:s22] =	ssyncset.done $0x0  }
0xa0: {  	[sflag:s22] =	ssyncadd.s32 s4;
	_ =	sdelay $0x1  }
0xa1: {  	s23 =	simm.s32 $0x1B8B  }
0xa2: {  	_ =	swait.ge [sflag:s23], $0x1  }
0xa3: {  	[sflag:s23] =	ssyncset.done $0x0  }
0xa4: {  	s25 =	simm.s32 $0x1B8E;
	s24 =	sld [smem:$0x3FFE];
	[sflag:s23] =	ssyncadd.s32 $0xFFFFFFFF  }
0xa5: {  	s26 =	simm.s32 $execute0_lowered;
	[smem:$0x3FD2] =	sst s25  }
0xa6: {  	s5 =	sshll.u32 s26, $0x1;
	_ =	strace $0x80000046;
	[dreg:$0x1] =	wrdreg $0xFFFFFFFF  }
0xa7: {  	s28 =	simm.s32 $_size_execute0_lowered;
	s3 =	sadd.s32 s3, s5;
	[dreg:$0x0] =	wrdreg $0x0  }
0xa8: {  	s5 =	sshll.u32 s28, $0x1;
	[dreg:$0x2] =	wrdreg s3  }
0xa9: {  	[dreg:$0x3] =	wrdreg s5  }
0xaa: {  	[dreg:$0x4] =	wrdreg $0xC0  }
0xab: {  	_ =	task [dreg:s7], $0x5FFFF  }
0xac: {  	[dreg:$0x1] =	wrdreg $0xFFFFFFFF  }
0xad: {  	[dreg:$0x0] =	wrdreg $0x60  }
0xae: {  	[dreg:$0x2] =	wrdreg s24  }
0xaf: {  	[dreg:$0x3] =	wrdreg s2  }
0xb0: {  	[dreg:$0x4] =	wrdreg $0x28800  }
0xb1: {  	[dreg:$0x5] =	wrdreg $0x9  }
0xb2: {  	_ =	task.clear_ibuf [dreg:s7], $0x6FFFF;
	_ =	strace $0x90000046  }
0xb3: {  	s29 =	simm.s32 $0x9;
	_ =	strace $0x80000048  }
0xb4: {  	_ =	swait.ge [sflag:s29], $0x1  }
0xb5: {  	[sflag:s29] =	ssyncadd.s32 $0xFFFFFFFF  }
0xb6: {  	_ =	strace $0x90000048  }
0xb7: {  	_ =	sfence  }
0xb8: {  	s30 =	sld [smem:$0x0];
	_ =	sdelay $0x2  }
0xb9: {  	s31 =	sshll.u32 s1, $0xD;
	s1 =	sshrl.u32 s1, $0x2  }
0xba: {  	s3 =	sand.u32 $0x4000, s31;
	s1 =	sadd.s32 s1, s30  }
0xbb: {  	s0 =	sor.u32 s3, s0;
	s1 =	sshll.u32 s1, $0x11  }
0xbc: {  	s0 =	sor.u32 s1, s0  }
0xbd: {  	s0 =	sadd.s32 $0x8F2B, s0  }
0xbe: {  	[sflag:s0] =	ssyncadd.remote.s32 $0x1  }
0xbf: {  	_ =	sfence.sel $0xFFFF  }
0xc0: {  	[dreg:$0x0] =	wrdreg $0xFFFFFFFF;
	(pc) =	sbr.abs _section_cstart, $3  }
0xc1: {  	[dreg:$0x1] =	wrdreg $0xFFFFFFFF  }
0xc2: {  	_ =	task.clear_ibuf [dreg:s7], $0x2FFFF;
	_ =	strace $0x9FFFFFFF  }
0xc3: {  	(tm) =	ssettm $0x7FFFFFFF  }
tec
execute0_lowered:
.L_overlay_start_1:
0x0: {  	(tag) =	ssettag $0x1  }
0x1: {  	s6 =	rddreg [dreg:$0x0]  }
0x2: {  	s8 =	rddreg [dreg:$0x1]  }
0x3: {  	s1 =	rddreg [dreg:$0x2]  }
0x4: {  	s0 =	rddreg [dreg:$0x3];
	s3 =	simm.s32 $0x0;
	s5 =	srdreg.scid  }
0x5: {  	s2 =	stileid.u32;
	s14 =	simm.s32 $0x20;
	s15 =	simm.s32 $0x10  }
0x6: {  	s16 =	simm.s32 $0x0;
	[smem:$0x7FF] =	sst s3;
	s4 =	sadd.s32 $0x17000, s6  }
0x7: {  	s7 =	sand.u32 $0x1, s5;
	s29 =	sshll.u32 s2, $0x1;
	s10 =	smul.u32 $0xA00, s2  }
0x8: {  	s5 =	sadd.s32 $0x17200, s6;
	s30 =	smul.u32 $0x500, s2;
	s13 =	sshll.u32 s2, $0x6  }
0x9: {  	_ =	strace $0x80000047;
	s9 =	ssub.s32 $0x2, s7;
	s11 =	sor.u32 s7, s29  }
0xa: {  	s7 =	sshll.u32 s7, $0x7;
	s12 =	sshrl.u32 s9, $0x1;
	s11 =	smul.u32 $0x2800, s11  }
0xb: {  	s10 =	sshrl.u32 s10, $0x2;
	s9 =	ssub.s32 s9, s12;
	s12 =	sor.u32 s7, s30  }
0xc: {  	s10 =	sadd.s32 s10, s1;
	s11 =	sshrl.u32 s11, $0x3;
	s31 =	sshrl.u32 s12, $0x3  }
0xd: {  	s9 =	smax.u32 s9, $0x1;
	s10 =	sshrl.u32 s10, $0x3;
	s12 =	simm.s32 $0x2800  }
0xe: {  	s11 =	sadd.s32 s6, s11;
	s6 =	sor.u32 $0x1C01, s13;
	s8 =	sadd.s32 s8, s31  }
0xf: {  	s13 =	simm.s32 $0x80;
	s7 =	sadd.s32 $0xD000, s11;
	s11 =	simm.s32 $0x1  }
.LBB2_1:
0x10: {  	[spmem:s10], [sflag:s6] =	dma.local [hbm:s5], $0x50  }
0x11: {  	_ =	swait.ge [sflag:s11], $0x50  }
0x12: {  	[sflag:s11] =	ssyncset.done $0x0  }
0x13: {  	[sflag:s11] =	ssyncadd.s32 $0xFFFFFFB0  }
0x14: {  	[tilespmem:s3], [sflag:$0x1] =	stream.linear.gather [hbm4b:s7+s3], $0x2800, $0x38;
	[tilespmem:$0x2B00] =	vst v63  }
0x15: {  	_ =	swait.ge [sflag:s11], $0x2800  }
0x16: {  	[sflag:s11] =	ssyncset.done $0x0  }
0x17: {  	[sflag:s11] =	ssyncadd.s32 $0xFFFFD800  }
0x18: {  	[tilespmem:s12], [sflag:$0x1] =	stream.linear.gather [hbm4b:s4+s3], $0x80, $0x38;
	[tilespmem:$0x2B00] =	vst v63  }
0x19: {  	_ =	swait.ge [sflag:s11], $0x80  }
0x1a: {  	[sflag:s11] =	ssyncset.done $0x0  }
0x1b: {  	[sflag:s11] =	ssyncadd.s32 $0xFFFFFF80  }
0x1c: {  	s17 =	simm.s32 $0x0;
	[bflag:$0x0] =	sbarrier.arrive $0xFFFF  }
0x1d: {  	[spmem:s1] =	stream.indirect.scatter.add.f32 [tilespmem:s12], [sflag:$0x1], $0x1, s17, s13, $0xb8;
	[tilespmem:$0x2B00] =	vst v63  }
0x1e: {  	_ =	swait.ge [sflag:s11], $0x80  }
0x1f: {  	s17 =	simm.s32 $0x200;
	[sflag:s11] =	ssyncset.done $0x0  }
.LBB2_2:
0x20: {  	s18 =	sshra.s32 s17, $0x2;
	[sflag:s11] =	ssyncadd.s32 $0xFFFFFF80;
	p0 =	sne.s32 s17, $0x9E00  }
0x21: {  	[spmem:s1] =	stream.indirect.scatter.add.f32 [tilespmem:s12], [sflag:$0x1], $0x1, s18, s13, $0xb8;
	[tilespmem:$0x2B00] =	vst v63  }
.Ltmp0:
0x22: {  	_ = 	snop;
	(pc) =	sbr.rel @p0 .LBB2_2-.Ltmp0, $4  }
0x23: {  	_ = 	snop  }
0x24: {  	s17 =	sadd.s32 $0x200, s17  }
0x25: {  	_ =	swait.ge [sflag:s11], $0x80  }
0x26: {  	[sflag:s11] =	ssyncset.done $0x0  }
0x27: {  	s16 =	sadd.s32 $0x1, s16  }
0x28: {  	[sflag:s11] =	ssyncadd.s32 $0xFFFFFF80;
	p0 =	sne.s32 s16, s9  }
.Ltmp1:
0x29: {  	[bflag:$0x0] =	sbarrier.arrive $0xFFFF;
	(pc) =	sbr.rel @p0 .LBB2_1-.Ltmp1, $4  }
0x2a: {  	[hbm:s8@s14], [sflag:s6] =	dma.strided [spmem:s10@s15], $0x50, s11, $0x10   }
0x2b: {  	_ =	swait.ge [sflag:s11], $0x50  }
0x2c: {  	[sflag:s11] =	ssyncset.done $0x0  }
0x2d: {  	[sflag:s11] =	ssyncadd.s32 $0xFFFFFFB0  }
0x2e: {  	_ =	sfence.sel $0x180000  }
0x2f: {  	[bflag:$0x0] =	sbarrier.arrive $0xFFFF  }
0x30: {  	p0 =	sne.s32 s2, $0x0;
	_ =	strace $0x90000047  }
0x31: {  	s0 =	sadd.s32 @!p0 $0x100000, s0;
	[bflag:$0x2] =	sbarrier.arrive $0xFFFF  }
0x32: {  	[sflag:s0] =	ssyncadd.tile.s32 @!p0 $0x1;
	_ =	shalt  }
.Lfunc_end2:
_tile_overlayer_lowered:
.L_overlay_start_2:
0x33: {  	(tag) =	ssettag $0x2  }
0x34: {  	s0 =	rddreg [dreg:$0x0];
	s2 =	stileid.u32  }
0x35: {  	s1 =	rddreg [dreg:$0x1];
	p0 =	sne.s32 s2, $0x0  }
0x36: {  	s3 =	rddreg [dreg:$0x2];
	[bflag:$0x3] =	sbarrier.arrive $0xFFFF;
	s2 =	simm.s32 @!p0 $0x1C01  }
0x37: {  	[timem:s3], [sflag:s2] =	dma.local @!p0 [hbm:s0], s1  }
0x38: {  	s0 =	simm.s32 @!p0 $0x1  }
0x39: {  	_ =	swait.ge @!p0 [sflag:s0], s1  }
0x3a: {  	s1 =	ssub.s32 @!p0 $0x0, s1;
	[sflag:s0] =	ssyncset.done @!p0 $0x0  }
0x3b: {  	[sflag:s0] =	ssyncadd.s32 @!p0 s1  }
0x3c: {  	[bflag:$0x3] =	sbarrier.arrive $0xFFFF  }
0x3d: {  	_ =	shalt  }

</sc_bundles>
